<compile_context>
chip_gen: v7x
topology: tpu7x:2x2x1
jax: 0.10.2.dev20260603
libtpu: 0.0.44.dev20260713+nightly
codegen_flags: <defaults>
</compile_context>

<pallas_src>
import jax
import jax.numpy as jnp
from jax import lax
from jax.experimental import pallas as pl
from jax.experimental.pallas import tpu as pltpu
from jax.experimental.pallas import tpu_sc as plsc

N_NODES = 10000
E_EDGES = 160000
FEAT = 128
WIN = 2048
KT2 = 1000
NT2 = 1000
KB2 = N_NODES // KT2
NB2 = N_NODES // NT2

EPT = E_EDGES // 16
NVEC = EPT // 16
CBUF = EPT + 368
CCHUNK = 128
AGG_ROWS = 2064
HISTW = 2064


def _sc_mesh():
    return plsc.VectorSubcoreMesh(core_axis_name="c", subcore_axis_name="s")


def _deg_body(e0_hbm, e1_hbm, out_hbm, src_v, hist_v):
    c = lax.axis_index("c")
    s = lax.axis_index("s")

    @pl.when(c == 0)
    def _():
        pltpu.sync_copy(e0_hbm.at[pl.ds(s * EPT, EPT)], src_v)

    @pl.when(c == 1)
    def _():
        pltpu.sync_copy(e1_hbm.at[pl.ds(s * EPT, EPT)], src_v)
    zeros = jnp.zeros((16,), jnp.float32)
    ones = jnp.ones((16,), jnp.float32)

    def zbody(i, _):
        hist_v[pl.ds(i * 16, 16)] = zeros
        return 0

    lax.fori_loop(0, N_NODES // 16, zbody, 0, unroll=8)

    def body(i, _):
        idx = src_v[pl.ds(i * 16, 16)]
        plsc.addupdate_scatter(hist_v, [idx], ones)
        return 0

    lax.fori_loop(0, NVEC, body, 0, unroll=4)
    pltpu.sync_copy(hist_v, out_hbm.at[pl.ds((c * 16 + s) * N_NODES, N_NODES)])


def _deg_call(e0, e1):
    f = pl.kernel(
        _deg_body,
        mesh=_sc_mesh(),
        compiler_params=pltpu.CompilerParams(needs_layout_passes=False),
        out_type=jax.ShapeDtypeStruct((2 * 16 * N_NODES,), jnp.float32),
        scratch_types=[
            pltpu.VMEM((EPT,), jnp.int32),
            pltpu.VMEM((N_NODES,), jnp.float32),
        ],
    )
    return f(e0, e1)


def _agg_body(e0_hbm, e1_hbm, g0_hbm, g1_hbm, leftv_hbm, agg_out, hist_out,
              src_v, dst_v, csrc, cdw, rows_a, rows_b, rows_c, histw,
              leftv_v, agg_sp, agg_sp2, sem_g0, sem_g1, sem_g2, sem_s0,
              sem_s1, sem_s2):
    c = lax.axis_index("c")
    s = lax.axis_index("s")

    @pl.when(c == 0)
    def _():
        pltpu.sync_copy(e0_hbm.at[pl.ds(s * EPT, EPT)], src_v)
        pltpu.sync_copy(e0_hbm.at[pl.ds(E_EDGES + s * EPT, EPT)], dst_v)

    @pl.when(c == 1)
    def _():
        pltpu.sync_copy(e1_hbm.at[pl.ds(s * EPT, EPT)], src_v)
        pltpu.sync_copy(e1_hbm.at[pl.ds(E_EDGES + s * EPT, EPT)], dst_v)

    pltpu.sync_copy(leftv_hbm, leftv_v)
    left16 = leftv_v[...]

    zf = jnp.zeros((16,), jnp.float32)
    onesf = jnp.ones((16,), jnp.float32)

    def zr(i, _):
        rows_a[i >> 3, pl.ds((i & 7) * 16, 16)] = zf
        return 0

    lax.fori_loop(0, CCHUNK * FEAT // 16, zr, 0, unroll=8)

    def zh(i, _):
        histw[pl.ds(i * 16, 16)] = zf
        return 0

    lax.fori_loop(0, HISTW // 16, zh, 0, unroll=8)

    pltpu.sync_copy(rows_a.at[pl.ds(0, 128)], agg_sp.at[pl.ds(s * 129, 128)])
    pltpu.sync_copy(rows_a.at[pl.ds(0, 1)], agg_sp.at[pl.ds(s * 129 + 128, 1)])
    pltpu.sync_copy(rows_a.at[pl.ds(0, 128)], agg_sp2.at[pl.ds(s * 129, 128)])
    pltpu.sync_copy(rows_a.at[pl.ds(0, 1)],
                    agg_sp2.at[pl.ds(s * 129 + 128, 1)])
    plsc.subcore_barrier()

    def cbody(i, off):
        s16 = src_v[pl.ds(i * 16, 16)]
        d16 = dst_v[pl.ds(i * 16, 16)]
        dw = d16 - left16
        m = (dw >= 0) & (dw < WIN)
        dwc = jnp.where(m, dw, WIN)
        plsc.store_compressed(csrc.at[pl.ds(off, 16)], s16, mask=m)
        plsc.store_compressed(cdw.at[pl.ds(off, 16)], dwc, mask=m)
        return off + jnp.sum(m.astype(jnp.int32))

    off = lax.fori_loop(0, NVEC, cbody, jnp.int32(0), unroll=4)

    z16i = jnp.zeros((16,), jnp.int32)
    dummy16 = jnp.full((16,), WIN, jnp.int32)
    for t in range(CCHUNK // 16):
        csrc[pl.ds(off + t * 16, 16)] = z16i
        cdw[pl.ds(off + t * 16, 16)] = dummy16

    def hbody(i, _):
        plsc.addupdate_scatter(histw, [cdw[pl.ds(i * 16, 16)]], onesf)
        return 0

    lax.fori_loop(0, (off + 15) // 16, hbody, 0)

    nchunks = (off + CCHUNK - 1) // CCHUNK

    bufs = [rows_a, rows_b, rows_c]
    gsems = [sem_g0, sem_g1, sem_g2]
    ssems = [sem_s0, sem_s1, sem_s2]

    def issue_gather(k, buf, sem):
        idxs = csrc.at[pl.ds(k * CCHUNK, CCHUNK)]

        @pl.when(c == 0)
        def _():
            pltpu.async_copy(g0_hbm.at[idxs], buf, sem)

        @pl.when(c == 1)
        def _():
            pltpu.async_copy(g1_hbm.at[idxs], buf, sem)

    def wait_gather(buf, sem):
        pltpu.make_async_copy(g0_hbm.at[pl.ds(0, CCHUNK)], buf, sem).wait()

    def issue_scatters(k, buf, sem):
        for j in range(CCHUNK // 16):
            dwv = cdw[pl.ds(k * CCHUNK + j * 16, 16)]
            pltpu.async_copy(buf.at[pl.ds(j * 16, 16)], agg_sp.at[dwv],
                             sem, add=True)

    def drain_scatters(buf, sem):
        pltpu.make_async_copy(g0_hbm.at[pl.ds(0, CCHUNK)], buf, sem).wait()

    @pl.when(nchunks > 0)
    def _():
        issue_gather(0, bufs[0], gsems[0])

    @pl.when(nchunks > 1)
    def _():
        issue_gather(1, bufs[1], gsems[1])

    def gbody(k, _):
        m = k % 3
        for mm in range(3):
            @pl.when(m == mm)
            def _(mm=mm):
                nb = (mm + 2) % 3
                wait_gather(bufs[mm], gsems[mm])

                @pl.when(k >= 1)
                def _():
                    drain_scatters(bufs[nb], ssems[nb])

                @pl.when(k + 2 < nchunks)
                def _():
                    issue_gather(k + 2, bufs[nb], gsems[nb])

                issue_scatters(k, bufs[mm], ssems[mm])

        return 0

    lax.fori_loop(0, nchunks, gbody, 0)

    for mm in range(3):
        @pl.when((nchunks >= 1) & ((nchunks - 1) % 3 == mm))
        def _(mm=mm):
            drain_scatters(bufs[mm], ssems[mm])

    plsc.subcore_barrier()

    pltpu.sync_copy(agg_sp.at[pl.ds(s * 128, 128)],
                    agg_out.at[pl.ds((c * 2 + 0) * WIN + s * 128, 128)])
    pltpu.sync_copy(agg_sp2.at[pl.ds(s * 128, 128)],
                    agg_out.at[pl.ds((c * 2 + 1) * WIN + s * 128, 128)])
    pltpu.sync_copy(histw, hist_out.at[pl.ds((c * 16 + s) * HISTW, HISTW)])


def _agg_call(e0, e1, g0, g1, leftv):
    f = pl.kernel(
        _agg_body,
        mesh=_sc_mesh(),
        compiler_params=pltpu.CompilerParams(needs_layout_passes=False),
        out_type=[
            jax.ShapeDtypeStruct((4 * WIN, FEAT), jnp.float32),
            jax.ShapeDtypeStruct((2 * 16 * HISTW,), jnp.float32),
        ],
        scratch_types=[
            pltpu.VMEM((EPT,), jnp.int32),
            pltpu.VMEM((EPT,), jnp.int32),
            pltpu.VMEM((CBUF,), jnp.int32),
            pltpu.VMEM((CBUF,), jnp.int32),
            pltpu.VMEM((CCHUNK, FEAT), jnp.float32),
            pltpu.VMEM((CCHUNK, FEAT), jnp.float32),
            pltpu.VMEM((CCHUNK, FEAT), jnp.float32),
            pltpu.VMEM((HISTW,), jnp.float32),
            pltpu.VMEM((16,), jnp.int32),
            pltpu.VMEM_SHARED((AGG_ROWS, FEAT), jnp.float32),
            pltpu.VMEM_SHARED((AGG_ROWS, FEAT), jnp.float32),
            pltpu.SemaphoreType.DMA,
            pltpu.SemaphoreType.DMA,
            pltpu.SemaphoreType.DMA,
            pltpu.SemaphoreType.DMA,
            pltpu.SemaphoreType.DMA,
            pltpu.SemaphoreType.DMA,
        ],
    )
    return f(e0, e1, g0, g1, leftv)


def _acc_body(adjT, w1a, acc_ref):
    j = pl.program_id(0)

    @pl.when(j == 0)
    def _():
        acc_ref[...] = jnp.zeros_like(acc_ref)

    acc_ref[...] += lax.dot_general(
        adjT[...], w1a[...], (((0,), (0,)), ((), ())),
        preferred_element_type=jnp.float32)


def _acc_call(AdjT, W1):
    kmap = lambda j: (j, 0)
    return pl.pallas_call(
        _acc_body,
        grid=(KB2,),
        in_specs=[
            pl.BlockSpec((KT2, WIN), kmap),
            pl.BlockSpec((KT2, FEAT), kmap),
        ],
        out_specs=pl.BlockSpec((WIN, FEAT), lambda j: (0, 0)),
        out_shape=jax.ShapeDtypeStruct((WIN, FEAT), jnp.float32),
        compiler_params=pltpu.CompilerParams(
            fuse_transposed_lhs_in_matmul=True),
    )(AdjT, W1)


def _mlp_body(aD, aT, WD, WT, bs, acc, w1b, b1, w2, b2, w3T, b3T,
              fake_ref, outT_ref, x2s):
    j = pl.program_id(0)

    @pl.when(j == 0)
    def _():
        ow = (jnp.dot(aD[...], WD[...], preferred_element_type=jnp.float32)
              + jnp.dot(aT[...], WT[...], preferred_element_type=jnp.float32)
              + bs[...])
        l1 = jnp.clip(jnp.sum(jnp.abs(ow), axis=1, keepdims=True), 1e-12,
                      None)
        fk = ow / l1
        fake_ref[...] = fk
        x1 = jnp.maximum(
            acc[...]
            + jnp.dot(fk, w1b[...], preferred_element_type=jnp.float32)
            + b1[...], 0.0)
        x2s[...] = jnp.maximum(
            jnp.dot(x1, w2[...], preferred_element_type=jnp.float32)
            + b2[...], 0.0)

    outT_ref[...] = jax.nn.sigmoid(
        lax.dot_general(w3T[...], x2s[...], (((1,), (1,)), ((), ())),
                        preferred_element_type=jnp.float32)
        + b3T[...])


def _mlp_call(aD, aT, WD, WT, bs, acc, W1b, b1, W2, b2, W3T, b3T):
    full = lambda shape: pl.BlockSpec(shape, lambda j: (0,) * len(shape))
    nmap = lambda j: (j, 0)
    return pl.pallas_call(
        _mlp_body,
        grid=(NB2,),
        in_specs=[
            full((WIN, FEAT)), full((WIN, FEAT)),
            full((FEAT, FEAT)), full((FEAT, FEAT)),
            full((1, FEAT)),
            full((WIN, FEAT)),
            full((FEAT, FEAT)),
            full((1, FEAT)),
            full((FEAT, 64)),
            full((1, 64)),
            pl.BlockSpec((NT2, 64), nmap),
            pl.BlockSpec((NT2, 1), nmap),
        ],
        out_specs=[
            full((WIN, FEAT)),
            pl.BlockSpec((NT2, WIN), nmap),
        ],
        out_shape=[
            jax.ShapeDtypeStruct((WIN, FEAT), jnp.float32),
            jax.ShapeDtypeStruct((N_NODES, WIN), jnp.float32),
        ],
        scratch_shapes=[
            pltpu.VMEM((WIN, 64), jnp.float32),
        ],
    )(aD, aT, WD, WT, bs, acc, W1b, b1, W2, b2, W3T, b3T)


def kernel(h_mirna, h_disease, h_target, eidx_MvsD, eidx_DvsM, eidx_MvsT,
           eidx_TvsM, eidx_TvsD, eidx_DvsT, W_MvsD, b_MvsD, W_DvsM, b_DvsM,
           W_MvsT, b_MvsT, W_TvsM, b_TvsM, W_TvsD, b_TvsD, W_DvsT, b_DvsT,
           Adj, W1, b1, W2, b2, W3, b3, size, leftIndex):
    left = jnp.asarray(leftIndex, jnp.int32)

    e0 = eidx_DvsM.reshape(-1)
    e1 = eidx_TvsM.reshape(-1)
    deg = _deg_call(e0, e1).reshape(2, 16, N_NODES).sum(axis=1)
    ns = lax.rsqrt(jnp.clip(deg, 1.0, None))
    g0 = h_disease * ns[0][:, None]
    g1 = h_target * ns[1][:, None]

    leftv = jnp.full((16,), left, jnp.int32)
    agg, histp = _agg_call(e0, e1, g0, g1, leftv)
    agg = agg.reshape(2, 2, WIN, FEAT).sum(axis=1)
    hist = histp.reshape(2, 16, HISTW).sum(axis=1)[:, :WIN]
    nd = lax.rsqrt(jnp.clip(hist, 1.0, None))
    aD = agg[0] * nd[0][:, None]
    aT = agg[1] * nd[1][:, None]
    bsum = (b_DvsM + b_TvsM).reshape(1, FEAT)
    W1b = W1[N_NODES:]
    acc = _acc_call(Adj.T, W1)
    fake, outT = _mlp_call(aD, aT, W_DvsM, W_TvsM, bsum, acc, W1b,
                           b1.reshape(1, -1), W2, b2.reshape(1, -1), W3.T,
                           b3.reshape(-1, 1))
    return (fake, outT.T)

# --- scband reference (transcript-rebuilt; emitter-appended) ---
"""Pipeline reference for scband-simple-generator-40149354283201 (READ-ONLY COPY).

The authoritative reference and input builder live on the scoring server;
editing this copy changes nothing except your own understanding.
"""

import jax, jax.numpy as jnp
import numpy as np

N_M = 10000; N_D = 10000; N_T = 10000; E = 160000
FEAT = 128; OUT = 128; ITEM = 10000; SIZE = 2048; LEFT = 1000
REL = ["MvsD", "DvsM", "MvsT", "TvsM", "TvsD", "DvsT"]


def setup_inputs(seed: int = 0):
    key = jax.random.key(seed)
    ks = jax.random.split(key, 40)
    inp = {}
    inp["h_mirna"] = jax.random.normal(ks[0], (N_M, FEAT), jnp.float32)
    inp["h_disease"] = jax.random.normal(ks[1], (N_D, FEAT), jnp.float32)
    inp["h_target"] = jax.random.normal(ks[2], (N_T, FEAT), jnp.float32)
    for i, r in enumerate(REL):
        inp["eidx_" + r] = jax.random.randint(ks[3 + i], (2, E), 0, N_M, dtype=jnp.int32)
    for i, r in enumerate(REL):
        inp["W_" + r] = jax.random.normal(ks[9 + i], (FEAT, OUT), jnp.float32) * 0.05
        inp["b_" + r] = jnp.zeros((OUT,), jnp.float32)
    inp["Adj"] = jax.random.uniform(ks[20], (SIZE, ITEM), jnp.float32)
    inp["W1"] = jax.random.normal(ks[21], (ITEM + OUT, 128), jnp.float32) * 0.02
    inp["b1"] = jnp.zeros((128,), jnp.float32)
    inp["W2"] = jax.random.normal(ks[22], (128, 64), jnp.float32) * 0.05
    inp["b2"] = jnp.zeros((64,), jnp.float32)
    inp["W3"] = jax.random.normal(ks[23], (64, ITEM), jnp.float32) * 0.05
    inp["b3"] = jnp.zeros((ITEM,), jnp.float32)
    inp["size"] = SIZE
    inp["leftIndex"] = LEFT
    return inp


def _graph_conv(x_src, eidx, n_src, n_dst, W, b):
    # dgl.nn.GraphConv with norm='both', weight=True, bias=True on a bipartite relation
    src = eidx[0]
    dst = eidx[1]
    deg_out = jnp.zeros((n_src,), jnp.float32).at[src].add(1.0)
    ns = jnp.power(jnp.clip(deg_out, 1.0, None), -0.5)
    msg = jnp.take(x_src * ns[:, None], src, axis=0)
    agg = jax.ops.segment_sum(msg, dst, num_segments=n_dst)
    deg_in = jnp.zeros((n_dst,), jnp.float32).at[dst].add(1.0)
    nd = jnp.power(jnp.clip(deg_in, 1.0, None), -0.5)
    return (agg * nd[:, None]) @ W + b


def reference(h_mirna, h_disease, h_target, eidx_MvsD, eidx_DvsM, eidx_MvsT, eidx_TvsM,
              eidx_TvsD, eidx_DvsT, W_MvsD, b_MvsD, W_DvsM, b_DvsM, W_MvsT, b_MvsT,
              W_TvsM, b_TvsM, W_TvsD, b_TvsD, W_DvsT, b_DvsT, Adj, W1, b1, W2, b2,
              W3, b3, size, leftIndex):
    # HeteroGraphConv with aggregate='sum': per dst node type, sum over incoming relations
    out_M = (_graph_conv(h_disease, eidx_DvsM, N_D, N_M, W_DvsM, b_DvsM)
             + _graph_conv(h_target, eidx_TvsM, N_T, N_M, W_TvsM, b_TvsM))
    out_D = (_graph_conv(h_mirna, eidx_MvsD, N_M, N_D, W_MvsD, b_MvsD)
             + _graph_conv(h_target, eidx_TvsD, N_T, N_D, W_TvsD, b_TvsD))
    out_T = (_graph_conv(h_mirna, eidx_MvsT, N_M, N_T, W_MvsT, b_MvsT)
             + _graph_conv(h_disease, eidx_DvsT, N_D, N_T, W_DvsT, b_DvsT))
    _ = (out_D, out_T)  # computed by HeteroGraphConv but only MiRNA output consumed
    # F.normalize(p=1, dim=1)
    l1 = jnp.clip(jnp.sum(jnp.abs(out_M), axis=1, keepdims=True), 1e-12, None)
    mirna = out_M / l1
    # torch.tensor(...) + Variable(copy.deepcopy(...)) detaches -> stop_gradient
    fake = jax.lax.stop_gradient(
        jax.lax.dynamic_slice_in_dim(mirna, leftIndex + 0 * size, Adj.shape[0], axis=0))
    M = jnp.concatenate([Adj, fake], axis=1)
    x = jax.nn.relu(M @ W1 + b1)
    x = jax.nn.relu(x @ W2 + b2)
    out = jax.nn.sigmoid(x @ W3 + b3)
    return (fake, out)

if __name__ == "__main__":
    import jax
    _d = setup_inputs()
    print(jax.jit(kernel)(*tuple(_d.values())))

</pallas_src>

<mosaic_0001>
#map = affine_map<(d0, d1) -> (0)>
#map1 = affine_map<(d0, d1) -> (0, 0)>
module attributes {stable_mosaic.version = 14 : i64} {
  func.func @_agg_body(%arg0: i32, %arg1: i32, %arg2: memref<320000xi32, #tpu.memory_space<hbm>>, %arg3: memref<320000xi32, #tpu.memory_space<hbm>>, %arg4: memref<10000x128xf32, #tpu.memory_space<hbm>>, %arg5: memref<10000x128xf32, #tpu.memory_space<hbm>>, %arg6: memref<16xi32, #tpu.memory_space<hbm>>, %arg7: memref<8192x128xf32, #tpu.memory_space<hbm>>, %arg8: memref<66048xf32, #tpu.memory_space<hbm>>, %arg9: memref<10000xi32, #tpu.memory_space<vmem>>, %arg10: memref<10000xi32, #tpu.memory_space<vmem>>, %arg11: memref<10368xi32, #tpu.memory_space<vmem>>, %arg12: memref<10368xi32, #tpu.memory_space<vmem>>, %arg13: memref<128x128xf32, #tpu.memory_space<vmem>>, %arg14: memref<128x128xf32, #tpu.memory_space<vmem>>, %arg15: memref<128x128xf32, #tpu.memory_space<vmem>>, %arg16: memref<2064xf32, #tpu.memory_space<vmem>>, %arg17: memref<16xi32, #tpu.memory_space<vmem>>, %arg18: memref<2064x128xf32, #tpu.memory_space<vmem_shared>>, %arg19: memref<2064x128xf32, #tpu.memory_space<vmem_shared>>, %arg20: memref<!tpu.dma_semaphore, #tpu.memory_space<semaphore_mem>>, %arg21: memref<!tpu.dma_semaphore, #tpu.memory_space<semaphore_mem>>, %arg22: memref<!tpu.dma_semaphore, #tpu.memory_space<semaphore_mem>>, %arg23: memref<!tpu.dma_semaphore, #tpu.memory_space<semaphore_mem>>, %arg24: memref<!tpu.dma_semaphore, #tpu.memory_space<semaphore_mem>>, %arg25: memref<!tpu.dma_semaphore, #tpu.memory_space<semaphore_mem>>) attributes {dimension_semantics = [#tpu.dimension_semantics<core_parallel>, #tpu.dimension_semantics<subcore_parallel>], iteration_bounds = array<i64: 2, 16>, scalar_prefetch = 0 : i64, scratch_operands = 17 : i64, tpu.core_type = #tpu.core_type<sc_vector_subcore>, window_params = [{transform_indices = #map}, {transform_indices = #map}, {transform_indices = #map1}, {transform_indices = #map1}, {transform_indices = #map}, {transform_indices = #map1}, {transform_indices = #map}]} {
    %eq3A = arith.constant 0 : i32
    %eq3A_0 = arith.cmpi eq, %arg0, %eq3A : i32
    %convert_element_type3A = arith.extui %eq3A_0 : i1 to i32
    %cond3A = arith.constant 0 : i32
    %cond3A_1 = arith.cmpi ne, %convert_element_type3A, %cond3A : i32
    scf.if %cond3A_1 {
      %mul3A_327 = arith.constant 10000 : i32
      %mul3A_328 = arith.muli %arg1, %mul3A_327 : i32
      "tpu.region"() ({
        %run_scoped3A = tpu.sem_alloc : memref<!tpu.dma_semaphore, #tpu.memory_space<semaphore_mem>>
        %dma_start3A = tpu.memref_slice %arg2[%mul3A_328] : memref<320000xi32, #tpu.memory_space<hbm>> -> memref<10000xi32, #tpu.memory_space<hbm>>
        %dma_start3A_333 = tpu.memref_slice %arg2[%mul3A_328] : memref<320000xi32, #tpu.memory_space<hbm>> -> memref<10000xi32, #tpu.memory_space<hbm>>
        tpu.enqueue_dma source(%dma_start3A_333 : memref<10000xi32, #tpu.memory_space<hbm>>) target(%arg9 : memref<10000xi32, #tpu.memory_space<vmem>>) target_semaphore(%run_scoped3A : memref<!tpu.dma_semaphore, #tpu.memory_space<semaphore_mem>>)
        %dma_wait3A = tpu.memref_slice %arg2[%mul3A_328] : memref<320000xi32, #tpu.memory_space<hbm>> -> memref<10000xi32, #tpu.memory_space<hbm>>
        %dma_wait3A_334 = tpu.memref_slice %arg2[%mul3A_328] : memref<320000xi32, #tpu.memory_space<hbm>> -> memref<10000xi32, #tpu.memory_space<hbm>>
        tpu.wait_dma2 semaphore(%run_scoped3A : memref<!tpu.dma_semaphore, #tpu.memory_space<semaphore_mem>>) src(%dma_wait3A_334 : memref<10000xi32, #tpu.memory_space<hbm>>) dst(%arg9 : memref<10000xi32, #tpu.memory_space<vmem>>)
        tpu.yield
      }) : () -> ()
      %mul3A_329 = arith.constant 10000 : i32
      %mul3A_330 = arith.muli %arg1, %mul3A_329 : i32
      %add3A_331 = arith.constant 160000 : i32
      %add3A_332 = arith.addi %add3A_331, %mul3A_330 : i32
      "tpu.region"() ({
        %run_scoped3A = tpu.sem_alloc : memref<!tpu.dma_semaphore, #tpu.memory_space<semaphore_mem>>
        %dma_start3A = tpu.memref_slice %arg2[%add3A_332] : memref<320000xi32, #tpu.memory_space<hbm>> -> memref<10000xi32, #tpu.memory_space<hbm>>
        %dma_start3A_333 = tpu.memref_slice %arg2[%add3A_332] : memref<320000xi32, #tpu.memory_space<hbm>> -> memref<10000xi32, #tpu.memory_space<hbm>>
        tpu.enqueue_dma source(%dma_start3A_333 : memref<10000xi32, #tpu.memory_space<hbm>>) target(%arg10 : memref<10000xi32, #tpu.memory_space<vmem>>) target_semaphore(%run_scoped3A : memref<!tpu.dma_semaphore, #tpu.memory_space<semaphore_mem>>)
        %dma_wait3A = tpu.memref_slice %arg2[%add3A_332] : memref<320000xi32, #tpu.memory_space<hbm>> -> memref<10000xi32, #tpu.memory_space<hbm>>
        %dma_wait3A_334 = tpu.memref_slice %arg2[%add3A_332] : memref<320000xi32, #tpu.memory_space<hbm>> -> memref<10000xi32, #tpu.memory_space<hbm>>
        tpu.wait_dma2 semaphore(%run_scoped3A : memref<!tpu.dma_semaphore, #tpu.memory_space<semaphore_mem>>) src(%dma_wait3A_334 : memref<10000xi32, #tpu.memory_space<hbm>>) dst(%arg10 : memref<10000xi32, #tpu.memory_space<vmem>>)
        tpu.yield
      }) : () -> ()
    } else {
    }
    %eq3A_2 = arith.constant 1 : i32
    %eq3A_3 = arith.cmpi eq, %arg0, %eq3A_2 : i32
    %convert_element_type3A_4 = arith.extui %eq3A_3 : i1 to i32
    %cond3A_5 = arith.constant 0 : i32
    %cond3A_6 = arith.cmpi ne, %convert_element_type3A_4, %cond3A_5 : i32
    scf.if %cond3A_6 {
      %mul3A_327 = arith.constant 10000 : i32
      %mul3A_328 = arith.muli %arg1, %mul3A_327 : i32
      "tpu.region"() ({
        %run_scoped3A = tpu.sem_alloc : memref<!tpu.dma_semaphore, #tpu.memory_space<semaphore_mem>>
        %dma_start3A = tpu.memref_slice %arg3[%mul3A_328] : memref<320000xi32, #tpu.memory_space<hbm>> -> memref<10000xi32, #tpu.memory_space<hbm>>
        %dma_start3A_333 = tpu.memref_slice %arg3[%mul3A_328] : memref<320000xi32, #tpu.memory_space<hbm>> -> memref<10000xi32, #tpu.memory_space<hbm>>
        tpu.enqueue_dma source(%dma_start3A_333 : memref<10000xi32, #tpu.memory_space<hbm>>) target(%arg9 : memref<10000xi32, #tpu.memory_space<vmem>>) target_semaphore(%run_scoped3A : memref<!tpu.dma_semaphore, #tpu.memory_space<semaphore_mem>>)
        %dma_wait3A = tpu.memref_slice %arg3[%mul3A_328] : memref<320000xi32, #tpu.memory_space<hbm>> -> memref<10000xi32, #tpu.memory_space<hbm>>
        %dma_wait3A_334 = tpu.memref_slice %arg3[%mul3A_328] : memref<320000xi32, #tpu.memory_space<hbm>> -> memref<10000xi32, #tpu.memory_space<hbm>>
        tpu.wait_dma2 semaphore(%run_scoped3A : memref<!tpu.dma_semaphore, #tpu.memory_space<semaphore_mem>>) src(%dma_wait3A_334 : memref<10000xi32, #tpu.memory_space<hbm>>) dst(%arg9 : memref<10000xi32, #tpu.memory_space<vmem>>)
        tpu.yield
      }) : () -> ()
      %mul3A_329 = arith.constant 10000 : i32
      %mul3A_330 = arith.muli %arg1, %mul3A_329 : i32
      %add3A_331 = arith.constant 160000 : i32
      %add3A_332 = arith.addi %add3A_331, %mul3A_330 : i32
      "tpu.region"() ({
        %run_scoped3A = tpu.sem_alloc : memref<!tpu.dma_semaphore, #tpu.memory_space<semaphore_mem>>
        %dma_start3A = tpu.memref_slice %arg3[%add3A_332] : memref<320000xi32, #tpu.memory_space<hbm>> -> memref<10000xi32, #tpu.memory_space<hbm>>
        %dma_start3A_333 = tpu.memref_slice %arg3[%add3A_332] : memref<320000xi32, #tpu.memory_space<hbm>> -> memref<10000xi32, #tpu.memory_space<hbm>>
        tpu.enqueue_dma source(%dma_start3A_333 : memref<10000xi32, #tpu.memory_space<hbm>>) target(%arg10 : memref<10000xi32, #tpu.memory_space<vmem>>) target_semaphore(%run_scoped3A : memref<!tpu.dma_semaphore, #tpu.memory_space<semaphore_mem>>)
        %dma_wait3A = tpu.memref_slice %arg3[%add3A_332] : memref<320000xi32, #tpu.memory_space<hbm>> -> memref<10000xi32, #tpu.memory_space<hbm>>
        %dma_wait3A_334 = tpu.memref_slice %arg3[%add3A_332] : memref<320000xi32, #tpu.memory_space<hbm>> -> memref<10000xi32, #tpu.memory_space<hbm>>
        tpu.wait_dma2 semaphore(%run_scoped3A : memref<!tpu.dma_semaphore, #tpu.memory_space<semaphore_mem>>) src(%dma_wait3A_334 : memref<10000xi32, #tpu.memory_space<hbm>>) dst(%arg10 : memref<10000xi32, #tpu.memory_space<vmem>>)
        tpu.yield
      }) : () -> ()
    } else {
    }
    "tpu.region"() ({
      %run_scoped3A = tpu.sem_alloc : memref<!tpu.dma_semaphore, #tpu.memory_space<semaphore_mem>>
      tpu.enqueue_dma source(%arg6 : memref<16xi32, #tpu.memory_space<hbm>>) target(%arg17 : memref<16xi32, #tpu.memory_space<vmem>>) target_semaphore(%run_scoped3A : memref<!tpu.dma_semaphore, #tpu.memory_space<semaphore_mem>>)
      tpu.wait_dma2 semaphore(%run_scoped3A : memref<!tpu.dma_semaphore, #tpu.memory_space<semaphore_mem>>) src(%arg6 : memref<16xi32, #tpu.memory_space<hbm>>) dst(%arg17 : memref<16xi32, #tpu.memory_space<vmem>>)
      tpu.yield
    }) : () -> ()
    %get3A = arith.constant 0 : index
    %get3A_7 = tpu.vector_load %arg17[%get3A] {strides = array<i32>} : memref<16xi32, #tpu.memory_space<vmem>>, vector<16xi32>,
    %broadcast_in_dim3A = arith.constant 0.000000e+00 : f32
    %broadcast_in_dim3A_8 = vector.broadcast %broadcast_in_dim3A : f32 to vector<16xf32>
    %broadcast_in_dim3A_9 = arith.constant 1.000000e+00 : f32
    %broadcast_in_dim3A_10 = vector.broadcast %broadcast_in_dim3A_9 : f32 to vector<16xf32>
    %scan3A = arith.constant 0 : i32
    %scan3A_11 = arith.constant 0 : i32
    %scan3A_12 = arith.constant 1024 : i32
    %scan3A_13 = arith.addi %scan3A_11, %scan3A_12 : i32
    %scan3A_14 = arith.constant 8 : i32
    %scan3A_15 = scf.for %scan3A_327 = %scan3A_11 to %scan3A_13 step %scan3A_14 iter_args(%scan3A_328 = %scan3A) -> (i32)  : i32 {
      %shift_right_arithmetic3A = arith.constant 3 : i32
      %shift_right_arithmetic3A_329 = arith.shrsi %scan3A_327, %shift_right_arithmetic3A : i32
      %and3A_330 = arith.constant 7 : i32
      %and3A_331 = arith.andi %scan3A_327, %and3A_330 : i32
      %mul3A_332 = arith.constant 16 : i32
      %mul3A_333 = arith.muli %and3A_331, %mul3A_332 : i32
      %swap3A_334 = arith.index_cast %shift_right_arithmetic3A_329 : i32 to index
      %swap3A_335 = arith.index_cast %mul3A_333 : i32 to index
      %swap3A_336 = tpu.vector_load %arg13[%swap3A_334, %swap3A_335] {strides = array<i32>} : memref<128x128xf32, #tpu.memory_space<vmem>>, vector<16xf32>,
      tpu.vector_store %arg13[%swap3A_334, %swap3A_335], %broadcast_in_dim3A_8 {strides = array<i32>} : memref<128x128xf32, #tpu.memory_space<vmem>>, vector<16xf32>,
      %scan3A_337 = arith.constant 0 : i32
      %scan3A_338 = arith.constant 1 : i32
      %scan3A_339 = arith.addi %scan3A_327, %scan3A_338 : i32
      %shift_right_arithmetic3A_340 = arith.constant 3 : i32
      %shift_right_arithmetic3A_341 = arith.shrsi %scan3A_339, %shift_right_arithmetic3A_340 : i32
      %and3A_342 = arith.constant 7 : i32
      %and3A_343 = arith.andi %scan3A_339, %and3A_342 : i32
      %mul3A_344 = arith.constant 16 : i32
      %mul3A_345 = arith.muli %and3A_343, %mul3A_344 : i32
      %swap3A_346 = arith.index_cast %shift_right_arithmetic3A_341 : i32 to index
      %swap3A_347 = arith.index_cast %mul3A_345 : i32 to index
      %swap3A_348 = tpu.vector_load %arg13[%swap3A_346, %swap3A_347] {strides = array<i32>} : memref<128x128xf32, #tpu.memory_space<vmem>>, vector<16xf32>,
      tpu.vector_store %arg13[%swap3A_346, %swap3A_347], %broadcast_in_dim3A_8 {strides = array<i32>} : memref<128x128xf32, #tpu.memory_space<vmem>>, vector<16xf32>,
      %scan3A_349 = arith.constant 0 : i32
      %scan3A_350 = arith.constant 2 : i32
      %scan3A_351 = arith.addi %scan3A_327, %scan3A_350 : i32
      %shift_right_arithmetic3A_352 = arith.constant 3 : i32
      %shift_right_arithmetic3A_353 = arith.shrsi %scan3A_351, %shift_right_arithmetic3A_352 : i32
      %and3A_354 = arith.constant 7 : i32
      %and3A_355 = arith.andi %scan3A_351, %and3A_354 : i32
      %mul3A_356 = arith.constant 16 : i32
      %mul3A_357 = arith.muli %and3A_355, %mul3A_356 : i32
      %swap3A_358 = arith.index_cast %shift_right_arithmetic3A_353 : i32 to index
      %swap3A_359 = arith.index_cast %mul3A_357 : i32 to index
      %swap3A_360 = tpu.vector_load %arg13[%swap3A_358, %swap3A_359] {strides = array<i32>} : memref<128x128xf32, #tpu.memory_space<vmem>>, vector<16xf32>,
      tpu.vector_store %arg13[%swap3A_358, %swap3A_359], %broadcast_in_dim3A_8 {strides = array<i32>} : memref<128x128xf32, #tpu.memory_space<vmem>>, vector<16xf32>,
      %scan3A_361 = arith.constant 0 : i32
      %scan3A_362 = arith.constant 3 : i32
      %scan3A_363 = arith.addi %scan3A_327, %scan3A_362 : i32
      %shift_right_arithmetic3A_364 = arith.constant 3 : i32
      %shift_right_arithmetic3A_365 = arith.shrsi %scan3A_363, %shift_right_arithmetic3A_364 : i32
      %and3A_366 = arith.constant 7 : i32
      %and3A_367 = arith.andi %scan3A_363, %and3A_366 : i32
      %mul3A_368 = arith.constant 16 : i32
      %mul3A_369 = arith.muli %and3A_367, %mul3A_368 : i32
      %swap3A_370 = arith.index_cast %shift_right_arithmetic3A_365 : i32 to index
      %swap3A_371 = arith.index_cast %mul3A_369 : i32 to index
      %swap3A_372 = tpu.vector_load %arg13[%swap3A_370, %swap3A_371] {strides = array<i32>} : memref<128x128xf32, #tpu.memory_space<vmem>>, vector<16xf32>,
      tpu.vector_store %arg13[%swap3A_370, %swap3A_371], %broadcast_in_dim3A_8 {strides = array<i32>} : memref<128x128xf32, #tpu.memory_space<vmem>>, vector<16xf32>,
      %scan3A_373 = arith.constant 0 : i32
      %scan3A_374 = arith.constant 4 : i32
      %scan3A_375 = arith.addi %scan3A_327, %scan3A_374 : i32
      %shift_right_arithmetic3A_376 = arith.constant 3 : i32
      %shift_right_arithmetic3A_377 = arith.shrsi %scan3A_375, %shift_right_arithmetic3A_376 : i32
      %and3A_378 = arith.constant 7 : i32
      %and3A_379 = arith.andi %scan3A_375, %and3A_378 : i32
      %mul3A_380 = arith.constant 16 : i32
      %mul3A_381 = arith.muli %and3A_379, %mul3A_380 : i32
      %swap3A_382 = arith.index_cast %shift_right_arithmetic3A_377 : i32 to index
      %swap3A_383 = arith.index_cast %mul3A_381 : i32 to index
      %swap3A_384 = tpu.vector_load %arg13[%swap3A_382, %swap3A_383] {strides = array<i32>} : memref<128x128xf32, #tpu.memory_space<vmem>>, vector<16xf32>,
      tpu.vector_store %arg13[%swap3A_382, %swap3A_383], %broadcast_in_dim3A_8 {strides = array<i32>} : memref<128x128xf32, #tpu.memory_space<vmem>>, vector<16xf32>,
      %scan3A_385 = arith.constant 0 : i32
      %scan3A_386 = arith.constant 5 : i32
      %scan3A_387 = arith.addi %scan3A_327, %scan3A_386 : i32
      %shift_right_arithmetic3A_388 = arith.constant 3 : i32
      %shift_right_arithmetic3A_389 = arith.shrsi %scan3A_387, %shift_right_arithmetic3A_388 : i32
      %and3A_390 = arith.constant 7 : i32
      %and3A_391 = arith.andi %scan3A_387, %and3A_390 : i32
      %mul3A_392 = arith.constant 16 : i32
      %mul3A_393 = arith.muli %and3A_391, %mul3A_392 : i32
      %swap3A_394 = arith.index_cast %shift_right_arithmetic3A_389 : i32 to index
      %swap3A_395 = arith.index_cast %mul3A_393 : i32 to index
      %swap3A_396 = tpu.vector_load %arg13[%swap3A_394, %swap3A_395] {strides = array<i32>} : memref<128x128xf32, #tpu.memory_space<vmem>>, vector<16xf32>,
      tpu.vector_store %arg13[%swap3A_394, %swap3A_395], %broadcast_in_dim3A_8 {strides = array<i32>} : memref<128x128xf32, #tpu.memory_space<vmem>>, vector<16xf32>,
      %scan3A_397 = arith.constant 0 : i32
      %scan3A_398 = arith.constant 6 : i32
      %scan3A_399 = arith.addi %scan3A_327, %scan3A_398 : i32
      %shift_right_arithmetic3A_400 = arith.constant 3 : i32
      %shift_right_arithmetic3A_401 = arith.shrsi %scan3A_399, %shift_right_arithmetic3A_400 : i32
      %and3A_402 = arith.constant 7 : i32
      %and3A_403 = arith.andi %scan3A_399, %and3A_402 : i32
      %mul3A_404 = arith.constant 16 : i32
      %mul3A_405 = arith.muli %and3A_403, %mul3A_404 : i32
      %swap3A_406 = arith.index_cast %shift_right_arithmetic3A_401 : i32 to index
      %swap3A_407 = arith.index_cast %mul3A_405 : i32 to index
      %swap3A_408 = tpu.vector_load %arg13[%swap3A_406, %swap3A_407] {strides = array<i32>} : memref<128x128xf32, #tpu.memory_space<vmem>>, vector<16xf32>,
      tpu.vector_store %arg13[%swap3A_406, %swap3A_407], %broadcast_in_dim3A_8 {strides = array<i32>} : memref<128x128xf32, #tpu.memory_space<vmem>>, vector<16xf32>,
      %scan3A_409 = arith.constant 0 : i32
      %scan3A_410 = arith.constant 7 : i32
      %scan3A_411 = arith.addi %scan3A_327, %scan3A_410 : i32
      %shift_right_arithmetic3A_412 = arith.constant 3 : i32
      %shift_right_arithmetic3A_413 = arith.shrsi %scan3A_411, %shift_right_arithmetic3A_412 : i32
      %and3A_414 = arith.constant 7 : i32
      %and3A_415 = arith.andi %scan3A_411, %and3A_414 : i32
      %mul3A_416 = arith.constant 16 : i32
      %mul3A_417 = arith.muli %and3A_415, %mul3A_416 : i32
      %swap3A_418 = arith.index_cast %shift_right_arithmetic3A_413 : i32 to index
      %swap3A_419 = arith.index_cast %mul3A_417 : i32 to index
      %swap3A_420 = tpu.vector_load %arg13[%swap3A_418, %swap3A_419] {strides = array<i32>} : memref<128x128xf32, #tpu.memory_space<vmem>>, vector<16xf32>,
      tpu.vector_store %arg13[%swap3A_418, %swap3A_419], %broadcast_in_dim3A_8 {strides = array<i32>} : memref<128x128xf32, #tpu.memory_space<vmem>>, vector<16xf32>,
      %scan3A_421 = arith.constant 0 : i32
      scf.yield %scan3A_421 : i32
    }
    %scan3A_16 = arith.constant 1024 : i32
    %scan3A_17 = arith.constant 0 : i32
    %scan3A_18 = arith.constant 0 : i32
    %scan3A_19 = arith.constant 128 : i32
    %scan3A_20 = arith.addi %scan3A_18, %scan3A_19 : i32
    %scan3A_21 = arith.constant 8 : i32
    %scan3A_22 = scf.for %scan3A_327 = %scan3A_18 to %scan3A_20 step %scan3A_21 iter_args(%scan3A_328 = %scan3A_17) -> (i32)  : i32 {
      %mul3A_329 = arith.constant 16 : i32
      %mul3A_330 = arith.muli %scan3A_327, %mul3A_329 : i32
      %swap3A_331 = arith.index_cast %mul3A_330 : i32 to index
      %swap3A_332 = tpu.vector_load %arg16[%swap3A_331] {strides = array<i32>} : memref<2064xf32, #tpu.memory_space<vmem>>, vector<16xf32>,
      tpu.vector_store %arg16[%swap3A_331], %broadcast_in_dim3A_8 {strides = array<i32>} : memref<2064xf32, #tpu.memory_space<vmem>>, vector<16xf32>,
      %scan3A_333 = arith.constant 0 : i32
      %scan3A_334 = arith.constant 1 : i32
      %scan3A_335 = arith.addi %scan3A_327, %scan3A_334 : i32
      %mul3A_336 = arith.constant 16 : i32
      %mul3A_337 = arith.muli %scan3A_335, %mul3A_336 : i32
      %swap3A_338 = arith.index_cast %mul3A_337 : i32 to index
      %swap3A_339 = tpu.vector_load %arg16[%swap3A_338] {strides = array<i32>} : memref<2064xf32, #tpu.memory_space<vmem>>, vector<16xf32>,
      tpu.vector_store %arg16[%swap3A_338], %broadcast_in_dim3A_8 {strides = array<i32>} : memref<2064xf32, #tpu.memory_space<vmem>>, vector<16xf32>,
      %scan3A_340 = arith.constant 0 : i32
      %scan3A_341 = arith.constant 2 : i32
      %scan3A_342 = arith.addi %scan3A_327, %scan3A_341 : i32
      %mul3A_343 = arith.constant 16 : i32
      %mul3A_344 = arith.muli %scan3A_342, %mul3A_343 : i32
      %swap3A_345 = arith.index_cast %mul3A_344 : i32 to index
      %swap3A_346 = tpu.vector_load %arg16[%swap3A_345] {strides = array<i32>} : memref<2064xf32, #tpu.memory_space<vmem>>, vector<16xf32>,
      tpu.vector_store %arg16[%swap3A_345], %broadcast_in_dim3A_8 {strides = array<i32>} : memref<2064xf32, #tpu.memory_space<vmem>>, vector<16xf32>,
      %scan3A_347 = arith.constant 0 : i32
      %scan3A_348 = arith.constant 3 : i32
      %scan3A_349 = arith.addi %scan3A_327, %scan3A_348 : i32
      %mul3A_350 = arith.constant 16 : i32
      %mul3A_351 = arith.muli %scan3A_349, %mul3A_350 : i32
      %swap3A_352 = arith.index_cast %mul3A_351 : i32 to index
      %swap3A_353 = tpu.vector_load %arg16[%swap3A_352] {strides = array<i32>} : memref<2064xf32, #tpu.memory_space<vmem>>, vector<16xf32>,
      tpu.vector_store %arg16[%swap3A_352], %broadcast_in_dim3A_8 {strides = array<i32>} : memref<2064xf32, #tpu.memory_space<vmem>>, vector<16xf32>,
      %scan3A_354 = arith.constant 0 : i32
      %scan3A_355 = arith.constant 4 : i32
      %scan3A_356 = arith.addi %scan3A_327, %scan3A_355 : i32
      %mul3A_357 = arith.constant 16 : i32
      %mul3A_358 = arith.muli %scan3A_356, %mul3A_357 : i32
      %swap3A_359 = arith.index_cast %mul3A_358 : i32 to index
      %swap3A_360 = tpu.vector_load %arg16[%swap3A_359] {strides = array<i32>} : memref<2064xf32, #tpu.memory_space<vmem>>, vector<16xf32>,
      tpu.vector_store %arg16[%swap3A_359], %broadcast_in_dim3A_8 {strides = array<i32>} : memref<2064xf32, #tpu.memory_space<vmem>>, vector<16xf32>,
      %scan3A_361 = arith.constant 0 : i32
      %scan3A_362 = arith.constant 5 : i32
      %scan3A_363 = arith.addi %scan3A_327, %scan3A_362 : i32
      %mul3A_364 = arith.constant 16 : i32
      %mul3A_365 = arith.muli %scan3A_363, %mul3A_364 : i32
      %swap3A_366 = arith.index_cast %mul3A_365 : i32 to index
      %swap3A_367 = tpu.vector_load %arg16[%swap3A_366] {strides = array<i32>} : memref<2064xf32, #tpu.memory_space<vmem>>, vector<16xf32>,
      tpu.vector_store %arg16[%swap3A_366], %broadcast_in_dim3A_8 {strides = array<i32>} : memref<2064xf32, #tpu.memory_space<vmem>>, vector<16xf32>,
      %scan3A_368 = arith.constant 0 : i32
      %scan3A_369 = arith.constant 6 : i32
      %scan3A_370 = arith.addi %scan3A_327, %scan3A_369 : i32
      %mul3A_371 = arith.constant 16 : i32
      %mul3A_372 = arith.muli %scan3A_370, %mul3A_371 : i32
      %swap3A_373 = arith.index_cast %mul3A_372 : i32 to index
      %swap3A_374 = tpu.vector_load %arg16[%swap3A_373] {strides = array<i32>} : memref<2064xf32, #tpu.memory_space<vmem>>, vector<16xf32>,
      tpu.vector_store %arg16[%swap3A_373], %broadcast_in_dim3A_8 {strides = array<i32>} : memref<2064xf32, #tpu.memory_space<vmem>>, vector<16xf32>,
      %scan3A_375 = arith.constant 0 : i32
      %scan3A_376 = arith.constant 7 : i32
      %scan3A_377 = arith.addi %scan3A_327, %scan3A_376 : i32
      %mul3A_378 = arith.constant 16 : i32
      %mul3A_379 = arith.muli %scan3A_377, %mul3A_378 : i32
      %swap3A_380 = arith.index_cast %mul3A_379 : i32 to index
      %swap3A_381 = tpu.vector_load %arg16[%swap3A_380] {strides = array<i32>} : memref<2064xf32, #tpu.memory_space<vmem>>, vector<16xf32>,
      tpu.vector_store %arg16[%swap3A_380], %broadcast_in_dim3A_8 {strides = array<i32>} : memref<2064xf32, #tpu.memory_space<vmem>>, vector<16xf32>,
      %scan3A_382 = arith.constant 0 : i32
      scf.yield %scan3A_382 : i32
    }
    %scan3A_23 = arith.constant 128 : i32
    %scan3A_24 = arith.addi %scan3A_18, %scan3A_23 : i32
    %mul3A = arith.constant 16 : i32
    %mul3A_25 = arith.muli %scan3A_24, %mul3A : i32
    %swap3A = arith.index_cast %mul3A_25 : i32 to index
    %swap3A_26 = tpu.vector_load %arg16[%swap3A] {strides = array<i32>} : memref<2064xf32, #tpu.memory_space<vmem>>, vector<16xf32>,
    tpu.vector_store %arg16[%swap3A], %broadcast_in_dim3A_8 {strides = array<i32>} : memref<2064xf32, #tpu.memory_space<vmem>>, vector<16xf32>,
    %scan3A_27 = arith.constant 0 : i32
    %scan3A_28 = arith.constant 129 : i32
    %mul3A_29 = arith.constant 129 : i32
    %mul3A_30 = arith.muli %arg1, %mul3A_29 : i32
    "tpu.region"() ({
      %run_scoped3A = tpu.sem_alloc : memref<!tpu.dma_semaphore, #tpu.memory_space<semaphore_mem>>
      %dma_start3A = arith.constant 0 : i32
      %dma_start3A_327 = arith.constant 0 : i32
      %dma_start3A_328 = tpu.memref_slice %arg13[%dma_start3A, %dma_start3A_327] : memref<128x128xf32, #tpu.memory_space<vmem>> -> memref<128x128xf32, #tpu.memory_space<vmem>>
      %dma_start3A_329 = arith.constant 0 : i32
      %dma_start3A_330 = tpu.memref_slice %arg18[%mul3A_30, %dma_start3A_329] : memref<2064x128xf32, #tpu.memory_space<vmem_shared>> -> memref<128x128xf32, #tpu.memory_space<vmem_shared>>
      %dma_start3A_331 = arith.constant 0 : i32
      %dma_start3A_332 = tpu.memref_slice %arg18[%mul3A_30, %dma_start3A_331] : memref<2064x128xf32, #tpu.memory_space<vmem_shared>> -> memref<128x128xf32, #tpu.memory_space<vmem_shared>>
      %dma_start3A_333 = arith.constant 0 : i32
      %dma_start3A_334 = arith.constant 0 : i32
      %dma_start3A_335 = tpu.memref_slice %arg13[%dma_start3A_333, %dma_start3A_334] : memref<128x128xf32, #tpu.memory_space<vmem>> -> memref<128x128xf32, #tpu.memory_space<vmem>>
      tpu.enqueue_dma source(%dma_start3A_335 : memref<128x128xf32, #tpu.memory_space<vmem>>) target(%dma_start3A_332 : memref<128x128xf32, #tpu.memory_space<vmem_shared>>) target_semaphore(%run_scoped3A : memref<!tpu.dma_semaphore, #tpu.memory_space<semaphore_mem>>)
      %dma_wait3A = arith.constant 0 : i32
      %dma_wait3A_336 = arith.constant 0 : i32
      %dma_wait3A_337 = tpu.memref_slice %arg13[%dma_wait3A, %dma_wait3A_336] : memref<128x128xf32, #tpu.memory_space<vmem>> -> memref<128x128xf32, #tpu.memory_space<vmem>>
      %dma_wait3A_338 = arith.constant 0 : i32
      %dma_wait3A_339 = tpu.memref_slice %arg18[%mul3A_30, %dma_wait3A_338] : memref<2064x128xf32, #tpu.memory_space<vmem_shared>> -> memref<128x128xf32, #tpu.memory_space<vmem_shared>>
      %dma_wait3A_340 = arith.constant 0 : i32
      %dma_wait3A_341 = tpu.memref_slice %arg18[%mul3A_30, %dma_wait3A_340] : memref<2064x128xf32, #tpu.memory_space<vmem_shared>> -> memref<128x128xf32, #tpu.memory_space<vmem_shared>>
      %dma_wait3A_342 = arith.constant 0 : i32
      %dma_wait3A_343 = arith.constant 0 : i32
      %dma_wait3A_344 = tpu.memref_slice %arg13[%dma_wait3A_342, %dma_wait3A_343] : memref<128x128xf32, #tpu.memory_space<vmem>> -> memref<128x128xf32, #tpu.memory_space<vmem>>
      tpu.wait_dma2 semaphore(%run_scoped3A : memref<!tpu.dma_semaphore, #tpu.memory_space<semaphore_mem>>) src(%dma_wait3A_344 : memref<128x128xf32, #tpu.memory_space<vmem>>) dst(%dma_wait3A_341 : memref<128x128xf32, #tpu.memory_space<vmem_shared>>)
      tpu.yield
    }) : () -> ()
    %mul3A_31 = arith.constant 129 : i32
    %mul3A_32 = arith.muli %arg1, %mul3A_31 : i32
    %add3A = arith.constant 128 : i32
    %add3A_33 = arith.addi %mul3A_32, %add3A : i32
    "tpu.region"() ({
      %run_scoped3A = tpu.sem_alloc : memref<!tpu.dma_semaphore, #tpu.memory_space<semaphore_mem>>
      %dma_start3A = arith.constant 0 : i32
      %dma_start3A_327 = arith.constant 0 : i32
      %dma_start3A_328 = tpu.memref_slice %arg13[%dma_start3A, %dma_start3A_327] : memref<128x128xf32, #tpu.memory_space<vmem>> -> memref<1x128xf32, #tpu.memory_space<vmem>>
      %dma_start3A_329 = arith.constant 0 : i32
      %dma_start3A_330 = tpu.memref_slice %arg18[%add3A_33, %dma_start3A_329] : memref<2064x128xf32, #tpu.memory_space<vmem_shared>> -> memref<1x128xf32, #tpu.memory_space<vmem_shared>>
      %dma_start3A_331 = arith.constant 0 : i32
      %dma_start3A_332 = tpu.memref_slice %arg18[%add3A_33, %dma_start3A_331] : memref<2064x128xf32, #tpu.memory_space<vmem_shared>> -> memref<1x128xf32, #tpu.memory_space<vmem_shared>>
      %dma_start3A_333 = arith.constant 0 : i32
      %dma_start3A_334 = arith.constant 0 : i32
      %dma_start3A_335 = tpu.memref_slice %arg13[%dma_start3A_333, %dma_start3A_334] : memref<128x128xf32, #tpu.memory_space<vmem>> -> memref<1x128xf32, #tpu.memory_space<vmem>>
      tpu.enqueue_dma source(%dma_start3A_335 : memref<1x128xf32, #tpu.memory_space<vmem>>) target(%dma_start3A_332 : memref<1x128xf32, #tpu.memory_space<vmem_shared>>) target_semaphore(%run_scoped3A : memref<!tpu.dma_semaphore, #tpu.memory_space<semaphore_mem>>)
      %dma_wait3A = arith.constant 0 : i32
      %dma_wait3A_336 = arith.constant 0 : i32
      %dma_wait3A_337 = tpu.memref_slice %arg13[%dma_wait3A, %dma_wait3A_336] : memref<128x128xf32, #tpu.memory_space<vmem>> -> memref<1x128xf32, #tpu.memory_space<vmem>>
      %dma_wait3A_338 = arith.constant 0 : i32
      %dma_wait3A_339 = tpu.memref_slice %arg18[%add3A_33, %dma_wait3A_338] : memref<2064x128xf32, #tpu.memory_space<vmem_shared>> -> memref<1x128xf32, #tpu.memory_space<vmem_shared>>
      %dma_wait3A_340 = arith.constant 0 : i32
      %dma_wait3A_341 = tpu.memref_slice %arg18[%add3A_33, %dma_wait3A_340] : memref<2064x128xf32, #tpu.memory_space<vmem_shared>> -> memref<1x128xf32, #tpu.memory_space<vmem_shared>>
      %dma_wait3A_342 = arith.constant 0 : i32
      %dma_wait3A_343 = arith.constant 0 : i32
      %dma_wait3A_344 = tpu.memref_slice %arg13[%dma_wait3A_342, %dma_wait3A_343] : memref<128x128xf32, #tpu.memory_space<vmem>> -> memref<1x128xf32, #tpu.memory_space<vmem>>
      tpu.wait_dma2 semaphore(%run_scoped3A : memref<!tpu.dma_semaphore, #tpu.memory_space<semaphore_mem>>) src(%dma_wait3A_344 : memref<1x128xf32, #tpu.memory_space<vmem>>) dst(%dma_wait3A_341 : memref<1x128xf32, #tpu.memory_space<vmem_shared>>)
      tpu.yield
    }) : () -> ()
    %mul3A_34 = arith.constant 129 : i32
    %mul3A_35 = arith.muli %arg1, %mul3A_34 : i32
    "tpu.region"() ({
      %run_scoped3A = tpu.sem_alloc : memref<!tpu.dma_semaphore, #tpu.memory_space<semaphore_mem>>
      %dma_start3A = arith.constant 0 : i32
      %dma_start3A_327 = arith.constant 0 : i32
      %dma_start3A_328 = tpu.memref_slice %arg13[%dma_start3A, %dma_start3A_327] : memref<128x128xf32, #tpu.memory_space<vmem>> -> memref<128x128xf32, #tpu.memory_space<vmem>>
      %dma_start3A_329 = arith.constant 0 : i32
      %dma_start3A_330 = tpu.memref_slice %arg19[%mul3A_35, %dma_start3A_329] : memref<2064x128xf32, #tpu.memory_space<vmem_shared>> -> memref<128x128xf32, #tpu.memory_space<vmem_shared>>
      %dma_start3A_331 = arith.constant 0 : i32
      %dma_start3A_332 = tpu.memref_slice %arg19[%mul3A_35, %dma_start3A_331] : memref<2064x128xf32, #tpu.memory_space<vmem_shared>> -> memref<128x128xf32, #tpu.memory_space<vmem_shared>>
      %dma_start3A_333 = arith.constant 0 : i32
      %dma_start3A_334 = arith.constant 0 : i32
      %dma_start3A_335 = tpu.memref_slice %arg13[%dma_start3A_333, %dma_start3A_334] : memref<128x128xf32, #tpu.memory_space<vmem>> -> memref<128x128xf32, #tpu.memory_space<vmem>>
      tpu.enqueue_dma source(%dma_start3A_335 : memref<128x128xf32, #tpu.memory_space<vmem>>) target(%dma_start3A_332 : memref<128x128xf32, #tpu.memory_space<vmem_shared>>) target_semaphore(%run_scoped3A : memref<!tpu.dma_semaphore, #tpu.memory_space<semaphore_mem>>)
      %dma_wait3A = arith.constant 0 : i32
      %dma_wait3A_336 = arith.constant 0 : i32
      %dma_wait3A_337 = tpu.memref_slice %arg13[%dma_wait3A, %dma_wait3A_336] : memref<128x128xf32, #tpu.memory_space<vmem>> -> memref<128x128xf32, #tpu.memory_space<vmem>>
      %dma_wait3A_338 = arith.constant 0 : i32
      %dma_wait3A_339 = tpu.memref_slice %arg19[%mul3A_35, %dma_wait3A_338] : memref<2064x128xf32, #tpu.memory_space<vmem_shared>> -> memref<128x128xf32, #tpu.memory_space<vmem_shared>>
      %dma_wait3A_340 = arith.constant 0 : i32
      %dma_wait3A_341 = tpu.memref_slice %arg19[%mul3A_35, %dma_wait3A_340] : memref<2064x128xf32, #tpu.memory_space<vmem_shared>> -> memref<128x128xf32, #tpu.memory_space<vmem_shared>>
      %dma_wait3A_342 = arith.constant 0 : i32
      %dma_wait3A_343 = arith.constant 0 : i32
      %dma_wait3A_344 = tpu.memref_slice %arg13[%dma_wait3A_342, %dma_wait3A_343] : memref<128x128xf32, #tpu.memory_space<vmem>> -> memref<128x128xf32, #tpu.memory_space<vmem>>
      tpu.wait_dma2 semaphore(%run_scoped3A : memref<!tpu.dma_semaphore, #tpu.memory_space<semaphore_mem>>) src(%dma_wait3A_344 : memref<128x128xf32, #tpu.memory_space<vmem>>) dst(%dma_wait3A_341 : memref<128x128xf32, #tpu.memory_space<vmem_shared>>)
      tpu.yield
    }) : () -> ()
    %mul3A_36 = arith.constant 129 : i32
    %mul3A_37 = arith.muli %arg1, %mul3A_36 : i32
    %add3A_38 = arith.constant 128 : i32
    %add3A_39 = arith.addi %mul3A_37, %add3A_38 : i32
    "tpu.region"() ({
      %run_scoped3A = tpu.sem_alloc : memref<!tpu.dma_semaphore, #tpu.memory_space<semaphore_mem>>
      %dma_start3A = arith.constant 0 : i32
      %dma_start3A_327 = arith.constant 0 : i32
      %dma_start3A_328 = tpu.memref_slice %arg13[%dma_start3A, %dma_start3A_327] : memref<128x128xf32, #tpu.memory_space<vmem>> -> memref<1x128xf32, #tpu.memory_space<vmem>>
      %dma_start3A_329 = arith.constant 0 : i32
      %dma_start3A_330 = tpu.memref_slice %arg19[%add3A_39, %dma_start3A_329] : memref<2064x128xf32, #tpu.memory_space<vmem_shared>> -> memref<1x128xf32, #tpu.memory_space<vmem_shared>>
      %dma_start3A_331 = arith.constant 0 : i32
      %dma_start3A_332 = tpu.memref_slice %arg19[%add3A_39, %dma_start3A_331] : memref<2064x128xf32, #tpu.memory_space<vmem_shared>> -> memref<1x128xf32, #tpu.memory_space<vmem_shared>>
      %dma_start3A_333 = arith.constant 0 : i32
      %dma_start3A_334 = arith.constant 0 : i32
      %dma_start3A_335 = tpu.memref_slice %arg13[%dma_start3A_333, %dma_start3A_334] : memref<128x128xf32, #tpu.memory_space<vmem>> -> memref<1x128xf32, #tpu.memory_space<vmem>>
      tpu.enqueue_dma source(%dma_start3A_335 : memref<1x128xf32, #tpu.memory_space<vmem>>) target(%dma_start3A_332 : memref<1x128xf32, #tpu.memory_space<vmem_shared>>) target_semaphore(%run_scoped3A : memref<!tpu.dma_semaphore, #tpu.memory_space<semaphore_mem>>)
      %dma_wait3A = arith.constant 0 : i32
      %dma_wait3A_336 = arith.constant 0 : i32
      %dma_wait3A_337 = tpu.memref_slice %arg13[%dma_wait3A, %dma_wait3A_336] : memref<128x128xf32, #tpu.memory_space<vmem>> -> memref<1x128xf32, #tpu.memory_space<vmem>>
      %dma_wait3A_338 = arith.constant 0 : i32
      %dma_wait3A_339 = tpu.memref_slice %arg19[%add3A_39, %dma_wait3A_338] : memref<2064x128xf32, #tpu.memory_space<vmem_shared>> -> memref<1x128xf32, #tpu.memory_space<vmem_shared>>
      %dma_wait3A_340 = arith.constant 0 : i32
      %dma_wait3A_341 = tpu.memref_slice %arg19[%add3A_39, %dma_wait3A_340] : memref<2064x128xf32, #tpu.memory_space<vmem_shared>> -> memref<1x128xf32, #tpu.memory_space<vmem_shared>>
      %dma_wait3A_342 = arith.constant 0 : i32
      %dma_wait3A_343 = arith.constant 0 : i32
      %dma_wait3A_344 = tpu.memref_slice %arg13[%dma_wait3A_342, %dma_wait3A_343] : memref<128x128xf32, #tpu.memory_space<vmem>> -> memref<1x128xf32, #tpu.memory_space<vmem>>
      tpu.wait_dma2 semaphore(%run_scoped3A : memref<!tpu.dma_semaphore, #tpu.memory_space<semaphore_mem>>) src(%dma_wait3A_344 : memref<1x128xf32, #tpu.memory_space<vmem>>) dst(%dma_wait3A_341 : memref<1x128xf32, #tpu.memory_space<vmem_shared>>)
      tpu.yield
    }) : () -> ()
    %barrier3A = arith.constant 0 : index
    tpu.barrier barrier_id(%barrier3A)
    %scan3A_40 = arith.constant 0 : i32
    %scan3A_41 = arith.constant 0 : i32
    %scan3A_42 = arith.constant 624 : i32
    %scan3A_43 = arith.addi %scan3A_41, %scan3A_42 : i32
    %scan3A_44 = arith.constant 4 : i32
    %scan3A_45 = scf.for %scan3A_327 = %scan3A_41 to %scan3A_43 step %scan3A_44 iter_args(%scan3A_328 = %scan3A_40) -> (i32)  : i32 {
      %mul3A_329 = arith.constant 16 : i32
      %mul3A_330 = arith.muli %scan3A_327, %mul3A_329 : i32
      %get3A_331 = arith.index_cast %mul3A_330 : i32 to index
      %get3A_332 = tpu.vector_load %arg9[%get3A_331] {strides = array<i32>} : memref<10000xi32, #tpu.memory_space<vmem>>, vector<16xi32>,
      %mul3A_333 = arith.constant 16 : i32
      %mul3A_334 = arith.muli %scan3A_327, %mul3A_333 : i32
      %get3A_335 = arith.index_cast %mul3A_334 : i32 to index
      %get3A_336 = tpu.vector_load %arg10[%get3A_335] {strides = array<i32>} : memref<10000xi32, #tpu.memory_space<vmem>>, vector<16xi32>,
      %sub3A_337 = arith.subi %get3A_336, %get3A_7 : vector<16xi32>
      %ge3A_338 = arith.constant 0 : i32
      %ge3A_339 = vector.broadcast %ge3A_338 : i32 to vector<16xi32>
      %ge3A_340 = arith.cmpi sge, %sub3A_337, %ge3A_339 : vector<16xi32>
      %lt3A_341 = arith.constant 2048 : i32
      %lt3A_342 = vector.broadcast %lt3A_341 : i32 to vector<16xi32>
      %lt3A_343 = arith.cmpi slt, %sub3A_337, %lt3A_342 : vector<16xi32>
      %and3A_344 = arith.andi %ge3A_340, %lt3A_343 : vector<16xi1>
      %jit3A_345 = arith.constant 2048 : i32
      %broadcast_in_dim3A_346 = vector.broadcast %jit3A_345 : i32 to vector<16xi32>
      %select_n3A_347 = arith.select %and3A_344, %sub3A_337, %broadcast_in_dim3A_346 : vector<16xi1>, vector<16xi32>
      %swap3A_348 = arith.index_cast %scan3A_328 : i32 to index
      %swap3A_349 = tpu.vector_load %arg11[%swap3A_348] masked %and3A_344 {strides = array<i32>} : memref<10368xi32, #tpu.memory_space<vmem>>, vector<16xi32>, vector<16xi1>
      tpu.vector_store %arg11[%swap3A_348], %get3A_332 masked %and3A_344 {strides = array<i32>} : memref<10368xi32, #tpu.memory_space<vmem>>, vector<16xi32>, vector<16xi1>
      %swap3A_350 = arith.index_cast %scan3A_328 : i32 to index
      %swap3A_351 = tpu.vector_load %arg12[%swap3A_350] masked %and3A_344 {strides = array<i32>} : memref<10368xi32, #tpu.memory_space<vmem>>, vector<16xi32>, vector<16xi1>
      tpu.vector_store %arg12[%swap3A_350], %select_n3A_347 masked %and3A_344 {strides = array<i32>} : memref<10368xi32, #tpu.memory_space<vmem>>, vector<16xi32>, vector<16xi1>
      %convert_element_type3A_352 = arith.extui %and3A_344 : vector<16xi1> to vector<16xi32>
      %reduce_sum3A_353 = arith.constant true
      %reduce_sum3A_354 = vector.broadcast %reduce_sum3A_353 : i1 to vector<16xi1>
      %reduce_sum3A_355 = tpu.scan <sum>, %convert_element_type3A_352 masked %reduce_sum3A_354 : vector<16xi32>, vector<16xi1> -> vector<16xi32>
      %reduce_sum3A_356 = vector.extract %reduce_sum3A_355[15] : i32 from vector<16xi32>
      %add3A_357 = arith.addi %scan3A_328, %reduce_sum3A_356 : i32
      %scan3A_358 = arith.constant 1 : i32
      %scan3A_359 = arith.addi %scan3A_327, %scan3A_358 : i32
      %mul3A_360 = arith.constant 16 : i32
      %mul3A_361 = arith.muli %scan3A_359, %mul3A_360 : i32
      %get3A_362 = arith.index_cast %mul3A_361 : i32 to index
      %get3A_363 = tpu.vector_load %arg9[%get3A_362] {strides = array<i32>} : memref<10000xi32, #tpu.memory_space<vmem>>, vector<16xi32>,
      %mul3A_364 = arith.constant 16 : i32
      %mul3A_365 = arith.muli %scan3A_359, %mul3A_364 : i32
      %get3A_366 = arith.index_cast %mul3A_365 : i32 to index
      %get3A_367 = tpu.vector_load %arg10[%get3A_366] {strides = array<i32>} : memref<10000xi32, #tpu.memory_space<vmem>>, vector<16xi32>,
      %sub3A_368 = arith.subi %get3A_367, %get3A_7 : vector<16xi32>
      %ge3A_369 = arith.constant 0 : i32
      %ge3A_370 = vector.broadcast %ge3A_369 : i32 to vector<16xi32>
      %ge3A_371 = arith.cmpi sge, %sub3A_368, %ge3A_370 : vector<16xi32>
      %lt3A_372 = arith.constant 2048 : i32
      %lt3A_373 = vector.broadcast %lt3A_372 : i32 to vector<16xi32>
      %lt3A_374 = arith.cmpi slt, %sub3A_368, %lt3A_373 : vector<16xi32>
      %and3A_375 = arith.andi %ge3A_371, %lt3A_374 : vector<16xi1>
      %jit3A_376 = arith.constant 2048 : i32
      %broadcast_in_dim3A_377 = vector.broadcast %jit3A_376 : i32 to vector<16xi32>
      %select_n3A_378 = arith.select %and3A_375, %sub3A_368, %broadcast_in_dim3A_377 : vector<16xi1>, vector<16xi32>
      %swap3A_379 = arith.index_cast %add3A_357 : i32 to index
      %swap3A_380 = tpu.vector_load %arg11[%swap3A_379] masked %and3A_375 {strides = array<i32>} : memref<10368xi32, #tpu.memory_space<vmem>>, vector<16xi32>, vector<16xi1>
      tpu.vector_store %arg11[%swap3A_379], %get3A_363 masked %and3A_375 {strides = array<i32>} : memref<10368xi32, #tpu.memory_space<vmem>>, vector<16xi32>, vector<16xi1>
      %swap3A_381 = arith.index_cast %add3A_357 : i32 to index
      %swap3A_382 = tpu.vector_load %arg12[%swap3A_381] masked %and3A_375 {strides = array<i32>} : memref<10368xi32, #tpu.memory_space<vmem>>, vector<16xi32>, vector<16xi1>
      tpu.vector_store %arg12[%swap3A_381], %select_n3A_378 masked %and3A_375 {strides = array<i32>} : memref<10368xi32, #tpu.memory_space<vmem>>, vector<16xi32>, vector<16xi1>
      %convert_element_type3A_383 = arith.extui %and3A_375 : vector<16xi1> to vector<16xi32>
      %reduce_sum3A_384 = arith.constant true
      %reduce_sum3A_385 = vector.broadcast %reduce_sum3A_384 : i1 to vector<16xi1>
      %reduce_sum3A_386 = tpu.scan <sum>, %convert_element_type3A_383 masked %reduce_sum3A_385 : vector<16xi32>, vector<16xi1> -> vector<16xi32>
      %reduce_sum3A_387 = vector.extract %reduce_sum3A_386[15] : i32 from vector<16xi32>
      %add3A_388 = arith.addi %add3A_357, %reduce_sum3A_387 : i32
      %scan3A_389 = arith.constant 2 : i32
      %scan3A_390 = arith.addi %scan3A_327, %scan3A_389 : i32
      %mul3A_391 = arith.constant 16 : i32
      %mul3A_392 = arith.muli %scan3A_390, %mul3A_391 : i32
      %get3A_393 = arith.index_cast %mul3A_392 : i32 to index
      %get3A_394 = tpu.vector_load %arg9[%get3A_393] {strides = array<i32>} : memref<10000xi32, #tpu.memory_space<vmem>>, vector<16xi32>,
      %mul3A_395 = arith.constant 16 : i32
      %mul3A_396 = arith.muli %scan3A_390, %mul3A_395 : i32
      %get3A_397 = arith.index_cast %mul3A_396 : i32 to index
      %get3A_398 = tpu.vector_load %arg10[%get3A_397] {strides = array<i32>} : memref<10000xi32, #tpu.memory_space<vmem>>, vector<16xi32>,
      %sub3A_399 = arith.subi %get3A_398, %get3A_7 : vector<16xi32>
      %ge3A_400 = arith.constant 0 : i32
      %ge3A_401 = vector.broadcast %ge3A_400 : i32 to vector<16xi32>
      %ge3A_402 = arith.cmpi sge, %sub3A_399, %ge3A_401 : vector<16xi32>
      %lt3A_403 = arith.constant 2048 : i32
      %lt3A_404 = vector.broadcast %lt3A_403 : i32 to vector<16xi32>
      %lt3A_405 = arith.cmpi slt, %sub3A_399, %lt3A_404 : vector<16xi32>
      %and3A_406 = arith.andi %ge3A_402, %lt3A_405 : vector<16xi1>
      %jit3A_407 = arith.constant 2048 : i32
      %broadcast_in_dim3A_408 = vector.broadcast %jit3A_407 : i32 to vector<16xi32>
      %select_n3A_409 = arith.select %and3A_406, %sub3A_399, %broadcast_in_dim3A_408 : vector<16xi1>, vector<16xi32>
      %swap3A_410 = arith.index_cast %add3A_388 : i32 to index
      %swap3A_411 = tpu.vector_load %arg11[%swap3A_410] masked %and3A_406 {strides = array<i32>} : memref<10368xi32, #tpu.memory_space<vmem>>, vector<16xi32>, vector<16xi1>
      tpu.vector_store %arg11[%swap3A_410], %get3A_394 masked %and3A_406 {strides = array<i32>} : memref<10368xi32, #tpu.memory_space<vmem>>, vector<16xi32>, vector<16xi1>
      %swap3A_412 = arith.index_cast %add3A_388 : i32 to index
      %swap3A_413 = tpu.vector_load %arg12[%swap3A_412] masked %and3A_406 {strides = array<i32>} : memref<10368xi32, #tpu.memory_space<vmem>>, vector<16xi32>, vector<16xi1>
      tpu.vector_store %arg12[%swap3A_412], %select_n3A_409 masked %and3A_406 {strides = array<i32>} : memref<10368xi32, #tpu.memory_space<vmem>>, vector<16xi32>, vector<16xi1>
      %convert_element_type3A_414 = arith.extui %and3A_406 : vector<16xi1> to vector<16xi32>
      %reduce_sum3A_415 = arith.constant true
      %reduce_sum3A_416 = vector.broadcast %reduce_sum3A_415 : i1 to vector<16xi1>
      %reduce_sum3A_417 = tpu.scan <sum>, %convert_element_type3A_414 masked %reduce_sum3A_416 : vector<16xi32>, vector<16xi1> -> vector<16xi32>
      %reduce_sum3A_418 = vector.extract %reduce_sum3A_417[15] : i32 from vector<16xi32>
      %add3A_419 = arith.addi %add3A_388, %reduce_sum3A_418 : i32
      %scan3A_420 = arith.constant 3 : i32
      %scan3A_421 = arith.addi %scan3A_327, %scan3A_420 : i32
      %mul3A_422 = arith.constant 16 : i32
      %mul3A_423 = arith.muli %scan3A_421, %mul3A_422 : i32
      %get3A_424 = arith.index_cast %mul3A_423 : i32 to index
      %get3A_425 = tpu.vector_load %arg9[%get3A_424] {strides = array<i32>} : memref<10000xi32, #tpu.memory_space<vmem>>, vector<16xi32>,
      %mul3A_426 = arith.constant 16 : i32
      %mul3A_427 = arith.muli %scan3A_421, %mul3A_426 : i32
      %get3A_428 = arith.index_cast %mul3A_427 : i32 to index
      %get3A_429 = tpu.vector_load %arg10[%get3A_428] {strides = array<i32>} : memref<10000xi32, #tpu.memory_space<vmem>>, vector<16xi32>,
      %sub3A_430 = arith.subi %get3A_429, %get3A_7 : vector<16xi32>
      %ge3A_431 = arith.constant 0 : i32
      %ge3A_432 = vector.broadcast %ge3A_431 : i32 to vector<16xi32>
      %ge3A_433 = arith.cmpi sge, %sub3A_430, %ge3A_432 : vector<16xi32>
      %lt3A_434 = arith.constant 2048 : i32
      %lt3A_435 = vector.broadcast %lt3A_434 : i32 to vector<16xi32>
      %lt3A_436 = arith.cmpi slt, %sub3A_430, %lt3A_435 : vector<16xi32>
      %and3A_437 = arith.andi %ge3A_433, %lt3A_436 : vector<16xi1>
      %jit3A_438 = arith.constant 2048 : i32
      %broadcast_in_dim3A_439 = vector.broadcast %jit3A_438 : i32 to vector<16xi32>
      %select_n3A_440 = arith.select %and3A_437, %sub3A_430, %broadcast_in_dim3A_439 : vector<16xi1>, vector<16xi32>
      %swap3A_441 = arith.index_cast %add3A_419 : i32 to index
      %swap3A_442 = tpu.vector_load %arg11[%swap3A_441] masked %and3A_437 {strides = array<i32>} : memref<10368xi32, #tpu.memory_space<vmem>>, vector<16xi32>, vector<16xi1>
      tpu.vector_store %arg11[%swap3A_441], %get3A_425 masked %and3A_437 {strides = array<i32>} : memref<10368xi32, #tpu.memory_space<vmem>>, vector<16xi32>, vector<16xi1>
      %swap3A_443 = arith.index_cast %add3A_419 : i32 to index
      %swap3A_444 = tpu.vector_load %arg12[%swap3A_443] masked %and3A_437 {strides = array<i32>} : memref<10368xi32, #tpu.memory_space<vmem>>, vector<16xi32>, vector<16xi1>
      tpu.vector_store %arg12[%swap3A_443], %select_n3A_440 masked %and3A_437 {strides = array<i32>} : memref<10368xi32, #tpu.memory_space<vmem>>, vector<16xi32>, vector<16xi1>
      %convert_element_type3A_445 = arith.extui %and3A_437 : vector<16xi1> to vector<16xi32>
      %reduce_sum3A_446 = arith.constant true
      %reduce_sum3A_447 = vector.broadcast %reduce_sum3A_446 : i1 to vector<16xi1>
      %reduce_sum3A_448 = tpu.scan <sum>, %convert_element_type3A_445 masked %reduce_sum3A_447 : vector<16xi32>, vector<16xi1> -> vector<16xi32>
      %reduce_sum3A_449 = vector.extract %reduce_sum3A_448[15] : i32 from vector<16xi32>
      %add3A_450 = arith.addi %add3A_419, %reduce_sum3A_449 : i32
      scf.yield %add3A_450 : i32
    }
    %scan3A_46 = arith.constant 624 : i32
    %scan3A_47 = arith.addi %scan3A_41, %scan3A_46 : i32
    %mul3A_48 = arith.constant 16 : i32
    %mul3A_49 = arith.muli %scan3A_47, %mul3A_48 : i32
    %get3A_50 = arith.index_cast %mul3A_49 : i32 to index
    %get3A_51 = tpu.vector_load %arg9[%get3A_50] {strides = array<i32>} : memref<10000xi32, #tpu.memory_space<vmem>>, vector<16xi32>,
    %mul3A_52 = arith.constant 16 : i32
    %mul3A_53 = arith.muli %scan3A_47, %mul3A_52 : i32
    %get3A_54 = arith.index_cast %mul3A_53 : i32 to index
    %get3A_55 = tpu.vector_load %arg10[%get3A_54] {strides = array<i32>} : memref<10000xi32, #tpu.memory_space<vmem>>, vector<16xi32>,
    %sub3A = arith.subi %get3A_55, %get3A_7 : vector<16xi32>
    %ge3A = arith.constant 0 : i32
    %ge3A_56 = vector.broadcast %ge3A : i32 to vector<16xi32>
    %ge3A_57 = arith.cmpi sge, %sub3A, %ge3A_56 : vector<16xi32>
    %lt3A = arith.constant 2048 : i32
    %lt3A_58 = vector.broadcast %lt3A : i32 to vector<16xi32>
    %lt3A_59 = arith.cmpi slt, %sub3A, %lt3A_58 : vector<16xi32>
    %and3A = arith.andi %ge3A_57, %lt3A_59 : vector<16xi1>
    %jit3A = arith.constant 2048 : i32
    %broadcast_in_dim3A_60 = vector.broadcast %jit3A : i32 to vector<16xi32>
    %select_n3A = arith.select %and3A, %sub3A, %broadcast_in_dim3A_60 : vector<16xi1>, vector<16xi32>
    %swap3A_61 = arith.index_cast %scan3A_45 : i32 to index
    %swap3A_62 = tpu.vector_load %arg11[%swap3A_61] masked %and3A {strides = array<i32>} : memref<10368xi32, #tpu.memory_space<vmem>>, vector<16xi32>, vector<16xi1>
    tpu.vector_store %arg11[%swap3A_61], %get3A_51 masked %and3A {strides = array<i32>} : memref<10368xi32, #tpu.memory_space<vmem>>, vector<16xi32>, vector<16xi1>
    %swap3A_63 = arith.index_cast %scan3A_45 : i32 to index
    %swap3A_64 = tpu.vector_load %arg12[%swap3A_63] masked %and3A {strides = array<i32>} : memref<10368xi32, #tpu.memory_space<vmem>>, vector<16xi32>, vector<16xi1>
    tpu.vector_store %arg12[%swap3A_63], %select_n3A masked %and3A {strides = array<i32>} : memref<10368xi32, #tpu.memory_space<vmem>>, vector<16xi32>, vector<16xi1>
    %convert_element_type3A_65 = arith.extui %and3A : vector<16xi1> to vector<16xi32>
    %reduce_sum3A = arith.constant true
    %reduce_sum3A_66 = vector.broadcast %reduce_sum3A : i1 to vector<16xi1>
    %reduce_sum3A_67 = tpu.scan <sum>, %convert_element_type3A_65 masked %reduce_sum3A_66 : vector<16xi32>, vector<16xi1> -> vector<16xi32>
    %reduce_sum3A_68 = vector.extract %reduce_sum3A_67[15] : i32 from vector<16xi32>
    %add3A_69 = arith.addi %scan3A_45, %reduce_sum3A_68 : i32
    %scan3A_70 = arith.constant 625 : i32
    %broadcast_in_dim3A_71 = arith.constant 0 : i32
    %broadcast_in_dim3A_72 = vector.broadcast %broadcast_in_dim3A_71 : i32 to vector<16xi32>
    %broadcast_in_dim3A_73 = arith.constant 2048 : i32
    %broadcast_in_dim3A_74 = vector.broadcast %broadcast_in_dim3A_73 : i32 to vector<16xi32>
    %add3A_75 = arith.constant 0 : i32
    %add3A_76 = arith.addi %add3A_69, %add3A_75 : i32
    %swap3A_77 = arith.index_cast %add3A_76 : i32 to index
    %swap3A_78 = tpu.vector_load %arg11[%swap3A_77] {strides = array<i32>} : memref<10368xi32, #tpu.memory_space<vmem>>, vector<16xi32>,
    tpu.vector_store %arg11[%swap3A_77], %broadcast_in_dim3A_72 {strides = array<i32>} : memref<10368xi32, #tpu.memory_space<vmem>>, vector<16xi32>,
    %add3A_79 = arith.constant 0 : i32
    %add3A_80 = arith.addi %add3A_69, %add3A_79 : i32
    %swap3A_81 = arith.index_cast %add3A_80 : i32 to index
    %swap3A_82 = tpu.vector_load %arg12[%swap3A_81] {strides = array<i32>} : memref<10368xi32, #tpu.memory_space<vmem>>, vector<16xi32>,
    tpu.vector_store %arg12[%swap3A_81], %broadcast_in_dim3A_74 {strides = array<i32>} : memref<10368xi32, #tpu.memory_space<vmem>>, vector<16xi32>,
    %add3A_83 = arith.constant 16 : i32
    %add3A_84 = arith.addi %add3A_69, %add3A_83 : i32
    %swap3A_85 = arith.index_cast %add3A_84 : i32 to index
    %swap3A_86 = tpu.vector_load %arg11[%swap3A_85] {strides = array<i32>} : memref<10368xi32, #tpu.memory_space<vmem>>, vector<16xi32>,
    tpu.vector_store %arg11[%swap3A_85], %broadcast_in_dim3A_72 {strides = array<i32>} : memref<10368xi32, #tpu.memory_space<vmem>>, vector<16xi32>,
    %add3A_87 = arith.constant 16 : i32
    %add3A_88 = arith.addi %add3A_69, %add3A_87 : i32
    %swap3A_89 = arith.index_cast %add3A_88 : i32 to index
    %swap3A_90 = tpu.vector_load %arg12[%swap3A_89] {strides = array<i32>} : memref<10368xi32, #tpu.memory_space<vmem>>, vector<16xi32>,
    tpu.vector_store %arg12[%swap3A_89], %broadcast_in_dim3A_74 {strides = array<i32>} : memref<10368xi32, #tpu.memory_space<vmem>>, vector<16xi32>,
    %add3A_91 = arith.constant 32 : i32
    %add3A_92 = arith.addi %add3A_69, %add3A_91 : i32
    %swap3A_93 = arith.index_cast %add3A_92 : i32 to index
    %swap3A_94 = tpu.vector_load %arg11[%swap3A_93] {strides = array<i32>} : memref<10368xi32, #tpu.memory_space<vmem>>, vector<16xi32>,
    tpu.vector_store %arg11[%swap3A_93], %broadcast_in_dim3A_72 {strides = array<i32>} : memref<10368xi32, #tpu.memory_space<vmem>>, vector<16xi32>,
    %add3A_95 = arith.constant 32 : i32
    %add3A_96 = arith.addi %add3A_69, %add3A_95 : i32
    %swap3A_97 = arith.index_cast %add3A_96 : i32 to index
    %swap3A_98 = tpu.vector_load %arg12[%swap3A_97] {strides = array<i32>} : memref<10368xi32, #tpu.memory_space<vmem>>, vector<16xi32>,
    tpu.vector_store %arg12[%swap3A_97], %broadcast_in_dim3A_74 {strides = array<i32>} : memref<10368xi32, #tpu.memory_space<vmem>>, vector<16xi32>,
    %add3A_99 = arith.constant 48 : i32
    %add3A_100 = arith.addi %add3A_69, %add3A_99 : i32
    %swap3A_101 = arith.index_cast %add3A_100 : i32 to index
    %swap3A_102 = tpu.vector_load %arg11[%swap3A_101] {strides = array<i32>} : memref<10368xi32, #tpu.memory_space<vmem>>, vector<16xi32>,
    tpu.vector_store %arg11[%swap3A_101], %broadcast_in_dim3A_72 {strides = array<i32>} : memref<10368xi32, #tpu.memory_space<vmem>>, vector<16xi32>,
    %add3A_103 = arith.constant 48 : i32
    %add3A_104 = arith.addi %add3A_69, %add3A_103 : i32
    %swap3A_105 = arith.index_cast %add3A_104 : i32 to index
    %swap3A_106 = tpu.vector_load %arg12[%swap3A_105] {strides = array<i32>} : memref<10368xi32, #tpu.memory_space<vmem>>, vector<16xi32>,
    tpu.vector_store %arg12[%swap3A_105], %broadcast_in_dim3A_74 {strides = array<i32>} : memref<10368xi32, #tpu.memory_space<vmem>>, vector<16xi32>,
    %add3A_107 = arith.constant 64 : i32
    %add3A_108 = arith.addi %add3A_69, %add3A_107 : i32
    %swap3A_109 = arith.index_cast %add3A_108 : i32 to index
    %swap3A_110 = tpu.vector_load %arg11[%swap3A_109] {strides = array<i32>} : memref<10368xi32, #tpu.memory_space<vmem>>, vector<16xi32>,
    tpu.vector_store %arg11[%swap3A_109], %broadcast_in_dim3A_72 {strides = array<i32>} : memref<10368xi32, #tpu.memory_space<vmem>>, vector<16xi32>,
    %add3A_111 = arith.constant 64 : i32
    %add3A_112 = arith.addi %add3A_69, %add3A_111 : i32
    %swap3A_113 = arith.index_cast %add3A_112 : i32 to index
    %swap3A_114 = tpu.vector_load %arg12[%swap3A_113] {strides = array<i32>} : memref<10368xi32, #tpu.memory_space<vmem>>, vector<16xi32>,
    tpu.vector_store %arg12[%swap3A_113], %broadcast_in_dim3A_74 {strides = array<i32>} : memref<10368xi32, #tpu.memory_space<vmem>>, vector<16xi32>,
    %add3A_115 = arith.constant 80 : i32
    %add3A_116 = arith.addi %add3A_69, %add3A_115 : i32
    %swap3A_117 = arith.index_cast %add3A_116 : i32 to index
    %swap3A_118 = tpu.vector_load %arg11[%swap3A_117] {strides = array<i32>} : memref<10368xi32, #tpu.memory_space<vmem>>, vector<16xi32>,
    tpu.vector_store %arg11[%swap3A_117], %broadcast_in_dim3A_72 {strides = array<i32>} : memref<10368xi32, #tpu.memory_space<vmem>>, vector<16xi32>,
    %add3A_119 = arith.constant 80 : i32
    %add3A_120 = arith.addi %add3A_69, %add3A_119 : i32
    %swap3A_121 = arith.index_cast %add3A_120 : i32 to index
    %swap3A_122 = tpu.vector_load %arg12[%swap3A_121] {strides = array<i32>} : memref<10368xi32, #tpu.memory_space<vmem>>, vector<16xi32>,
    tpu.vector_store %arg12[%swap3A_121], %broadcast_in_dim3A_74 {strides = array<i32>} : memref<10368xi32, #tpu.memory_space<vmem>>, vector<16xi32>,
    %add3A_123 = arith.constant 96 : i32
    %add3A_124 = arith.addi %add3A_69, %add3A_123 : i32
    %swap3A_125 = arith.index_cast %add3A_124 : i32 to index
    %swap3A_126 = tpu.vector_load %arg11[%swap3A_125] {strides = array<i32>} : memref<10368xi32, #tpu.memory_space<vmem>>, vector<16xi32>,
    tpu.vector_store %arg11[%swap3A_125], %broadcast_in_dim3A_72 {strides = array<i32>} : memref<10368xi32, #tpu.memory_space<vmem>>, vector<16xi32>,
    %add3A_127 = arith.constant 96 : i32
    %add3A_128 = arith.addi %add3A_69, %add3A_127 : i32
    %swap3A_129 = arith.index_cast %add3A_128 : i32 to index
    %swap3A_130 = tpu.vector_load %arg12[%swap3A_129] {strides = array<i32>} : memref<10368xi32, #tpu.memory_space<vmem>>, vector<16xi32>,
    tpu.vector_store %arg12[%swap3A_129], %broadcast_in_dim3A_74 {strides = array<i32>} : memref<10368xi32, #tpu.memory_space<vmem>>, vector<16xi32>,
    %add3A_131 = arith.constant 112 : i32
    %add3A_132 = arith.addi %add3A_69, %add3A_131 : i32
    %swap3A_133 = arith.index_cast %add3A_132 : i32 to index
    %swap3A_134 = tpu.vector_load %arg11[%swap3A_133] {strides = array<i32>} : memref<10368xi32, #tpu.memory_space<vmem>>, vector<16xi32>,
    tpu.vector_store %arg11[%swap3A_133], %broadcast_in_dim3A_72 {strides = array<i32>} : memref<10368xi32, #tpu.memory_space<vmem>>, vector<16xi32>,
    %add3A_135 = arith.constant 112 : i32
    %add3A_136 = arith.addi %add3A_69, %add3A_135 : i32
    %swap3A_137 = arith.index_cast %add3A_136 : i32 to index
    %swap3A_138 = tpu.vector_load %arg12[%swap3A_137] {strides = array<i32>} : memref<10368xi32, #tpu.memory_space<vmem>>, vector<16xi32>,
    tpu.vector_store %arg12[%swap3A_137], %broadcast_in_dim3A_74 {strides = array<i32>} : memref<10368xi32, #tpu.memory_space<vmem>>, vector<16xi32>,
    %add3A_139 = arith.constant 15 : i32
    %add3A_140 = arith.addi %add3A_69, %add3A_139 : i32
    %jit3A_141 = arith.constant 16 : i32
    %div3A = arith.divsi %add3A_140, %jit3A_141 : i32
    %sign3A = arith.constant 0 : i32
    %sign3A_142 = arith.cmpi sgt, %add3A_140, %sign3A : i32
    %sign3A_143 = arith.extui %sign3A_142 : i1 to i32
    %sign3A_144 = arith.constant 0 : i32
    %sign3A_145 = arith.cmpi slt, %add3A_140, %sign3A_144 : i32
    %sign3A_146 = arith.extui %sign3A_145 : i1 to i32
    %sign3A_147 = arith.subi %sign3A_143, %sign3A_146 : i32
    %sign3A_148 = arith.constant 0 : i32
    %sign3A_149 = arith.cmpi sgt, %jit3A_141, %sign3A_148 : i32
    %sign3A_150 = arith.extui %sign3A_149 : i1 to i32
    %sign3A_151 = arith.constant 0 : i32
    %sign3A_152 = arith.cmpi slt, %jit3A_141, %sign3A_151 : i32
    %sign3A_153 = arith.extui %sign3A_152 : i1 to i32
    %sign3A_154 = arith.subi %sign3A_150, %sign3A_153 : i32
    %ne3A = arith.cmpi ne, %sign3A_147, %sign3A_154 : i32
    %rem3A = arith.remsi %add3A_140, %jit3A_141 : i32
    %ne3A_155 = arith.constant 0 : i32
    %ne3A_156 = arith.cmpi ne, %rem3A, %ne3A_155 : i32
    %and3A_157 = arith.andi %ne3A, %ne3A_156 : i1
    %sub3A_158 = arith.constant 1 : i32
    %sub3A_159 = arith.subi %div3A, %sub3A_158 : i32
    %select_n3A_160 = arith.select %and3A_157, %sub3A_159, %div3A : i32
    %while3A = arith.constant 0 : i32
    %while3A_161 = arith.constant 0 : i32
    %while3A_162 = arith.subi %select_n3A_160, %while3A : i32
    %while3A_163 = arith.addi %while3A, %while3A_162 : i32
    %while3A_164 = arith.constant 1 : i32
    %while3A_165 = arith.divsi %while3A_162, %while3A_164 : i32
    %while3A_166 = arith.muli %while3A_165, %while3A_164 : i32
    %while3A_167 = arith.addi %while3A, %while3A_166 : i32
    %while3A_168 = arith.constant 1 : i32
    %while3A_169 = scf.for %while3A_327 = %while3A to %while3A_167 step %while3A_168 iter_args(%while3A_328 = %while3A_161) -> (i32)  : i32 {
      %mul3A_329 = arith.constant 16 : i32
      %mul3A_330 = arith.muli %while3A_327, %mul3A_329 : i32
      %get3A_331 = arith.index_cast %mul3A_330 : i32 to index
      %get3A_332 = tpu.vector_load %arg12[%get3A_331] {strides = array<i32>} : memref<10368xi32, #tpu.memory_space<vmem>>, vector<16xi32>,
      tpu.vector_store_idx %arg16[%get3A_332], %broadcast_in_dim3A_10 {add = true} : memref<2064xf32, #tpu.memory_space<vmem>>[vector<16xi32>], vector<16xf32>,
      %while3A_333 = arith.constant 0 : i32
      scf.yield %while3A_333 : i32
    }
    %while3A_170 = arith.constant 1 : i32
    %while3A_171 = scf.for %while3A_327 = %while3A_167 to %while3A_163 step %while3A_170 iter_args(%while3A_328 = %while3A_169) -> (i32)  : i32 {
      %mul3A_329 = arith.constant 16 : i32
      %mul3A_330 = arith.muli %while3A_327, %mul3A_329 : i32
      %get3A_331 = arith.index_cast %mul3A_330 : i32 to index
      %get3A_332 = tpu.vector_load %arg12[%get3A_331] {strides = array<i32>} : memref<10368xi32, #tpu.memory_space<vmem>>, vector<16xi32>,
      tpu.vector_store_idx %arg16[%get3A_332], %broadcast_in_dim3A_10 {add = true} : memref<2064xf32, #tpu.memory_space<vmem>>[vector<16xi32>], vector<16xf32>,
      %while3A_333 = arith.constant 0 : i32
      scf.yield %while3A_333 : i32
    }
    %add3A_172 = arith.constant 128 : i32
    %add3A_173 = arith.addi %add3A_69, %add3A_172 : i32
    %sub3A_174 = arith.constant 1 : i32
    %sub3A_175 = arith.subi %add3A_173, %sub3A_174 : i32
    %jit3A_176 = arith.constant 128 : i32
    %div3A_177 = arith.divsi %sub3A_175, %jit3A_176 : i32
    %sign3A_178 = arith.constant 0 : i32
    %sign3A_179 = arith.cmpi sgt, %sub3A_175, %sign3A_178 : i32
    %sign3A_180 = arith.extui %sign3A_179 : i1 to i32
    %sign3A_181 = arith.constant 0 : i32
    %sign3A_182 = arith.cmpi slt, %sub3A_175, %sign3A_181 : i32
    %sign3A_183 = arith.extui %sign3A_182 : i1 to i32
    %sign3A_184 = arith.subi %sign3A_180, %sign3A_183 : i32
    %sign3A_185 = arith.constant 0 : i32
    %sign3A_186 = arith.cmpi sgt, %jit3A_176, %sign3A_185 : i32
    %sign3A_187 = arith.extui %sign3A_186 : i1 to i32
    %sign3A_188 = arith.constant 0 : i32
    %sign3A_189 = arith.cmpi slt, %jit3A_176, %sign3A_188 : i32
    %sign3A_190 = arith.extui %sign3A_189 : i1 to i32
    %sign3A_191 = arith.subi %sign3A_187, %sign3A_190 : i32
    %ne3A_192 = arith.cmpi ne, %sign3A_184, %sign3A_191 : i32
    %rem3A_193 = arith.remsi %sub3A_175, %jit3A_176 : i32
    %ne3A_194 = arith.constant 0 : i32
    %ne3A_195 = arith.cmpi ne, %rem3A_193, %ne3A_194 : i32
    %and3A_196 = arith.andi %ne3A_192, %ne3A_195 : i1
    %sub3A_197 = arith.constant 1 : i32
    %sub3A_198 = arith.subi %div3A_177, %sub3A_197 : i32
    %select_n3A_199 = arith.select %and3A_196, %sub3A_198, %div3A_177 : i32
    %gt3A = arith.constant 0 : i32
    %gt3A_200 = arith.cmpi sgt, %select_n3A_199, %gt3A : i32
    %convert_element_type3A_201 = arith.extui %gt3A_200 : i1 to i32
    %cond3A_202 = arith.constant 0 : i32
    %cond3A_203 = arith.cmpi ne, %convert_element_type3A_201, %cond3A_202 : i32
    scf.if %cond3A_203 {
      %eq3A_327 = arith.constant 0 : i32
      %eq3A_328 = arith.cmpi eq, %arg0, %eq3A_327 : i32
      %convert_element_type3A_329 = arith.extui %eq3A_328 : i1 to i32
      %cond3A_330 = arith.constant 0 : i32
      %cond3A_331 = arith.cmpi ne, %convert_element_type3A_329, %cond3A_330 : i32
      scf.if %cond3A_331 {
        %dma_start3A = arith.constant 0 : i32
        %dma_start3A_337 = tpu.memref_slice %arg11[%dma_start3A] : memref<10368xi32, #tpu.memory_space<vmem>> -> memref<128xi32, #tpu.memory_space<vmem>>
        %dma_start3A_338 = arith.constant 0 : i32
        %dma_start3A_339 = arith.constant 0 : i32
        %dma_start3A_340 = tpu.memref_slice %arg4[%dma_start3A_338, %dma_start3A_339] : memref<10000x128xf32, #tpu.memory_space<hbm>> -> memref<10000x128xf32, #tpu.memory_space<hbm>>
        tpu.enqueue_indirect_dma source(%dma_start3A_340 : memref<10000x128xf32, #tpu.memory_space<hbm>>) target(%arg13 : memref<128x128xf32, #tpu.memory_space<vmem>>) offsets(%dma_start3A_337 : memref<128xi32, #tpu.memory_space<vmem>>) semaphore(%arg20 : memref<!tpu.dma_semaphore, #tpu.memory_space<semaphore_mem>>)
      } else {
      }
      %eq3A_332 = arith.constant 1 : i32
      %eq3A_333 = arith.cmpi eq, %arg0, %eq3A_332 : i32
      %convert_element_type3A_334 = arith.extui %eq3A_333 : i1 to i32
      %cond3A_335 = arith.constant 0 : i32
      %cond3A_336 = arith.cmpi ne, %convert_element_type3A_334, %cond3A_335 : i32
      scf.if %cond3A_336 {
        %dma_start3A = arith.constant 0 : i32
        %dma_start3A_337 = tpu.memref_slice %arg11[%dma_start3A] : memref<10368xi32, #tpu.memory_space<vmem>> -> memref<128xi32, #tpu.memory_space<vmem>>
        %dma_start3A_338 = arith.constant 0 : i32
        %dma_start3A_339 = arith.constant 0 : i32
        %dma_start3A_340 = tpu.memref_slice %arg5[%dma_start3A_338, %dma_start3A_339] : memref<10000x128xf32, #tpu.memory_space<hbm>> -> memref<10000x128xf32, #tpu.memory_space<hbm>>
        tpu.enqueue_indirect_dma source(%dma_start3A_340 : memref<10000x128xf32, #tpu.memory_space<hbm>>) target(%arg13 : memref<128x128xf32, #tpu.memory_space<vmem>>) offsets(%dma_start3A_337 : memref<128xi32, #tpu.memory_space<vmem>>) semaphore(%arg20 : memref<!tpu.dma_semaphore, #tpu.memory_space<semaphore_mem>>)
      } else {
      }
    } else {
    }
    %gt3A_204 = arith.constant 1 : i32
    %gt3A_205 = arith.cmpi sgt, %select_n3A_199, %gt3A_204 : i32
    %convert_element_type3A_206 = arith.extui %gt3A_205 : i1 to i32
    %cond3A_207 = arith.constant 0 : i32
    %cond3A_208 = arith.cmpi ne, %convert_element_type3A_206, %cond3A_207 : i32
    scf.if %cond3A_208 {
      %eq3A_327 = arith.constant 0 : i32
      %eq3A_328 = arith.cmpi eq, %arg0, %eq3A_327 : i32
      %convert_element_type3A_329 = arith.extui %eq3A_328 : i1 to i32
      %cond3A_330 = arith.constant 0 : i32
      %cond3A_331 = arith.cmpi ne, %convert_element_type3A_329, %cond3A_330 : i32
      scf.if %cond3A_331 {
        %dma_start3A = arith.constant 128 : i32
        %dma_start3A_337 = tpu.memref_slice %arg11[%dma_start3A] : memref<10368xi32, #tpu.memory_space<vmem>> -> memref<128xi32, #tpu.memory_space<vmem>>
        %dma_start3A_338 = arith.constant 0 : i32
        %dma_start3A_339 = arith.constant 0 : i32
        %dma_start3A_340 = tpu.memref_slice %arg4[%dma_start3A_338, %dma_start3A_339] : memref<10000x128xf32, #tpu.memory_space<hbm>> -> memref<10000x128xf32, #tpu.memory_space<hbm>>
        tpu.enqueue_indirect_dma source(%dma_start3A_340 : memref<10000x128xf32, #tpu.memory_space<hbm>>) target(%arg14 : memref<128x128xf32, #tpu.memory_space<vmem>>) offsets(%dma_start3A_337 : memref<128xi32, #tpu.memory_space<vmem>>) semaphore(%arg21 : memref<!tpu.dma_semaphore, #tpu.memory_space<semaphore_mem>>)
      } else {
      }
      %eq3A_332 = arith.constant 1 : i32
      %eq3A_333 = arith.cmpi eq, %arg0, %eq3A_332 : i32
      %convert_element_type3A_334 = arith.extui %eq3A_333 : i1 to i32
      %cond3A_335 = arith.constant 0 : i32
      %cond3A_336 = arith.cmpi ne, %convert_element_type3A_334, %cond3A_335 : i32
      scf.if %cond3A_336 {
        %dma_start3A = arith.constant 128 : i32
        %dma_start3A_337 = tpu.memref_slice %arg11[%dma_start3A] : memref<10368xi32, #tpu.memory_space<vmem>> -> memref<128xi32, #tpu.memory_space<vmem>>
        %dma_start3A_338 = arith.constant 0 : i32
        %dma_start3A_339 = arith.constant 0 : i32
        %dma_start3A_340 = tpu.memref_slice %arg5[%dma_start3A_338, %dma_start3A_339] : memref<10000x128xf32, #tpu.memory_space<hbm>> -> memref<10000x128xf32, #tpu.memory_space<hbm>>
        tpu.enqueue_indirect_dma source(%dma_start3A_340 : memref<10000x128xf32, #tpu.memory_space<hbm>>) target(%arg14 : memref<128x128xf32, #tpu.memory_space<vmem>>) offsets(%dma_start3A_337 : memref<128xi32, #tpu.memory_space<vmem>>) semaphore(%arg21 : memref<!tpu.dma_semaphore, #tpu.memory_space<semaphore_mem>>)
      } else {
      }
    } else {
    }
    %while3A_209 = arith.constant 0 : i32
    %while3A_210 = arith.constant 0 : i32
    %while3A_211 = arith.subi %select_n3A_199, %while3A_209 : i32
    %while3A_212 = arith.addi %while3A_209, %while3A_211 : i32
    %while3A_213 = arith.constant 1 : i32
    %while3A_214 = arith.divsi %while3A_211, %while3A_213 : i32
    %while3A_215 = arith.muli %while3A_214, %while3A_213 : i32
    %while3A_216 = arith.addi %while3A_209, %while3A_215 : i32
    %while3A_217 = arith.constant 1 : i32
    %while3A_218 = scf.for %while3A_327 = %while3A_209 to %while3A_216 step %while3A_217 iter_args(%while3A_328 = %while3A_210) -> (i32)  : i32 {
      %jit3A_329 = arith.constant 3 : i32
      %eq3A_330 = arith.constant 0 : i32
      %eq3A_331 = arith.cmpi eq, %jit3A_329, %eq3A_330 : i32
      %jit3A_332 = arith.constant 1 : i32
      %select_n3A_333 = arith.select %eq3A_331, %jit3A_332, %jit3A_329 : i32
      %rem3A_334 = arith.remsi %while3A_327, %select_n3A_333 : i32
      %ne3A_335 = arith.constant 0 : i32
      %ne3A_336 = arith.cmpi ne, %rem3A_334, %ne3A_335 : i32
      %lt3A_337 = arith.constant 0 : i32
      %lt3A_338 = arith.cmpi slt, %rem3A_334, %lt3A_337 : i32
      %lt3A_339 = arith.constant 0 : i32
      %lt3A_340 = arith.cmpi slt, %select_n3A_333, %lt3A_339 : i32
      %ne3A_341 = arith.xori %lt3A_338, %lt3A_340 : i1
      %and3A_342 = arith.andi %ne3A_341, %ne3A_336 : i1
      %add3A_343 = arith.addi %rem3A_334, %select_n3A_333 : i32
      %select_n3A_344 = arith.select %and3A_342, %add3A_343, %rem3A_334 : i32
      %eq3A_345 = arith.constant 0 : i32
      %eq3A_346 = arith.cmpi eq, %select_n3A_344, %eq3A_345 : i32
      %convert_element_type3A_347 = arith.extui %eq3A_346 : i1 to i32
      %cond3A_348 = arith.constant 0 : i32
      %cond3A_349 = arith.cmpi ne, %convert_element_type3A_347, %cond3A_348 : i32
      scf.if %cond3A_349 {
        %dma_wait3A = arith.constant 0 : i32
        %dma_wait3A_361 = arith.constant 0 : i32
        %dma_wait3A_362 = tpu.memref_slice %arg4[%dma_wait3A, %dma_wait3A_361] : memref<10000x128xf32, #tpu.memory_space<hbm>> -> memref<128x128xf32, #tpu.memory_space<hbm>>
        %dma_wait3A_363 = arith.constant 0 : i32
        %dma_wait3A_364 = arith.constant 0 : i32
        %dma_wait3A_365 = tpu.memref_slice %arg4[%dma_wait3A_363, %dma_wait3A_364] : memref<10000x128xf32, #tpu.memory_space<hbm>> -> memref<128x128xf32, #tpu.memory_space<hbm>>
        tpu.wait_dma2 semaphore(%arg20 : memref<!tpu.dma_semaphore, #tpu.memory_space<semaphore_mem>>) src(%dma_wait3A_365 : memref<128x128xf32, #tpu.memory_space<hbm>>) dst(%arg13 : memref<128x128xf32, #tpu.memory_space<vmem>>)
        %ge3A_366 = arith.constant 1 : i32
        %ge3A_367 = arith.cmpi sge, %while3A_327, %ge3A_366 : i32
        %convert_element_type3A_368 = arith.extui %ge3A_367 : i1 to i32
        %cond3A_369 = arith.constant 0 : i32
        %cond3A_370 = arith.cmpi ne, %convert_element_type3A_368, %cond3A_369 : i32
        scf.if %cond3A_370 {
          %dma_wait3A_472 = arith.constant 0 : i32
          %dma_wait3A_473 = arith.constant 0 : i32
          %dma_wait3A_474 = tpu.memref_slice %arg4[%dma_wait3A_472, %dma_wait3A_473] : memref<10000x128xf32, #tpu.memory_space<hbm>> -> memref<128x128xf32, #tpu.memory_space<hbm>>
          %dma_wait3A_475 = arith.constant 0 : i32
          %dma_wait3A_476 = arith.constant 0 : i32
          %dma_wait3A_477 = tpu.memref_slice %arg4[%dma_wait3A_475, %dma_wait3A_476] : memref<10000x128xf32, #tpu.memory_space<hbm>> -> memref<128x128xf32, #tpu.memory_space<hbm>>
          tpu.wait_dma2 semaphore(%arg25 : memref<!tpu.dma_semaphore, #tpu.memory_space<semaphore_mem>>) src(%dma_wait3A_477 : memref<128x128xf32, #tpu.memory_space<hbm>>) dst(%arg15 : memref<128x128xf32, #tpu.memory_space<vmem>>)
        } else {
        }
        %add3A_371 = arith.constant 2 : i32
        %add3A_372 = arith.addi %while3A_327, %add3A_371 : i32
        %lt3A_373 = arith.cmpi slt, %add3A_372, %select_n3A_199 : i32
        %convert_element_type3A_374 = arith.extui %lt3A_373 : i1 to i32
        %cond3A_375 = arith.constant 0 : i32
        %cond3A_376 = arith.cmpi ne, %convert_element_type3A_374, %cond3A_375 : i32
        scf.if %cond3A_376 {
          %add3A_472 = arith.constant 2 : i32
          %add3A_473 = arith.addi %while3A_327, %add3A_472 : i32
          %mul3A_474 = arith.constant 128 : i32
          %mul3A_475 = arith.muli %add3A_473, %mul3A_474 : i32
          %eq3A_476 = arith.constant 0 : i32
          %eq3A_477 = arith.cmpi eq, %arg0, %eq3A_476 : i32
          %convert_element_type3A_478 = arith.extui %eq3A_477 : i1 to i32
          %cond3A_479 = arith.constant 0 : i32
          %cond3A_480 = arith.cmpi ne, %convert_element_type3A_478, %cond3A_479 : i32
          scf.if %cond3A_480 {
            %dma_start3A_486 = tpu.memref_slice %arg11[%mul3A_475] : memref<10368xi32, #tpu.memory_space<vmem>> -> memref<128xi32, #tpu.memory_space<vmem>>
            %dma_start3A_487 = arith.constant 0 : i32
            %dma_start3A_488 = arith.constant 0 : i32
            %dma_start3A_489 = tpu.memref_slice %arg4[%dma_start3A_487, %dma_start3A_488] : memref<10000x128xf32, #tpu.memory_space<hbm>> -> memref<10000x128xf32, #tpu.memory_space<hbm>>
            tpu.enqueue_indirect_dma source(%dma_start3A_489 : memref<10000x128xf32, #tpu.memory_space<hbm>>) target(%arg15 : memref<128x128xf32, #tpu.memory_space<vmem>>) offsets(%dma_start3A_486 : memref<128xi32, #tpu.memory_space<vmem>>) semaphore(%arg22 : memref<!tpu.dma_semaphore, #tpu.memory_space<semaphore_mem>>)
          } else {
          }
          %eq3A_481 = arith.constant 1 : i32
          %eq3A_482 = arith.cmpi eq, %arg0, %eq3A_481 : i32
          %convert_element_type3A_483 = arith.extui %eq3A_482 : i1 to i32
          %cond3A_484 = arith.constant 0 : i32
          %cond3A_485 = arith.cmpi ne, %convert_element_type3A_483, %cond3A_484 : i32
          scf.if %cond3A_485 {
            %dma_start3A_486 = tpu.memref_slice %arg11[%mul3A_475] : memref<10368xi32, #tpu.memory_space<vmem>> -> memref<128xi32, #tpu.memory_space<vmem>>
            %dma_start3A_487 = arith.constant 0 : i32
            %dma_start3A_488 = arith.constant 0 : i32
            %dma_start3A_489 = tpu.memref_slice %arg5[%dma_start3A_487, %dma_start3A_488] : memref<10000x128xf32, #tpu.memory_space<hbm>> -> memref<10000x128xf32, #tpu.memory_space<hbm>>
            tpu.enqueue_indirect_dma source(%dma_start3A_489 : memref<10000x128xf32, #tpu.memory_space<hbm>>) target(%arg15 : memref<128x128xf32, #tpu.memory_space<vmem>>) offsets(%dma_start3A_486 : memref<128xi32, #tpu.memory_space<vmem>>) semaphore(%arg22 : memref<!tpu.dma_semaphore, #tpu.memory_space<semaphore_mem>>)
          } else {
          }
        } else {
        }
        %mul3A_377 = arith.constant 128 : i32
        %mul3A_378 = arith.muli %while3A_327, %mul3A_377 : i32
        %add3A_379 = arith.constant 0 : i32
        %add3A_380 = arith.addi %mul3A_378, %add3A_379 : i32
        %get3A_381 = arith.index_cast %add3A_380 : i32 to index
        %get3A_382 = tpu.vector_load %arg12[%get3A_381] {strides = array<i32>} : memref<10368xi32, #tpu.memory_space<vmem>>, vector<16xi32>,
        %dma_start3A = arith.constant 0 : i32
        %dma_start3A_383 = arith.constant 0 : i32
        %dma_start3A_384 = tpu.memref_slice %arg13[%dma_start3A, %dma_start3A_383] : memref<128x128xf32, #tpu.memory_space<vmem>> -> memref<16x128xf32, #tpu.memory_space<vmem>>
        %dma_start3A_385 = arith.constant 0 : i32
        %dma_start3A_386 = arith.constant 0 : i32
        %dma_start3A_387 = tpu.memref_slice %arg18[%dma_start3A_385, %dma_start3A_386] : memref<2064x128xf32, #tpu.memory_space<vmem_shared>> -> memref<2064x128xf32, #tpu.memory_space<vmem_shared>>
        tpu.enqueue_indirect_dma source(%dma_start3A_384 : memref<16x128xf32, #tpu.memory_space<vmem>>) target(%dma_start3A_387 : memref<2064x128xf32, #tpu.memory_space<vmem_shared>>) offsets(%get3A_382 : vector<16xi32>) semaphore(%arg23 : memref<!tpu.dma_semaphore, #tpu.memory_space<semaphore_mem>>) {add = true}
        %mul3A_388 = arith.constant 128 : i32
        %mul3A_389 = arith.muli %while3A_327, %mul3A_388 : i32
        %add3A_390 = arith.constant 16 : i32
        %add3A_391 = arith.addi %mul3A_389, %add3A_390 : i32
        %get3A_392 = arith.index_cast %add3A_391 : i32 to index
        %get3A_393 = tpu.vector_load %arg12[%get3A_392] {strides = array<i32>} : memref<10368xi32, #tpu.memory_space<vmem>>, vector<16xi32>,
        %dma_start3A_394 = arith.constant 16 : i32
        %dma_start3A_395 = arith.constant 0 : i32
        %dma_start3A_396 = tpu.memref_slice %arg13[%dma_start3A_394, %dma_start3A_395] : memref<128x128xf32, #tpu.memory_space<vmem>> -> memref<16x128xf32, #tpu.memory_space<vmem>>
        %dma_start3A_397 = arith.constant 0 : i32
        %dma_start3A_398 = arith.constant 0 : i32
        %dma_start3A_399 = tpu.memref_slice %arg18[%dma_start3A_397, %dma_start3A_398] : memref<2064x128xf32, #tpu.memory_space<vmem_shared>> -> memref<2064x128xf32, #tpu.memory_space<vmem_shared>>
        tpu.enqueue_indirect_dma source(%dma_start3A_396 : memref<16x128xf32, #tpu.memory_space<vmem>>) target(%dma_start3A_399 : memref<2064x128xf32, #tpu.memory_space<vmem_shared>>) offsets(%get3A_393 : vector<16xi32>) semaphore(%arg23 : memref<!tpu.dma_semaphore, #tpu.memory_space<semaphore_mem>>) {add = true}
        %mul3A_400 = arith.constant 128 : i32
        %mul3A_401 = arith.muli %while3A_327, %mul3A_400 : i32
        %add3A_402 = arith.constant 32 : i32
        %add3A_403 = arith.addi %mul3A_401, %add3A_402 : i32
        %get3A_404 = arith.index_cast %add3A_403 : i32 to index
        %get3A_405 = tpu.vector_load %arg12[%get3A_404] {strides = array<i32>} : memref<10368xi32, #tpu.memory_space<vmem>>, vector<16xi32>,
        %dma_start3A_406 = arith.constant 32 : i32
        %dma_start3A_407 = arith.constant 0 : i32
        %dma_start3A_408 = tpu.memref_slice %arg13[%dma_start3A_406, %dma_start3A_407] : memref<128x128xf32, #tpu.memory_space<vmem>> -> memref<16x128xf32, #tpu.memory_space<vmem>>
        %dma_start3A_409 = arith.constant 0 : i32
        %dma_start3A_410 = arith.constant 0 : i32
        %dma_start3A_411 = tpu.memref_slice %arg18[%dma_start3A_409, %dma_start3A_410] : memref<2064x128xf32, #tpu.memory_space<vmem_shared>> -> memref<2064x128xf32, #tpu.memory_space<vmem_shared>>
        tpu.enqueue_indirect_dma source(%dma_start3A_408 : memref<16x128xf32, #tpu.memory_space<vmem>>) target(%dma_start3A_411 : memref<2064x128xf32, #tpu.memory_space<vmem_shared>>) offsets(%get3A_405 : vector<16xi32>) semaphore(%arg23 : memref<!tpu.dma_semaphore, #tpu.memory_space<semaphore_mem>>) {add = true}
        %mul3A_412 = arith.constant 128 : i32
        %mul3A_413 = arith.muli %while3A_327, %mul3A_412 : i32
        %add3A_414 = arith.constant 48 : i32
        %add3A_415 = arith.addi %mul3A_413, %add3A_414 : i32
        %get3A_416 = arith.index_cast %add3A_415 : i32 to index
        %get3A_417 = tpu.vector_load %arg12[%get3A_416] {strides = array<i32>} : memref<10368xi32, #tpu.memory_space<vmem>>, vector<16xi32>,
        %dma_start3A_418 = arith.constant 48 : i32
        %dma_start3A_419 = arith.constant 0 : i32
        %dma_start3A_420 = tpu.memref_slice %arg13[%dma_start3A_418, %dma_start3A_419] : memref<128x128xf32, #tpu.memory_space<vmem>> -> memref<16x128xf32, #tpu.memory_space<vmem>>
        %dma_start3A_421 = arith.constant 0 : i32
        %dma_start3A_422 = arith.constant 0 : i32
        %dma_start3A_423 = tpu.memref_slice %arg18[%dma_start3A_421, %dma_start3A_422] : memref<2064x128xf32, #tpu.memory_space<vmem_shared>> -> memref<2064x128xf32, #tpu.memory_space<vmem_shared>>
        tpu.enqueue_indirect_dma source(%dma_start3A_420 : memref<16x128xf32, #tpu.memory_space<vmem>>) target(%dma_start3A_423 : memref<2064x128xf32, #tpu.memory_space<vmem_shared>>) offsets(%get3A_417 : vector<16xi32>) semaphore(%arg23 : memref<!tpu.dma_semaphore, #tpu.memory_space<semaphore_mem>>) {add = true}
        %mul3A_424 = arith.constant 128 : i32
        %mul3A_425 = arith.muli %while3A_327, %mul3A_424 : i32
        %add3A_426 = arith.constant 64 : i32
        %add3A_427 = arith.addi %mul3A_425, %add3A_426 : i32
        %get3A_428 = arith.index_cast %add3A_427 : i32 to index
        %get3A_429 = tpu.vector_load %arg12[%get3A_428] {strides = array<i32>} : memref<10368xi32, #tpu.memory_space<vmem>>, vector<16xi32>,
        %dma_start3A_430 = arith.constant 64 : i32
        %dma_start3A_431 = arith.constant 0 : i32
        %dma_start3A_432 = tpu.memref_slice %arg13[%dma_start3A_430, %dma_start3A_431] : memref<128x128xf32, #tpu.memory_space<vmem>> -> memref<16x128xf32, #tpu.memory_space<vmem>>
        %dma_start3A_433 = arith.constant 0 : i32
        %dma_start3A_434 = arith.constant 0 : i32
        %dma_start3A_435 = tpu.memref_slice %arg18[%dma_start3A_433, %dma_start3A_434] : memref<2064x128xf32, #tpu.memory_space<vmem_shared>> -> memref<2064x128xf32, #tpu.memory_space<vmem_shared>>
        tpu.enqueue_indirect_dma source(%dma_start3A_432 : memref<16x128xf32, #tpu.memory_space<vmem>>) target(%dma_start3A_435 : memref<2064x128xf32, #tpu.memory_space<vmem_shared>>) offsets(%get3A_429 : vector<16xi32>) semaphore(%arg23 : memref<!tpu.dma_semaphore, #tpu.memory_space<semaphore_mem>>) {add = true}
        %mul3A_436 = arith.constant 128 : i32
        %mul3A_437 = arith.muli %while3A_327, %mul3A_436 : i32
        %add3A_438 = arith.constant 80 : i32
        %add3A_439 = arith.addi %mul3A_437, %add3A_438 : i32
        %get3A_440 = arith.index_cast %add3A_439 : i32 to index
        %get3A_441 = tpu.vector_load %arg12[%get3A_440] {strides = array<i32>} : memref<10368xi32, #tpu.memory_space<vmem>>, vector<16xi32>,
        %dma_start3A_442 = arith.constant 80 : i32
        %dma_start3A_443 = arith.constant 0 : i32
        %dma_start3A_444 = tpu.memref_slice %arg13[%dma_start3A_442, %dma_start3A_443] : memref<128x128xf32, #tpu.memory_space<vmem>> -> memref<16x128xf32, #tpu.memory_space<vmem>>
        %dma_start3A_445 = arith.constant 0 : i32
        %dma_start3A_446 = arith.constant 0 : i32
        %dma_start3A_447 = tpu.memref_slice %arg18[%dma_start3A_445, %dma_start3A_446] : memref<2064x128xf32, #tpu.memory_space<vmem_shared>> -> memref<2064x128xf32, #tpu.memory_space<vmem_shared>>
        tpu.enqueue_indirect_dma source(%dma_start3A_444 : memref<16x128xf32, #tpu.memory_space<vmem>>) target(%dma_start3A_447 : memref<2064x128xf32, #tpu.memory_space<vmem_shared>>) offsets(%get3A_441 : vector<16xi32>) semaphore(%arg23 : memref<!tpu.dma_semaphore, #tpu.memory_space<semaphore_mem>>) {add = true}
        %mul3A_448 = arith.constant 128 : i32
        %mul3A_449 = arith.muli %while3A_327, %mul3A_448 : i32
        %add3A_450 = arith.constant 96 : i32
        %add3A_451 = arith.addi %mul3A_449, %add3A_450 : i32
        %get3A_452 = arith.index_cast %add3A_451 : i32 to index
        %get3A_453 = tpu.vector_load %arg12[%get3A_452] {strides = array<i32>} : memref<10368xi32, #tpu.memory_space<vmem>>, vector<16xi32>,
        %dma_start3A_454 = arith.constant 96 : i32
        %dma_start3A_455 = arith.constant 0 : i32
        %dma_start3A_456 = tpu.memref_slice %arg13[%dma_start3A_454, %dma_start3A_455] : memref<128x128xf32, #tpu.memory_space<vmem>> -> memref<16x128xf32, #tpu.memory_space<vmem>>
        %dma_start3A_457 = arith.constant 0 : i32
        %dma_start3A_458 = arith.constant 0 : i32
        %dma_start3A_459 = tpu.memref_slice %arg18[%dma_start3A_457, %dma_start3A_458] : memref<2064x128xf32, #tpu.memory_space<vmem_shared>> -> memref<2064x128xf32, #tpu.memory_space<vmem_shared>>
        tpu.enqueue_indirect_dma source(%dma_start3A_456 : memref<16x128xf32, #tpu.memory_space<vmem>>) target(%dma_start3A_459 : memref<2064x128xf32, #tpu.memory_space<vmem_shared>>) offsets(%get3A_453 : vector<16xi32>) semaphore(%arg23 : memref<!tpu.dma_semaphore, #tpu.memory_space<semaphore_mem>>) {add = true}
        %mul3A_460 = arith.constant 128 : i32
        %mul3A_461 = arith.muli %while3A_327, %mul3A_460 : i32
        %add3A_462 = arith.constant 112 : i32
        %add3A_463 = arith.addi %mul3A_461, %add3A_462 : i32
        %get3A_464 = arith.index_cast %add3A_463 : i32 to index
        %get3A_465 = tpu.vector_load %arg12[%get3A_464] {strides = array<i32>} : memref<10368xi32, #tpu.memory_space<vmem>>, vector<16xi32>,
        %dma_start3A_466 = arith.constant 112 : i32
        %dma_start3A_467 = arith.constant 0 : i32
        %dma_start3A_468 = tpu.memref_slice %arg13[%dma_start3A_466, %dma_start3A_467] : memref<128x128xf32, #tpu.memory_space<vmem>> -> memref<16x128xf32, #tpu.memory_space<vmem>>
        %dma_start3A_469 = arith.constant 0 : i32
        %dma_start3A_470 = arith.constant 0 : i32
        %dma_start3A_471 = tpu.memref_slice %arg18[%dma_start3A_469, %dma_start3A_470] : memref<2064x128xf32, #tpu.memory_space<vmem_shared>> -> memref<2064x128xf32, #tpu.memory_space<vmem_shared>>
        tpu.enqueue_indirect_dma source(%dma_start3A_468 : memref<16x128xf32, #tpu.memory_space<vmem>>) target(%dma_start3A_471 : memref<2064x128xf32, #tpu.memory_space<vmem_shared>>) offsets(%get3A_465 : vector<16xi32>) semaphore(%arg23 : memref<!tpu.dma_semaphore, #tpu.memory_space<semaphore_mem>>) {add = true}
      } else {
      }
      %eq3A_350 = arith.constant 1 : i32
      %eq3A_351 = arith.cmpi eq, %select_n3A_344, %eq3A_350 : i32
      %convert_element_type3A_352 = arith.extui %eq3A_351 : i1 to i32
      %cond3A_353 = arith.constant 0 : i32
      %cond3A_354 = arith.cmpi ne, %convert_element_type3A_352, %cond3A_353 : i32
      scf.if %cond3A_354 {
        %dma_wait3A = arith.constant 0 : i32
        %dma_wait3A_361 = arith.constant 0 : i32
        %dma_wait3A_362 = tpu.memref_slice %arg4[%dma_wait3A, %dma_wait3A_361] : memref<10000x128xf32, #tpu.memory_space<hbm>> -> memref<128x128xf32, #tpu.memory_space<hbm>>
        %dma_wait3A_363 = arith.constant 0 : i32
        %dma_wait3A_364 = arith.constant 0 : i32
        %dma_wait3A_365 = tpu.memref_slice %arg4[%dma_wait3A_363, %dma_wait3A_364] : memref<10000x128xf32, #tpu.memory_space<hbm>> -> memref<128x128xf32, #tpu.memory_space<hbm>>
        tpu.wait_dma2 semaphore(%arg21 : memref<!tpu.dma_semaphore, #tpu.memory_space<semaphore_mem>>) src(%dma_wait3A_365 : memref<128x128xf32, #tpu.memory_space<hbm>>) dst(%arg14 : memref<128x128xf32, #tpu.memory_space<vmem>>)
        %ge3A_366 = arith.constant 1 : i32
        %ge3A_367 = arith.cmpi sge, %while3A_327, %ge3A_366 : i32
        %convert_element_type3A_368 = arith.extui %ge3A_367 : i1 to i32
        %cond3A_369 = arith.constant 0 : i32
        %cond3A_370 = arith.cmpi ne, %convert_element_type3A_368, %cond3A_369 : i32
        scf.if %cond3A_370 {
          %dma_wait3A_472 = arith.constant 0 : i32
          %dma_wait3A_473 = arith.constant 0 : i32
          %dma_wait3A_474 = tpu.memref_slice %arg4[%dma_wait3A_472, %dma_wait3A_473] : memref<10000x128xf32, #tpu.memory_space<hbm>> -> memref<128x128xf32, #tpu.memory_space<hbm>>
          %dma_wait3A_475 = arith.constant 0 : i32
          %dma_wait3A_476 = arith.constant 0 : i32
          %dma_wait3A_477 = tpu.memref_slice %arg4[%dma_wait3A_475, %dma_wait3A_476] : memref<10000x128xf32, #tpu.memory_space<hbm>> -> memref<128x128xf32, #tpu.memory_space<hbm>>
          tpu.wait_dma2 semaphore(%arg23 : memref<!tpu.dma_semaphore, #tpu.memory_space<semaphore_mem>>) src(%dma_wait3A_477 : memref<128x128xf32, #tpu.memory_space<hbm>>) dst(%arg13 : memref<128x128xf32, #tpu.memory_space<vmem>>)
        } else {
        }
        %add3A_371 = arith.constant 2 : i32
        %add3A_372 = arith.addi %while3A_327, %add3A_371 : i32
        %lt3A_373 = arith.cmpi slt, %add3A_372, %select_n3A_199 : i32
        %convert_element_type3A_374 = arith.extui %lt3A_373 : i1 to i32
        %cond3A_375 = arith.constant 0 : i32
        %cond3A_376 = arith.cmpi ne, %convert_element_type3A_374, %cond3A_375 : i32
        scf.if %cond3A_376 {
          %add3A_472 = arith.constant 2 : i32
          %add3A_473 = arith.addi %while3A_327, %add3A_472 : i32
          %mul3A_474 = arith.constant 128 : i32
          %mul3A_475 = arith.muli %add3A_473, %mul3A_474 : i32
          %eq3A_476 = arith.constant 0 : i32
          %eq3A_477 = arith.cmpi eq, %arg0, %eq3A_476 : i32
          %convert_element_type3A_478 = arith.extui %eq3A_477 : i1 to i32
          %cond3A_479 = arith.constant 0 : i32
          %cond3A_480 = arith.cmpi ne, %convert_element_type3A_478, %cond3A_479 : i32
          scf.if %cond3A_480 {
            %dma_start3A_486 = tpu.memref_slice %arg11[%mul3A_475] : memref<10368xi32, #tpu.memory_space<vmem>> -> memref<128xi32, #tpu.memory_space<vmem>>
            %dma_start3A_487 = arith.constant 0 : i32
            %dma_start3A_488 = arith.constant 0 : i32
            %dma_start3A_489 = tpu.memref_slice %arg4[%dma_start3A_487, %dma_start3A_488] : memref<10000x128xf32, #tpu.memory_space<hbm>> -> memref<10000x128xf32, #tpu.memory_space<hbm>>
            tpu.enqueue_indirect_dma source(%dma_start3A_489 : memref<10000x128xf32, #tpu.memory_space<hbm>>) target(%arg13 : memref<128x128xf32, #tpu.memory_space<vmem>>) offsets(%dma_start3A_486 : memref<128xi32, #tpu.memory_space<vmem>>) semaphore(%arg20 : memref<!tpu.dma_semaphore, #tpu.memory_space<semaphore_mem>>)
          } else {
          }
          %eq3A_481 = arith.constant 1 : i32
          %eq3A_482 = arith.cmpi eq, %arg0, %eq3A_481 : i32
          %convert_element_type3A_483 = arith.extui %eq3A_482 : i1 to i32
          %cond3A_484 = arith.constant 0 : i32
          %cond3A_485 = arith.cmpi ne, %convert_element_type3A_483, %cond3A_484 : i32
          scf.if %cond3A_485 {
            %dma_start3A_486 = tpu.memref_slice %arg11[%mul3A_475] : memref<10368xi32, #tpu.memory_space<vmem>> -> memref<128xi32, #tpu.memory_space<vmem>>
            %dma_start3A_487 = arith.constant 0 : i32
            %dma_start3A_488 = arith.constant 0 : i32
            %dma_start3A_489 = tpu.memref_slice %arg5[%dma_start3A_487, %dma_start3A_488] : memref<10000x128xf32, #tpu.memory_space<hbm>> -> memref<10000x128xf32, #tpu.memory_space<hbm>>
            tpu.enqueue_indirect_dma source(%dma_start3A_489 : memref<10000x128xf32, #tpu.memory_space<hbm>>) target(%arg13 : memref<128x128xf32, #tpu.memory_space<vmem>>) offsets(%dma_start3A_486 : memref<128xi32, #tpu.memory_space<vmem>>) semaphore(%arg20 : memref<!tpu.dma_semaphore, #tpu.memory_space<semaphore_mem>>)
          } else {
          }
        } else {
        }
        %mul3A_377 = arith.constant 128 : i32
        %mul3A_378 = arith.muli %while3A_327, %mul3A_377 : i32
        %add3A_379 = arith.constant 0 : i32
        %add3A_380 = arith.addi %mul3A_378, %add3A_379 : i32
        %get3A_381 = arith.index_cast %add3A_380 : i32 to index
        %get3A_382 = tpu.vector_load %arg12[%get3A_381] {strides = array<i32>} : memref<10368xi32, #tpu.memory_space<vmem>>, vector<16xi32>,
        %dma_start3A = arith.constant 0 : i32
        %dma_start3A_383 = arith.constant 0 : i32
        %dma_start3A_384 = tpu.memref_slice %arg14[%dma_start3A, %dma_start3A_383] : memref<128x128xf32, #tpu.memory_space<vmem>> -> memref<16x128xf32, #tpu.memory_space<vmem>>
        %dma_start3A_385 = arith.constant 0 : i32
        %dma_start3A_386 = arith.constant 0 : i32
        %dma_start3A_387 = tpu.memref_slice %arg18[%dma_start3A_385, %dma_start3A_386] : memref<2064x128xf32, #tpu.memory_space<vmem_shared>> -> memref<2064x128xf32, #tpu.memory_space<vmem_shared>>
        tpu.enqueue_indirect_dma source(%dma_start3A_384 : memref<16x128xf32, #tpu.memory_space<vmem>>) target(%dma_start3A_387 : memref<2064x128xf32, #tpu.memory_space<vmem_shared>>) offsets(%get3A_382 : vector<16xi32>) semaphore(%arg24 : memref<!tpu.dma_semaphore, #tpu.memory_space<semaphore_mem>>) {add = true}
        %mul3A_388 = arith.constant 128 : i32
        %mul3A_389 = arith.muli %while3A_327, %mul3A_388 : i32
        %add3A_390 = arith.constant 16 : i32
        %add3A_391 = arith.addi %mul3A_389, %add3A_390 : i32
        %get3A_392 = arith.index_cast %add3A_391 : i32 to index
        %get3A_393 = tpu.vector_load %arg12[%get3A_392] {strides = array<i32>} : memref<10368xi32, #tpu.memory_space<vmem>>, vector<16xi32>,
        %dma_start3A_394 = arith.constant 16 : i32
        %dma_start3A_395 = arith.constant 0 : i32
        %dma_start3A_396 = tpu.memref_slice %arg14[%dma_start3A_394, %dma_start3A_395] : memref<128x128xf32, #tpu.memory_space<vmem>> -> memref<16x128xf32, #tpu.memory_space<vmem>>
        %dma_start3A_397 = arith.constant 0 : i32
        %dma_start3A_398 = arith.constant 0 : i32
        %dma_start3A_399 = tpu.memref_slice %arg18[%dma_start3A_397, %dma_start3A_398] : memref<2064x128xf32, #tpu.memory_space<vmem_shared>> -> memref<2064x128xf32, #tpu.memory_space<vmem_shared>>
        tpu.enqueue_indirect_dma source(%dma_start3A_396 : memref<16x128xf32, #tpu.memory_space<vmem>>) target(%dma_start3A_399 : memref<2064x128xf32, #tpu.memory_space<vmem_shared>>) offsets(%get3A_393 : vector<16xi32>) semaphore(%arg24 : memref<!tpu.dma_semaphore, #tpu.memory_space<semaphore_mem>>) {add = true}
        %mul3A_400 = arith.constant 128 : i32
        %mul3A_401 = arith.muli %while3A_327, %mul3A_400 : i32
        %add3A_402 = arith.constant 32 : i32
        %add3A_403 = arith.addi %mul3A_401, %add3A_402 : i32
        %get3A_404 = arith.index_cast %add3A_403 : i32 to index
        %get3A_405 = tpu.vector_load %arg12[%get3A_404] {strides = array<i32>} : memref<10368xi32, #tpu.memory_space<vmem>>, vector<16xi32>,
        %dma_start3A_406 = arith.constant 32 : i32
        %dma_start3A_407 = arith.constant 0 : i32
        %dma_start3A_408 = tpu.memref_slice %arg14[%dma_start3A_406, %dma_start3A_407] : memref<128x128xf32, #tpu.memory_space<vmem>> -> memref<16x128xf32, #tpu.memory_space<vmem>>
        %dma_start3A_409 = arith.constant 0 : i32
        %dma_start3A_410 = arith.constant 0 : i32
        %dma_start3A_411 = tpu.memref_slice %arg18[%dma_start3A_409, %dma_start3A_410] : memref<2064x128xf32, #tpu.memory_space<vmem_shared>> -> memref<2064x128xf32, #tpu.memory_space<vmem_shared>>
        tpu.enqueue_indirect_dma source(%dma_start3A_408 : memref<16x128xf32, #tpu.memory_space<vmem>>) target(%dma_start3A_411 : memref<2064x128xf32, #tpu.memory_space<vmem_shared>>) offsets(%get3A_405 : vector<16xi32>) semaphore(%arg24 : memref<!tpu.dma_semaphore, #tpu.memory_space<semaphore_mem>>) {add = true}
        %mul3A_412 = arith.constant 128 : i32
        %mul3A_413 = arith.muli %while3A_327, %mul3A_412 : i32
        %add3A_414 = arith.constant 48 : i32
        %add3A_415 = arith.addi %mul3A_413, %add3A_414 : i32
        %get3A_416 = arith.index_cast %add3A_415 : i32 to index
        %get3A_417 = tpu.vector_load %arg12[%get3A_416] {strides = array<i32>} : memref<10368xi32, #tpu.memory_space<vmem>>, vector<16xi32>,
        %dma_start3A_418 = arith.constant 48 : i32
        %dma_start3A_419 = arith.constant 0 : i32
        %dma_start3A_420 = tpu.memref_slice %arg14[%dma_start3A_418, %dma_start3A_419] : memref<128x128xf32, #tpu.memory_space<vmem>> -> memref<16x128xf32, #tpu.memory_space<vmem>>
        %dma_start3A_421 = arith.constant 0 : i32
        %dma_start3A_422 = arith.constant 0 : i32
        %dma_start3A_423 = tpu.memref_slice %arg18[%dma_start3A_421, %dma_start3A_422] : memref<2064x128xf32, #tpu.memory_space<vmem_shared>> -> memref<2064x128xf32, #tpu.memory_space<vmem_shared>>
        tpu.enqueue_indirect_dma source(%dma_start3A_420 : memref<16x128xf32, #tpu.memory_space<vmem>>) target(%dma_start3A_423 : memref<2064x128xf32, #tpu.memory_space<vmem_shared>>) offsets(%get3A_417 : vector<16xi32>) semaphore(%arg24 : memref<!tpu.dma_semaphore, #tpu.memory_space<semaphore_mem>>) {add = true}
        %mul3A_424 = arith.constant 128 : i32
        %mul3A_425 = arith.muli %while3A_327, %mul3A_424 : i32
        %add3A_426 = arith.constant 64 : i32
        %add3A_427 = arith.addi %mul3A_425, %add3A_426 : i32
        %get3A_428 = arith.index_cast %add3A_427 : i32 to index
        %get3A_429 = tpu.vector_load %arg12[%get3A_428] {strides = array<i32>} : memref<10368xi32, #tpu.memory_space<vmem>>, vector<16xi32>,
        %dma_start3A_430 = arith.constant 64 : i32
        %dma_start3A_431 = arith.constant 0 : i32
        %dma_start3A_432 = tpu.memref_slice %arg14[%dma_start3A_430, %dma_start3A_431] : memref<128x128xf32, #tpu.memory_space<vmem>> -> memref<16x128xf32, #tpu.memory_space<vmem>>
        %dma_start3A_433 = arith.constant 0 : i32
        %dma_start3A_434 = arith.constant 0 : i32
        %dma_start3A_435 = tpu.memref_slice %arg18[%dma_start3A_433, %dma_start3A_434] : memref<2064x128xf32, #tpu.memory_space<vmem_shared>> -> memref<2064x128xf32, #tpu.memory_space<vmem_shared>>
        tpu.enqueue_indirect_dma source(%dma_start3A_432 : memref<16x128xf32, #tpu.memory_space<vmem>>) target(%dma_start3A_435 : memref<2064x128xf32, #tpu.memory_space<vmem_shared>>) offsets(%get3A_429 : vector<16xi32>) semaphore(%arg24 : memref<!tpu.dma_semaphore, #tpu.memory_space<semaphore_mem>>) {add = true}
        %mul3A_436 = arith.constant 128 : i32
        %mul3A_437 = arith.muli %while3A_327, %mul3A_436 : i32
        %add3A_438 = arith.constant 80 : i32
        %add3A_439 = arith.addi %mul3A_437, %add3A_438 : i32
        %get3A_440 = arith.index_cast %add3A_439 : i32 to index
        %get3A_441 = tpu.vector_load %arg12[%get3A_440] {strides = array<i32>} : memref<10368xi32, #tpu.memory_space<vmem>>, vector<16xi32>,
        %dma_start3A_442 = arith.constant 80 : i32
        %dma_start3A_443 = arith.constant 0 : i32
        %dma_start3A_444 = tpu.memref_slice %arg14[%dma_start3A_442, %dma_start3A_443] : memref<128x128xf32, #tpu.memory_space<vmem>> -> memref<16x128xf32, #tpu.memory_space<vmem>>
        %dma_start3A_445 = arith.constant 0 : i32
        %dma_start3A_446 = arith.constant 0 : i32
        %dma_start3A_447 = tpu.memref_slice %arg18[%dma_start3A_445, %dma_start3A_446] : memref<2064x128xf32, #tpu.memory_space<vmem_shared>> -> memref<2064x128xf32, #tpu.memory_space<vmem_shared>>
        tpu.enqueue_indirect_dma source(%dma_start3A_444 : memref<16x128xf32, #tpu.memory_space<vmem>>) target(%dma_start3A_447 : memref<2064x128xf32, #tpu.memory_space<vmem_shared>>) offsets(%get3A_441 : vector<16xi32>) semaphore(%arg24 : memref<!tpu.dma_semaphore, #tpu.memory_space<semaphore_mem>>) {add = true}
        %mul3A_448 = arith.constant 128 : i32
        %mul3A_449 = arith.muli %while3A_327, %mul3A_448 : i32
        %add3A_450 = arith.constant 96 : i32
        %add3A_451 = arith.addi %mul3A_449, %add3A_450 : i32
        %get3A_452 = arith.index_cast %add3A_451 : i32 to index
        %get3A_453 = tpu.vector_load %arg12[%get3A_452] {strides = array<i32>} : memref<10368xi32, #tpu.memory_space<vmem>>, vector<16xi32>,
        %dma_start3A_454 = arith.constant 96 : i32
        %dma_start3A_455 = arith.constant 0 : i32
        %dma_start3A_456 = tpu.memref_slice %arg14[%dma_start3A_454, %dma_start3A_455] : memref<128x128xf32, #tpu.memory_space<vmem>> -> memref<16x128xf32, #tpu.memory_space<vmem>>
        %dma_start3A_457 = arith.constant 0 : i32
        %dma_start3A_458 = arith.constant 0 : i32
        %dma_start3A_459 = tpu.memref_slice %arg18[%dma_start3A_457, %dma_start3A_458] : memref<2064x128xf32, #tpu.memory_space<vmem_shared>> -> memref<2064x128xf32, #tpu.memory_space<vmem_shared>>
        tpu.enqueue_indirect_dma source(%dma_start3A_456 : memref<16x128xf32, #tpu.memory_space<vmem>>) target(%dma_start3A_459 : memref<2064x128xf32, #tpu.memory_space<vmem_shared>>) offsets(%get3A_453 : vector<16xi32>) semaphore(%arg24 : memref<!tpu.dma_semaphore, #tpu.memory_space<semaphore_mem>>) {add = true}
        %mul3A_460 = arith.constant 128 : i32
        %mul3A_461 = arith.muli %while3A_327, %mul3A_460 : i32
        %add3A_462 = arith.constant 112 : i32
        %add3A_463 = arith.addi %mul3A_461, %add3A_462 : i32
        %get3A_464 = arith.index_cast %add3A_463 : i32 to index
        %get3A_465 = tpu.vector_load %arg12[%get3A_464] {strides = array<i32>} : memref<10368xi32, #tpu.memory_space<vmem>>, vector<16xi32>,
        %dma_start3A_466 = arith.constant 112 : i32
        %dma_start3A_467 = arith.constant 0 : i32
        %dma_start3A_468 = tpu.memref_slice %arg14[%dma_start3A_466, %dma_start3A_467] : memref<128x128xf32, #tpu.memory_space<vmem>> -> memref<16x128xf32, #tpu.memory_space<vmem>>
        %dma_start3A_469 = arith.constant 0 : i32
        %dma_start3A_470 = arith.constant 0 : i32
        %dma_start3A_471 = tpu.memref_slice %arg18[%dma_start3A_469, %dma_start3A_470] : memref<2064x128xf32, #tpu.memory_space<vmem_shared>> -> memref<2064x128xf32, #tpu.memory_space<vmem_shared>>
        tpu.enqueue_indirect_dma source(%dma_start3A_468 : memref<16x128xf32, #tpu.memory_space<vmem>>) target(%dma_start3A_471 : memref<2064x128xf32, #tpu.memory_space<vmem_shared>>) offsets(%get3A_465 : vector<16xi32>) semaphore(%arg24 : memref<!tpu.dma_semaphore, #tpu.memory_space<semaphore_mem>>) {add = true}
      } else {
      }
      %eq3A_355 = arith.constant 2 : i32
      %eq3A_356 = arith.cmpi eq, %select_n3A_344, %eq3A_355 : i32
      %convert_element_type3A_357 = arith.extui %eq3A_356 : i1 to i32
      %cond3A_358 = arith.constant 0 : i32
      %cond3A_359 = arith.cmpi ne, %convert_element_type3A_357, %cond3A_358 : i32
      scf.if %cond3A_359 {
        %dma_wait3A = arith.constant 0 : i32
        %dma_wait3A_361 = arith.constant 0 : i32
        %dma_wait3A_362 = tpu.memref_slice %arg4[%dma_wait3A, %dma_wait3A_361] : memref<10000x128xf32, #tpu.memory_space<hbm>> -> memref<128x128xf32, #tpu.memory_space<hbm>>
        %dma_wait3A_363 = arith.constant 0 : i32
        %dma_wait3A_364 = arith.constant 0 : i32
        %dma_wait3A_365 = tpu.memref_slice %arg4[%dma_wait3A_363, %dma_wait3A_364] : memref<10000x128xf32, #tpu.memory_space<hbm>> -> memref<128x128xf32, #tpu.memory_space<hbm>>
        tpu.wait_dma2 semaphore(%arg22 : memref<!tpu.dma_semaphore, #tpu.memory_space<semaphore_mem>>) src(%dma_wait3A_365 : memref<128x128xf32, #tpu.memory_space<hbm>>) dst(%arg15 : memref<128x128xf32, #tpu.memory_space<vmem>>)
        %ge3A_366 = arith.constant 1 : i32
        %ge3A_367 = arith.cmpi sge, %while3A_327, %ge3A_366 : i32
        %convert_element_type3A_368 = arith.extui %ge3A_367 : i1 to i32
        %cond3A_369 = arith.constant 0 : i32
        %cond3A_370 = arith.cmpi ne, %convert_element_type3A_368, %cond3A_369 : i32
        scf.if %cond3A_370 {
          %dma_wait3A_472 = arith.constant 0 : i32
          %dma_wait3A_473 = arith.constant 0 : i32
          %dma_wait3A_474 = tpu.memref_slice %arg4[%dma_wait3A_472, %dma_wait3A_473] : memref<10000x128xf32, #tpu.memory_space<hbm>> -> memref<128x128xf32, #tpu.memory_space<hbm>>
          %dma_wait3A_475 = arith.constant 0 : i32
          %dma_wait3A_476 = arith.constant 0 : i32
          %dma_wait3A_477 = tpu.memref_slice %arg4[%dma_wait3A_475, %dma_wait3A_476] : memref<10000x128xf32, #tpu.memory_space<hbm>> -> memref<128x128xf32, #tpu.memory_space<hbm>>
          tpu.wait_dma2 semaphore(%arg24 : memref<!tpu.dma_semaphore, #tpu.memory_space<semaphore_mem>>) src(%dma_wait3A_477 : memref<128x128xf32, #tpu.memory_space<hbm>>) dst(%arg14 : memref<128x128xf32, #tpu.memory_space<vmem>>)
        } else {
        }
        %add3A_371 = arith.constant 2 : i32
        %add3A_372 = arith.addi %while3A_327, %add3A_371 : i32
        %lt3A_373 = arith.cmpi slt, %add3A_372, %select_n3A_199 : i32
        %convert_element_type3A_374 = arith.extui %lt3A_373 : i1 to i32
        %cond3A_375 = arith.constant 0 : i32
        %cond3A_376 = arith.cmpi ne, %convert_element_type3A_374, %cond3A_375 : i32
        scf.if %cond3A_376 {
          %add3A_472 = arith.constant 2 : i32
          %add3A_473 = arith.addi %while3A_327, %add3A_472 : i32
          %mul3A_474 = arith.constant 128 : i32
          %mul3A_475 = arith.muli %add3A_473, %mul3A_474 : i32
          %eq3A_476 = arith.constant 0 : i32
          %eq3A_477 = arith.cmpi eq, %arg0, %eq3A_476 : i32
          %convert_element_type3A_478 = arith.extui %eq3A_477 : i1 to i32
          %cond3A_479 = arith.constant 0 : i32
          %cond3A_480 = arith.cmpi ne, %convert_element_type3A_478, %cond3A_479 : i32
          scf.if %cond3A_480 {
            %dma_start3A_486 = tpu.memref_slice %arg11[%mul3A_475] : memref<10368xi32, #tpu.memory_space<vmem>> -> memref<128xi32, #tpu.memory_space<vmem>>
            %dma_start3A_487 = arith.constant 0 : i32
            %dma_start3A_488 = arith.constant 0 : i32
            %dma_start3A_489 = tpu.memref_slice %arg4[%dma_start3A_487, %dma_start3A_488] : memref<10000x128xf32, #tpu.memory_space<hbm>> -> memref<10000x128xf32, #tpu.memory_space<hbm>>
            tpu.enqueue_indirect_dma source(%dma_start3A_489 : memref<10000x128xf32, #tpu.memory_space<hbm>>) target(%arg14 : memref<128x128xf32, #tpu.memory_space<vmem>>) offsets(%dma_start3A_486 : memref<128xi32, #tpu.memory_space<vmem>>) semaphore(%arg21 : memref<!tpu.dma_semaphore, #tpu.memory_space<semaphore_mem>>)
          } else {
          }
          %eq3A_481 = arith.constant 1 : i32
          %eq3A_482 = arith.cmpi eq, %arg0, %eq3A_481 : i32
          %convert_element_type3A_483 = arith.extui %eq3A_482 : i1 to i32
          %cond3A_484 = arith.constant 0 : i32
          %cond3A_485 = arith.cmpi ne, %convert_element_type3A_483, %cond3A_484 : i32
          scf.if %cond3A_485 {
            %dma_start3A_486 = tpu.memref_slice %arg11[%mul3A_475] : memref<10368xi32, #tpu.memory_space<vmem>> -> memref<128xi32, #tpu.memory_space<vmem>>
            %dma_start3A_487 = arith.constant 0 : i32
            %dma_start3A_488 = arith.constant 0 : i32
            %dma_start3A_489 = tpu.memref_slice %arg5[%dma_start3A_487, %dma_start3A_488] : memref<10000x128xf32, #tpu.memory_space<hbm>> -> memref<10000x128xf32, #tpu.memory_space<hbm>>
            tpu.enqueue_indirect_dma source(%dma_start3A_489 : memref<10000x128xf32, #tpu.memory_space<hbm>>) target(%arg14 : memref<128x128xf32, #tpu.memory_space<vmem>>) offsets(%dma_start3A_486 : memref<128xi32, #tpu.memory_space<vmem>>) semaphore(%arg21 : memref<!tpu.dma_semaphore, #tpu.memory_space<semaphore_mem>>)
          } else {
          }
        } else {
        }
        %mul3A_377 = arith.constant 128 : i32
        %mul3A_378 = arith.muli %while3A_327, %mul3A_377 : i32
        %add3A_379 = arith.constant 0 : i32
        %add3A_380 = arith.addi %mul3A_378, %add3A_379 : i32
        %get3A_381 = arith.index_cast %add3A_380 : i32 to index
        %get3A_382 = tpu.vector_load %arg12[%get3A_381] {strides = array<i32>} : memref<10368xi32, #tpu.memory_space<vmem>>, vector<16xi32>,
        %dma_start3A = arith.constant 0 : i32
        %dma_start3A_383 = arith.constant 0 : i32
        %dma_start3A_384 = tpu.memref_slice %arg15[%dma_start3A, %dma_start3A_383] : memref<128x128xf32, #tpu.memory_space<vmem>> -> memref<16x128xf32, #tpu.memory_space<vmem>>
        %dma_start3A_385 = arith.constant 0 : i32
        %dma_start3A_386 = arith.constant 0 : i32
        %dma_start3A_387 = tpu.memref_slice %arg18[%dma_start3A_385, %dma_start3A_386] : memref<2064x128xf32, #tpu.memory_space<vmem_shared>> -> memref<2064x128xf32, #tpu.memory_space<vmem_shared>>
        tpu.enqueue_indirect_dma source(%dma_start3A_384 : memref<16x128xf32, #tpu.memory_space<vmem>>) target(%dma_start3A_387 : memref<2064x128xf32, #tpu.memory_space<vmem_shared>>) offsets(%get3A_382 : vector<16xi32>) semaphore(%arg25 : memref<!tpu.dma_semaphore, #tpu.memory_space<semaphore_mem>>) {add = true}
        %mul3A_388 = arith.constant 128 : i32
        %mul3A_389 = arith.muli %while3A_327, %mul3A_388 : i32
        %add3A_390 = arith.constant 16 : i32
        %add3A_391 = arith.addi %mul3A_389, %add3A_390 : i32
        %get3A_392 = arith.index_cast %add3A_391 : i32 to index
        %get3A_393 = tpu.vector_load %arg12[%get3A_392] {strides = array<i32>} : memref<10368xi32, #tpu.memory_space<vmem>>, vector<16xi32>,
        %dma_start3A_394 = arith.constant 16 : i32
        %dma_start3A_395 = arith.constant 0 : i32
        %dma_start3A_396 = tpu.memref_slice %arg15[%dma_start3A_394, %dma_start3A_395] : memref<128x128xf32, #tpu.memory_space<vmem>> -> memref<16x128xf32, #tpu.memory_space<vmem>>
        %dma_start3A_397 = arith.constant 0 : i32
        %dma_start3A_398 = arith.constant 0 : i32
        %dma_start3A_399 = tpu.memref_slice %arg18[%dma_start3A_397, %dma_start3A_398] : memref<2064x128xf32, #tpu.memory_space<vmem_shared>> -> memref<2064x128xf32, #tpu.memory_space<vmem_shared>>
        tpu.enqueue_indirect_dma source(%dma_start3A_396 : memref<16x128xf32, #tpu.memory_space<vmem>>) target(%dma_start3A_399 : memref<2064x128xf32, #tpu.memory_space<vmem_shared>>) offsets(%get3A_393 : vector<16xi32>) semaphore(%arg25 : memref<!tpu.dma_semaphore, #tpu.memory_space<semaphore_mem>>) {add = true}
        %mul3A_400 = arith.constant 128 : i32
        %mul3A_401 = arith.muli %while3A_327, %mul3A_400 : i32
        %add3A_402 = arith.constant 32 : i32
        %add3A_403 = arith.addi %mul3A_401, %add3A_402 : i32
        %get3A_404 = arith.index_cast %add3A_403 : i32 to index
        %get3A_405 = tpu.vector_load %arg12[%get3A_404] {strides = array<i32>} : memref<10368xi32, #tpu.memory_space<vmem>>, vector<16xi32>,
        %dma_start3A_406 = arith.constant 32 : i32
        %dma_start3A_407 = arith.constant 0 : i32
        %dma_start3A_408 = tpu.memref_slice %arg15[%dma_start3A_406, %dma_start3A_407] : memref<128x128xf32, #tpu.memory_space<vmem>> -> memref<16x128xf32, #tpu.memory_space<vmem>>
        %dma_start3A_409 = arith.constant 0 : i32
        %dma_start3A_410 = arith.constant 0 : i32
        %dma_start3A_411 = tpu.memref_slice %arg18[%dma_start3A_409, %dma_start3A_410] : memref<2064x128xf32, #tpu.memory_space<vmem_shared>> -> memref<2064x128xf32, #tpu.memory_space<vmem_shared>>
        tpu.enqueue_indirect_dma source(%dma_start3A_408 : memref<16x128xf32, #tpu.memory_space<vmem>>) target(%dma_start3A_411 : memref<2064x128xf32, #tpu.memory_space<vmem_shared>>) offsets(%get3A_405 : vector<16xi32>) semaphore(%arg25 : memref<!tpu.dma_semaphore, #tpu.memory_space<semaphore_mem>>) {add = true}
        %mul3A_412 = arith.constant 128 : i32
        %mul3A_413 = arith.muli %while3A_327, %mul3A_412 : i32
        %add3A_414 = arith.constant 48 : i32
        %add3A_415 = arith.addi %mul3A_413, %add3A_414 : i32
        %get3A_416 = arith.index_cast %add3A_415 : i32 to index
        %get3A_417 = tpu.vector_load %arg12[%get3A_416] {strides = array<i32>} : memref<10368xi32, #tpu.memory_space<vmem>>, vector<16xi32>,
        %dma_start3A_418 = arith.constant 48 : i32
        %dma_start3A_419 = arith.constant 0 : i32
        %dma_start3A_420 = tpu.memref_slice %arg15[%dma_start3A_418, %dma_start3A_419] : memref<128x128xf32, #tpu.memory_space<vmem>> -> memref<16x128xf32, #tpu.memory_space<vmem>>
        %dma_start3A_421 = arith.constant 0 : i32
        %dma_start3A_422 = arith.constant 0 : i32
        %dma_start3A_423 = tpu.memref_slice %arg18[%dma_start3A_421, %dma_start3A_422] : memref<2064x128xf32, #tpu.memory_space<vmem_shared>> -> memref<2064x128xf32, #tpu.memory_space<vmem_shared>>
        tpu.enqueue_indirect_dma source(%dma_start3A_420 : memref<16x128xf32, #tpu.memory_space<vmem>>) target(%dma_start3A_423 : memref<2064x128xf32, #tpu.memory_space<vmem_shared>>) offsets(%get3A_417 : vector<16xi32>) semaphore(%arg25 : memref<!tpu.dma_semaphore, #tpu.memory_space<semaphore_mem>>) {add = true}
        %mul3A_424 = arith.constant 128 : i32
        %mul3A_425 = arith.muli %while3A_327, %mul3A_424 : i32
        %add3A_426 = arith.constant 64 : i32
        %add3A_427 = arith.addi %mul3A_425, %add3A_426 : i32
        %get3A_428 = arith.index_cast %add3A_427 : i32 to index
        %get3A_429 = tpu.vector_load %arg12[%get3A_428] {strides = array<i32>} : memref<10368xi32, #tpu.memory_space<vmem>>, vector<16xi32>,
        %dma_start3A_430 = arith.constant 64 : i32
        %dma_start3A_431 = arith.constant 0 : i32
        %dma_start3A_432 = tpu.memref_slice %arg15[%dma_start3A_430, %dma_start3A_431] : memref<128x128xf32, #tpu.memory_space<vmem>> -> memref<16x128xf32, #tpu.memory_space<vmem>>
        %dma_start3A_433 = arith.constant 0 : i32
        %dma_start3A_434 = arith.constant 0 : i32
        %dma_start3A_435 = tpu.memref_slice %arg18[%dma_start3A_433, %dma_start3A_434] : memref<2064x128xf32, #tpu.memory_space<vmem_shared>> -> memref<2064x128xf32, #tpu.memory_space<vmem_shared>>
        tpu.enqueue_indirect_dma source(%dma_start3A_432 : memref<16x128xf32, #tpu.memory_space<vmem>>) target(%dma_start3A_435 : memref<2064x128xf32, #tpu.memory_space<vmem_shared>>) offsets(%get3A_429 : vector<16xi32>) semaphore(%arg25 : memref<!tpu.dma_semaphore, #tpu.memory_space<semaphore_mem>>) {add = true}
        %mul3A_436 = arith.constant 128 : i32
        %mul3A_437 = arith.muli %while3A_327, %mul3A_436 : i32
        %add3A_438 = arith.constant 80 : i32
        %add3A_439 = arith.addi %mul3A_437, %add3A_438 : i32
        %get3A_440 = arith.index_cast %add3A_439 : i32 to index
        %get3A_441 = tpu.vector_load %arg12[%get3A_440] {strides = array<i32>} : memref<10368xi32, #tpu.memory_space<vmem>>, vector<16xi32>,
        %dma_start3A_442 = arith.constant 80 : i32
        %dma_start3A_443 = arith.constant 0 : i32
        %dma_start3A_444 = tpu.memref_slice %arg15[%dma_start3A_442, %dma_start3A_443] : memref<128x128xf32, #tpu.memory_space<vmem>> -> memref<16x128xf32, #tpu.memory_space<vmem>>
        %dma_start3A_445 = arith.constant 0 : i32
        %dma_start3A_446 = arith.constant 0 : i32
        %dma_start3A_447 = tpu.memref_slice %arg18[%dma_start3A_445, %dma_start3A_446] : memref<2064x128xf32, #tpu.memory_space<vmem_shared>> -> memref<2064x128xf32, #tpu.memory_space<vmem_shared>>
        tpu.enqueue_indirect_dma source(%dma_start3A_444 : memref<16x128xf32, #tpu.memory_space<vmem>>) target(%dma_start3A_447 : memref<2064x128xf32, #tpu.memory_space<vmem_shared>>) offsets(%get3A_441 : vector<16xi32>) semaphore(%arg25 : memref<!tpu.dma_semaphore, #tpu.memory_space<semaphore_mem>>) {add = true}
        %mul3A_448 = arith.constant 128 : i32
        %mul3A_449 = arith.muli %while3A_327, %mul3A_448 : i32
        %add3A_450 = arith.constant 96 : i32
        %add3A_451 = arith.addi %mul3A_449, %add3A_450 : i32
        %get3A_452 = arith.index_cast %add3A_451 : i32 to index
        %get3A_453 = tpu.vector_load %arg12[%get3A_452] {strides = array<i32>} : memref<10368xi32, #tpu.memory_space<vmem>>, vector<16xi32>,
        %dma_start3A_454 = arith.constant 96 : i32
        %dma_start3A_455 = arith.constant 0 : i32
        %dma_start3A_456 = tpu.memref_slice %arg15[%dma_start3A_454, %dma_start3A_455] : memref<128x128xf32, #tpu.memory_space<vmem>> -> memref<16x128xf32, #tpu.memory_space<vmem>>
        %dma_start3A_457 = arith.constant 0 : i32
        %dma_start3A_458 = arith.constant 0 : i32
        %dma_start3A_459 = tpu.memref_slice %arg18[%dma_start3A_457, %dma_start3A_458] : memref<2064x128xf32, #tpu.memory_space<vmem_shared>> -> memref<2064x128xf32, #tpu.memory_space<vmem_shared>>
        tpu.enqueue_indirect_dma source(%dma_start3A_456 : memref<16x128xf32, #tpu.memory_space<vmem>>) target(%dma_start3A_459 : memref<2064x128xf32, #tpu.memory_space<vmem_shared>>) offsets(%get3A_453 : vector<16xi32>) semaphore(%arg25 : memref<!tpu.dma_semaphore, #tpu.memory_space<semaphore_mem>>) {add = true}
        %mul3A_460 = arith.constant 128 : i32
        %mul3A_461 = arith.muli %while3A_327, %mul3A_460 : i32
        %add3A_462 = arith.constant 112 : i32
        %add3A_463 = arith.addi %mul3A_461, %add3A_462 : i32
        %get3A_464 = arith.index_cast %add3A_463 : i32 to index
        %get3A_465 = tpu.vector_load %arg12[%get3A_464] {strides = array<i32>} : memref<10368xi32, #tpu.memory_space<vmem>>, vector<16xi32>,
        %dma_start3A_466 = arith.constant 112 : i32
        %dma_start3A_467 = arith.constant 0 : i32
        %dma_start3A_468 = tpu.memref_slice %arg15[%dma_start3A_466, %dma_start3A_467] : memref<128x128xf32, #tpu.memory_space<vmem>> -> memref<16x128xf32, #tpu.memory_space<vmem>>
        %dma_start3A_469 = arith.constant 0 : i32
        %dma_start3A_470 = arith.constant 0 : i32
        %dma_start3A_471 = tpu.memref_slice %arg18[%dma_start3A_469, %dma_start3A_470] : memref<2064x128xf32, #tpu.memory_space<vmem_shared>> -> memref<2064x128xf32, #tpu.memory_space<vmem_shared>>
        tpu.enqueue_indirect_dma source(%dma_start3A_468 : memref<16x128xf32, #tpu.memory_space<vmem>>) target(%dma_start3A_471 : memref<2064x128xf32, #tpu.memory_space<vmem_shared>>) offsets(%get3A_465 : vector<16xi32>) semaphore(%arg25 : memref<!tpu.dma_semaphore, #tpu.memory_space<semaphore_mem>>) {add = true}
      } else {
      }
      %while3A_360 = arith.constant 0 : i32
      scf.yield %while3A_360 : i32
    }
    %while3A_219 = arith.constant 1 : i32
    %while3A_220 = scf.for %while3A_327 = %while3A_216 to %while3A_212 step %while3A_219 iter_args(%while3A_328 = %while3A_218) -> (i32)  : i32 {
      %jit3A_329 = arith.constant 3 : i32
      %eq3A_330 = arith.constant 0 : i32
      %eq3A_331 = arith.cmpi eq, %jit3A_329, %eq3A_330 : i32
      %jit3A_332 = arith.constant 1 : i32
      %select_n3A_333 = arith.select %eq3A_331, %jit3A_332, %jit3A_329 : i32
      %rem3A_334 = arith.remsi %while3A_327, %select_n3A_333 : i32
      %ne3A_335 = arith.constant 0 : i32
      %ne3A_336 = arith.cmpi ne, %rem3A_334, %ne3A_335 : i32
      %lt3A_337 = arith.constant 0 : i32
      %lt3A_338 = arith.cmpi slt, %rem3A_334, %lt3A_337 : i32
      %lt3A_339 = arith.constant 0 : i32
      %lt3A_340 = arith.cmpi slt, %select_n3A_333, %lt3A_339 : i32
      %ne3A_341 = arith.xori %lt3A_338, %lt3A_340 : i1
      %and3A_342 = arith.andi %ne3A_341, %ne3A_336 : i1
      %add3A_343 = arith.addi %rem3A_334, %select_n3A_333 : i32
      %select_n3A_344 = arith.select %and3A_342, %add3A_343, %rem3A_334 : i32
      %eq3A_345 = arith.constant 0 : i32
      %eq3A_346 = arith.cmpi eq, %select_n3A_344, %eq3A_345 : i32
      %convert_element_type3A_347 = arith.extui %eq3A_346 : i1 to i32
      %cond3A_348 = arith.constant 0 : i32
      %cond3A_349 = arith.cmpi ne, %convert_element_type3A_347, %cond3A_348 : i32
      scf.if %cond3A_349 {
        %dma_wait3A = arith.constant 0 : i32
        %dma_wait3A_361 = arith.constant 0 : i32
        %dma_wait3A_362 = tpu.memref_slice %arg4[%dma_wait3A, %dma_wait3A_361] : memref<10000x128xf32, #tpu.memory_space<hbm>> -> memref<128x128xf32, #tpu.memory_space<hbm>>
        %dma_wait3A_363 = arith.constant 0 : i32
        %dma_wait3A_364 = arith.constant 0 : i32
        %dma_wait3A_365 = tpu.memref_slice %arg4[%dma_wait3A_363, %dma_wait3A_364] : memref<10000x128xf32, #tpu.memory_space<hbm>> -> memref<128x128xf32, #tpu.memory_space<hbm>>
        tpu.wait_dma2 semaphore(%arg20 : memref<!tpu.dma_semaphore, #tpu.memory_space<semaphore_mem>>) src(%dma_wait3A_365 : memref<128x128xf32, #tpu.memory_space<hbm>>) dst(%arg13 : memref<128x128xf32, #tpu.memory_space<vmem>>)
        %ge3A_366 = arith.constant 1 : i32
        %ge3A_367 = arith.cmpi sge, %while3A_327, %ge3A_366 : i32
        %convert_element_type3A_368 = arith.extui %ge3A_367 : i1 to i32
        %cond3A_369 = arith.constant 0 : i32
        %cond3A_370 = arith.cmpi ne, %convert_element_type3A_368, %cond3A_369 : i32
        scf.if %cond3A_370 {
          %dma_wait3A_472 = arith.constant 0 : i32
          %dma_wait3A_473 = arith.constant 0 : i32
          %dma_wait3A_474 = tpu.memref_slice %arg4[%dma_wait3A_472, %dma_wait3A_473] : memref<10000x128xf32, #tpu.memory_space<hbm>> -> memref<128x128xf32, #tpu.memory_space<hbm>>
          %dma_wait3A_475 = arith.constant 0 : i32
          %dma_wait3A_476 = arith.constant 0 : i32
          %dma_wait3A_477 = tpu.memref_slice %arg4[%dma_wait3A_475, %dma_wait3A_476] : memref<10000x128xf32, #tpu.memory_space<hbm>> -> memref<128x128xf32, #tpu.memory_space<hbm>>
          tpu.wait_dma2 semaphore(%arg25 : memref<!tpu.dma_semaphore, #tpu.memory_space<semaphore_mem>>) src(%dma_wait3A_477 : memref<128x128xf32, #tpu.memory_space<hbm>>) dst(%arg15 : memref<128x128xf32, #tpu.memory_space<vmem>>)
        } else {
        }
        %add3A_371 = arith.constant 2 : i32
        %add3A_372 = arith.addi %while3A_327, %add3A_371 : i32
        %lt3A_373 = arith.cmpi slt, %add3A_372, %select_n3A_199 : i32
        %convert_element_type3A_374 = arith.extui %lt3A_373 : i1 to i32
        %cond3A_375 = arith.constant 0 : i32
        %cond3A_376 = arith.cmpi ne, %convert_element_type3A_374, %cond3A_375 : i32
        scf.if %cond3A_376 {
          %add3A_472 = arith.constant 2 : i32
          %add3A_473 = arith.addi %while3A_327, %add3A_472 : i32
          %mul3A_474 = arith.constant 128 : i32
          %mul3A_475 = arith.muli %add3A_473, %mul3A_474 : i32
          %eq3A_476 = arith.constant 0 : i32
          %eq3A_477 = arith.cmpi eq, %arg0, %eq3A_476 : i32
          %convert_element_type3A_478 = arith.extui %eq3A_477 : i1 to i32
          %cond3A_479 = arith.constant 0 : i32
          %cond3A_480 = arith.cmpi ne, %convert_element_type3A_478, %cond3A_479 : i32
          scf.if %cond3A_480 {
            %dma_start3A_486 = tpu.memref_slice %arg11[%mul3A_475] : memref<10368xi32, #tpu.memory_space<vmem>> -> memref<128xi32, #tpu.memory_space<vmem>>
            %dma_start3A_487 = arith.constant 0 : i32
            %dma_start3A_488 = arith.constant 0 : i32
            %dma_start3A_489 = tpu.memref_slice %arg4[%dma_start3A_487, %dma_start3A_488] : memref<10000x128xf32, #tpu.memory_space<hbm>> -> memref<10000x128xf32, #tpu.memory_space<hbm>>
            tpu.enqueue_indirect_dma source(%dma_start3A_489 : memref<10000x128xf32, #tpu.memory_space<hbm>>) target(%arg15 : memref<128x128xf32, #tpu.memory_space<vmem>>) offsets(%dma_start3A_486 : memref<128xi32, #tpu.memory_space<vmem>>) semaphore(%arg22 : memref<!tpu.dma_semaphore, #tpu.memory_space<semaphore_mem>>)
          } else {
          }
          %eq3A_481 = arith.constant 1 : i32
          %eq3A_482 = arith.cmpi eq, %arg0, %eq3A_481 : i32
          %convert_element_type3A_483 = arith.extui %eq3A_482 : i1 to i32
          %cond3A_484 = arith.constant 0 : i32
          %cond3A_485 = arith.cmpi ne, %convert_element_type3A_483, %cond3A_484 : i32
          scf.if %cond3A_485 {
            %dma_start3A_486 = tpu.memref_slice %arg11[%mul3A_475] : memref<10368xi32, #tpu.memory_space<vmem>> -> memref<128xi32, #tpu.memory_space<vmem>>
            %dma_start3A_487 = arith.constant 0 : i32
            %dma_start3A_488 = arith.constant 0 : i32
            %dma_start3A_489 = tpu.memref_slice %arg5[%dma_start3A_487, %dma_start3A_488] : memref<10000x128xf32, #tpu.memory_space<hbm>> -> memref<10000x128xf32, #tpu.memory_space<hbm>>
            tpu.enqueue_indirect_dma source(%dma_start3A_489 : memref<10000x128xf32, #tpu.memory_space<hbm>>) target(%arg15 : memref<128x128xf32, #tpu.memory_space<vmem>>) offsets(%dma_start3A_486 : memref<128xi32, #tpu.memory_space<vmem>>) semaphore(%arg22 : memref<!tpu.dma_semaphore, #tpu.memory_space<semaphore_mem>>)
          } else {
          }
        } else {
        }
        %mul3A_377 = arith.constant 128 : i32
        %mul3A_378 = arith.muli %while3A_327, %mul3A_377 : i32
        %add3A_379 = arith.constant 0 : i32
        %add3A_380 = arith.addi %mul3A_378, %add3A_379 : i32
        %get3A_381 = arith.index_cast %add3A_380 : i32 to index
        %get3A_382 = tpu.vector_load %arg12[%get3A_381] {strides = array<i32>} : memref<10368xi32, #tpu.memory_space<vmem>>, vector<16xi32>,
        %dma_start3A = arith.constant 0 : i32
        %dma_start3A_383 = arith.constant 0 : i32
        %dma_start3A_384 = tpu.memref_slice %arg13[%dma_start3A, %dma_start3A_383] : memref<128x128xf32, #tpu.memory_space<vmem>> -> memref<16x128xf32, #tpu.memory_space<vmem>>
        %dma_start3A_385 = arith.constant 0 : i32
        %dma_start3A_386 = arith.constant 0 : i32
        %dma_start3A_387 = tpu.memref_slice %arg18[%dma_start3A_385, %dma_start3A_386] : memref<2064x128xf32, #tpu.memory_space<vmem_shared>> -> memref<2064x128xf32, #tpu.memory_space<vmem_shared>>
        tpu.enqueue_indirect_dma source(%dma_start3A_384 : memref<16x128xf32, #tpu.memory_space<vmem>>) target(%dma_start3A_387 : memref<2064x128xf32, #tpu.memory_space<vmem_shared>>) offsets(%get3A_382 : vector<16xi32>) semaphore(%arg23 : memref<!tpu.dma_semaphore, #tpu.memory_space<semaphore_mem>>) {add = true}
        %mul3A_388 = arith.constant 128 : i32
        %mul3A_389 = arith.muli %while3A_327, %mul3A_388 : i32
        %add3A_390 = arith.constant 16 : i32
        %add3A_391 = arith.addi %mul3A_389, %add3A_390 : i32
        %get3A_392 = arith.index_cast %add3A_391 : i32 to index
        %get3A_393 = tpu.vector_load %arg12[%get3A_392] {strides = array<i32>} : memref<10368xi32, #tpu.memory_space<vmem>>, vector<16xi32>,
        %dma_start3A_394 = arith.constant 16 : i32
        %dma_start3A_395 = arith.constant 0 : i32
        %dma_start3A_396 = tpu.memref_slice %arg13[%dma_start3A_394, %dma_start3A_395] : memref<128x128xf32, #tpu.memory_space<vmem>> -> memref<16x128xf32, #tpu.memory_space<vmem>>
        %dma_start3A_397 = arith.constant 0 : i32
        %dma_start3A_398 = arith.constant 0 : i32
        %dma_start3A_399 = tpu.memref_slice %arg18[%dma_start3A_397, %dma_start3A_398] : memref<2064x128xf32, #tpu.memory_space<vmem_shared>> -> memref<2064x128xf32, #tpu.memory_space<vmem_shared>>
        tpu.enqueue_indirect_dma source(%dma_start3A_396 : memref<16x128xf32, #tpu.memory_space<vmem>>) target(%dma_start3A_399 : memref<2064x128xf32, #tpu.memory_space<vmem_shared>>) offsets(%get3A_393 : vector<16xi32>) semaphore(%arg23 : memref<!tpu.dma_semaphore, #tpu.memory_space<semaphore_mem>>) {add = true}
        %mul3A_400 = arith.constant 128 : i32
        %mul3A_401 = arith.muli %while3A_327, %mul3A_400 : i32
        %add3A_402 = arith.constant 32 : i32
        %add3A_403 = arith.addi %mul3A_401, %add3A_402 : i32
        %get3A_404 = arith.index_cast %add3A_403 : i32 to index
        %get3A_405 = tpu.vector_load %arg12[%get3A_404] {strides = array<i32>} : memref<10368xi32, #tpu.memory_space<vmem>>, vector<16xi32>,
        %dma_start3A_406 = arith.constant 32 : i32
        %dma_start3A_407 = arith.constant 0 : i32
        %dma_start3A_408 = tpu.memref_slice %arg13[%dma_start3A_406, %dma_start3A_407] : memref<128x128xf32, #tpu.memory_space<vmem>> -> memref<16x128xf32, #tpu.memory_space<vmem>>
        %dma_start3A_409 = arith.constant 0 : i32
        %dma_start3A_410 = arith.constant 0 : i32
        %dma_start3A_411 = tpu.memref_slice %arg18[%dma_start3A_409, %dma_start3A_410] : memref<2064x128xf32, #tpu.memory_space<vmem_shared>> -> memref<2064x128xf32, #tpu.memory_space<vmem_shared>>
        tpu.enqueue_indirect_dma source(%dma_start3A_408 : memref<16x128xf32, #tpu.memory_space<vmem>>) target(%dma_start3A_411 : memref<2064x128xf32, #tpu.memory_space<vmem_shared>>) offsets(%get3A_405 : vector<16xi32>) semaphore(%arg23 : memref<!tpu.dma_semaphore, #tpu.memory_space<semaphore_mem>>) {add = true}
        %mul3A_412 = arith.constant 128 : i32
        %mul3A_413 = arith.muli %while3A_327, %mul3A_412 : i32
        %add3A_414 = arith.constant 48 : i32
        %add3A_415 = arith.addi %mul3A_413, %add3A_414 : i32
        %get3A_416 = arith.index_cast %add3A_415 : i32 to index
        %get3A_417 = tpu.vector_load %arg12[%get3A_416] {strides = array<i32>} : memref<10368xi32, #tpu.memory_space<vmem>>, vector<16xi32>,
        %dma_start3A_418 = arith.constant 48 : i32
        %dma_start3A_419 = arith.constant 0 : i32
        %dma_start3A_420 = tpu.memref_slice %arg13[%dma_start3A_418, %dma_start3A_419] : memref<128x128xf32, #tpu.memory_space<vmem>> -> memref<16x128xf32, #tpu.memory_space<vmem>>
        %dma_start3A_421 = arith.constant 0 : i32
        %dma_start3A_422 = arith.constant 0 : i32
        %dma_start3A_423 = tpu.memref_slice %arg18[%dma_start3A_421, %dma_start3A_422] : memref<2064x128xf32, #tpu.memory_space<vmem_shared>> -> memref<2064x128xf32, #tpu.memory_space<vmem_shared>>
        tpu.enqueue_indirect_dma source(%dma_start3A_420 : memref<16x128xf32, #tpu.memory_space<vmem>>) target(%dma_start3A_423 : memref<2064x128xf32, #tpu.memory_space<vmem_shared>>) offsets(%get3A_417 : vector<16xi32>) semaphore(%arg23 : memref<!tpu.dma_semaphore, #tpu.memory_space<semaphore_mem>>) {add = true}
        %mul3A_424 = arith.constant 128 : i32
        %mul3A_425 = arith.muli %while3A_327, %mul3A_424 : i32
        %add3A_426 = arith.constant 64 : i32
        %add3A_427 = arith.addi %mul3A_425, %add3A_426 : i32
        %get3A_428 = arith.index_cast %add3A_427 : i32 to index
        %get3A_429 = tpu.vector_load %arg12[%get3A_428] {strides = array<i32>} : memref<10368xi32, #tpu.memory_space<vmem>>, vector<16xi32>,
        %dma_start3A_430 = arith.constant 64 : i32
        %dma_start3A_431 = arith.constant 0 : i32
        %dma_start3A_432 = tpu.memref_slice %arg13[%dma_start3A_430, %dma_start3A_431] : memref<128x128xf32, #tpu.memory_space<vmem>> -> memref<16x128xf32, #tpu.memory_space<vmem>>
        %dma_start3A_433 = arith.constant 0 : i32
        %dma_start3A_434 = arith.constant 0 : i32
        %dma_start3A_435 = tpu.memref_slice %arg18[%dma_start3A_433, %dma_start3A_434] : memref<2064x128xf32, #tpu.memory_space<vmem_shared>> -> memref<2064x128xf32, #tpu.memory_space<vmem_shared>>
        tpu.enqueue_indirect_dma source(%dma_start3A_432 : memref<16x128xf32, #tpu.memory_space<vmem>>) target(%dma_start3A_435 : memref<2064x128xf32, #tpu.memory_space<vmem_shared>>) offsets(%get3A_429 : vector<16xi32>) semaphore(%arg23 : memref<!tpu.dma_semaphore, #tpu.memory_space<semaphore_mem>>) {add = true}
        %mul3A_436 = arith.constant 128 : i32
        %mul3A_437 = arith.muli %while3A_327, %mul3A_436 : i32
        %add3A_438 = arith.constant 80 : i32
        %add3A_439 = arith.addi %mul3A_437, %add3A_438 : i32
        %get3A_440 = arith.index_cast %add3A_439 : i32 to index
        %get3A_441 = tpu.vector_load %arg12[%get3A_440] {strides = array<i32>} : memref<10368xi32, #tpu.memory_space<vmem>>, vector<16xi32>,
        %dma_start3A_442 = arith.constant 80 : i32
        %dma_start3A_443 = arith.constant 0 : i32
        %dma_start3A_444 = tpu.memref_slice %arg13[%dma_start3A_442, %dma_start3A_443] : memref<128x128xf32, #tpu.memory_space<vmem>> -> memref<16x128xf32, #tpu.memory_space<vmem>>
        %dma_start3A_445 = arith.constant 0 : i32
        %dma_start3A_446 = arith.constant 0 : i32
        %dma_start3A_447 = tpu.memref_slice %arg18[%dma_start3A_445, %dma_start3A_446] : memref<2064x128xf32, #tpu.memory_space<vmem_shared>> -> memref<2064x128xf32, #tpu.memory_space<vmem_shared>>
        tpu.enqueue_indirect_dma source(%dma_start3A_444 : memref<16x128xf32, #tpu.memory_space<vmem>>) target(%dma_start3A_447 : memref<2064x128xf32, #tpu.memory_space<vmem_shared>>) offsets(%get3A_441 : vector<16xi32>) semaphore(%arg23 : memref<!tpu.dma_semaphore, #tpu.memory_space<semaphore_mem>>) {add = true}
        %mul3A_448 = arith.constant 128 : i32
        %mul3A_449 = arith.muli %while3A_327, %mul3A_448 : i32
        %add3A_450 = arith.constant 96 : i32
        %add3A_451 = arith.addi %mul3A_449, %add3A_450 : i32
        %get3A_452 = arith.index_cast %add3A_451 : i32 to index
        %get3A_453 = tpu.vector_load %arg12[%get3A_452] {strides = array<i32>} : memref<10368xi32, #tpu.memory_space<vmem>>, vector<16xi32>,
        %dma_start3A_454 = arith.constant 96 : i32
        %dma_start3A_455 = arith.constant 0 : i32
        %dma_start3A_456 = tpu.memref_slice %arg13[%dma_start3A_454, %dma_start3A_455] : memref<128x128xf32, #tpu.memory_space<vmem>> -> memref<16x128xf32, #tpu.memory_space<vmem>>
        %dma_start3A_457 = arith.constant 0 : i32
        %dma_start3A_458 = arith.constant 0 : i32
        %dma_start3A_459 = tpu.memref_slice %arg18[%dma_start3A_457, %dma_start3A_458] : memref<2064x128xf32, #tpu.memory_space<vmem_shared>> -> memref<2064x128xf32, #tpu.memory_space<vmem_shared>>
        tpu.enqueue_indirect_dma source(%dma_start3A_456 : memref<16x128xf32, #tpu.memory_space<vmem>>) target(%dma_start3A_459 : memref<2064x128xf32, #tpu.memory_space<vmem_shared>>) offsets(%get3A_453 : vector<16xi32>) semaphore(%arg23 : memref<!tpu.dma_semaphore, #tpu.memory_space<semaphore_mem>>) {add = true}
        %mul3A_460 = arith.constant 128 : i32
        %mul3A_461 = arith.muli %while3A_327, %mul3A_460 : i32
        %add3A_462 = arith.constant 112 : i32
        %add3A_463 = arith.addi %mul3A_461, %add3A_462 : i32
        %get3A_464 = arith.index_cast %add3A_463 : i32 to index
        %get3A_465 = tpu.vector_load %arg12[%get3A_464] {strides = array<i32>} : memref<10368xi32, #tpu.memory_space<vmem>>, vector<16xi32>,
        %dma_start3A_466 = arith.constant 112 : i32
        %dma_start3A_467 = arith.constant 0 : i32
        %dma_start3A_468 = tpu.memref_slice %arg13[%dma_start3A_466, %dma_start3A_467] : memref<128x128xf32, #tpu.memory_space<vmem>> -> memref<16x128xf32, #tpu.memory_space<vmem>>
        %dma_start3A_469 = arith.constant 0 : i32
        %dma_start3A_470 = arith.constant 0 : i32
        %dma_start3A_471 = tpu.memref_slice %arg18[%dma_start3A_469, %dma_start3A_470] : memref<2064x128xf32, #tpu.memory_space<vmem_shared>> -> memref<2064x128xf32, #tpu.memory_space<vmem_shared>>
        tpu.enqueue_indirect_dma source(%dma_start3A_468 : memref<16x128xf32, #tpu.memory_space<vmem>>) target(%dma_start3A_471 : memref<2064x128xf32, #tpu.memory_space<vmem_shared>>) offsets(%get3A_465 : vector<16xi32>) semaphore(%arg23 : memref<!tpu.dma_semaphore, #tpu.memory_space<semaphore_mem>>) {add = true}
      } else {
      }
      %eq3A_350 = arith.constant 1 : i32
      %eq3A_351 = arith.cmpi eq, %select_n3A_344, %eq3A_350 : i32
      %convert_element_type3A_352 = arith.extui %eq3A_351 : i1 to i32
      %cond3A_353 = arith.constant 0 : i32
      %cond3A_354 = arith.cmpi ne, %convert_element_type3A_352, %cond3A_353 : i32
      scf.if %cond3A_354 {
        %dma_wait3A = arith.constant 0 : i32
        %dma_wait3A_361 = arith.constant 0 : i32
        %dma_wait3A_362 = tpu.memref_slice %arg4[%dma_wait3A, %dma_wait3A_361] : memref<10000x128xf32, #tpu.memory_space<hbm>> -> memref<128x128xf32, #tpu.memory_space<hbm>>
        %dma_wait3A_363 = arith.constant 0 : i32
        %dma_wait3A_364 = arith.constant 0 : i32
        %dma_wait3A_365 = tpu.memref_slice %arg4[%dma_wait3A_363, %dma_wait3A_364] : memref<10000x128xf32, #tpu.memory_space<hbm>> -> memref<128x128xf32, #tpu.memory_space<hbm>>
        tpu.wait_dma2 semaphore(%arg21 : memref<!tpu.dma_semaphore, #tpu.memory_space<semaphore_mem>>) src(%dma_wait3A_365 : memref<128x128xf32, #tpu.memory_space<hbm>>) dst(%arg14 : memref<128x128xf32, #tpu.memory_space<vmem>>)
        %ge3A_366 = arith.constant 1 : i32
        %ge3A_367 = arith.cmpi sge, %while3A_327, %ge3A_366 : i32
        %convert_element_type3A_368 = arith.extui %ge3A_367 : i1 to i32
        %cond3A_369 = arith.constant 0 : i32
        %cond3A_370 = arith.cmpi ne, %convert_element_type3A_368, %cond3A_369 : i32
        scf.if %cond3A_370 {
          %dma_wait3A_472 = arith.constant 0 : i32
          %dma_wait3A_473 = arith.constant 0 : i32
          %dma_wait3A_474 = tpu.memref_slice %arg4[%dma_wait3A_472, %dma_wait3A_473] : memref<10000x128xf32, #tpu.memory_space<hbm>> -> memref<128x128xf32, #tpu.memory_space<hbm>>
          %dma_wait3A_475 = arith.constant 0 : i32
          %dma_wait3A_476 = arith.constant 0 : i32
          %dma_wait3A_477 = tpu.memref_slice %arg4[%dma_wait3A_475, %dma_wait3A_476] : memref<10000x128xf32, #tpu.memory_space<hbm>> -> memref<128x128xf32, #tpu.memory_space<hbm>>
          tpu.wait_dma2 semaphore(%arg23 : memref<!tpu.dma_semaphore, #tpu.memory_space<semaphore_mem>>) src(%dma_wait3A_477 : memref<128x128xf32, #tpu.memory_space<hbm>>) dst(%arg13 : memref<128x128xf32, #tpu.memory_space<vmem>>)
        } else {
        }
        %add3A_371 = arith.constant 2 : i32
        %add3A_372 = arith.addi %while3A_327, %add3A_371 : i32
        %lt3A_373 = arith.cmpi slt, %add3A_372, %select_n3A_199 : i32
        %convert_element_type3A_374 = arith.extui %lt3A_373 : i1 to i32
        %cond3A_375 = arith.constant 0 : i32
        %cond3A_376 = arith.cmpi ne, %convert_element_type3A_374, %cond3A_375 : i32
        scf.if %cond3A_376 {
          %add3A_472 = arith.constant 2 : i32
          %add3A_473 = arith.addi %while3A_327, %add3A_472 : i32
          %mul3A_474 = arith.constant 128 : i32
          %mul3A_475 = arith.muli %add3A_473, %mul3A_474 : i32
          %eq3A_476 = arith.constant 0 : i32
          %eq3A_477 = arith.cmpi eq, %arg0, %eq3A_476 : i32
          %convert_element_type3A_478 = arith.extui %eq3A_477 : i1 to i32
          %cond3A_479 = arith.constant 0 : i32
          %cond3A_480 = arith.cmpi ne, %convert_element_type3A_478, %cond3A_479 : i32
          scf.if %cond3A_480 {
            %dma_start3A_486 = tpu.memref_slice %arg11[%mul3A_475] : memref<10368xi32, #tpu.memory_space<vmem>> -> memref<128xi32, #tpu.memory_space<vmem>>
            %dma_start3A_487 = arith.constant 0 : i32
            %dma_start3A_488 = arith.constant 0 : i32
            %dma_start3A_489 = tpu.memref_slice %arg4[%dma_start3A_487, %dma_start3A_488] : memref<10000x128xf32, #tpu.memory_space<hbm>> -> memref<10000x128xf32, #tpu.memory_space<hbm>>
            tpu.enqueue_indirect_dma source(%dma_start3A_489 : memref<10000x128xf32, #tpu.memory_space<hbm>>) target(%arg13 : memref<128x128xf32, #tpu.memory_space<vmem>>) offsets(%dma_start3A_486 : memref<128xi32, #tpu.memory_space<vmem>>) semaphore(%arg20 : memref<!tpu.dma_semaphore, #tpu.memory_space<semaphore_mem>>)
          } else {
          }
          %eq3A_481 = arith.constant 1 : i32
          %eq3A_482 = arith.cmpi eq, %arg0, %eq3A_481 : i32
          %convert_element_type3A_483 = arith.extui %eq3A_482 : i1 to i32
          %cond3A_484 = arith.constant 0 : i32
          %cond3A_485 = arith.cmpi ne, %convert_element_type3A_483, %cond3A_484 : i32
          scf.if %cond3A_485 {
            %dma_start3A_486 = tpu.memref_slice %arg11[%mul3A_475] : memref<10368xi32, #tpu.memory_space<vmem>> -> memref<128xi32, #tpu.memory_space<vmem>>
            %dma_start3A_487 = arith.constant 0 : i32
            %dma_start3A_488 = arith.constant 0 : i32
            %dma_start3A_489 = tpu.memref_slice %arg5[%dma_start3A_487, %dma_start3A_488] : memref<10000x128xf32, #tpu.memory_space<hbm>> -> memref<10000x128xf32, #tpu.memory_space<hbm>>
            tpu.enqueue_indirect_dma source(%dma_start3A_489 : memref<10000x128xf32, #tpu.memory_space<hbm>>) target(%arg13 : memref<128x128xf32, #tpu.memory_space<vmem>>) offsets(%dma_start3A_486 : memref<128xi32, #tpu.memory_space<vmem>>) semaphore(%arg20 : memref<!tpu.dma_semaphore, #tpu.memory_space<semaphore_mem>>)
          } else {
          }
        } else {
        }
        %mul3A_377 = arith.constant 128 : i32
        %mul3A_378 = arith.muli %while3A_327, %mul3A_377 : i32
        %add3A_379 = arith.constant 0 : i32
        %add3A_380 = arith.addi %mul3A_378, %add3A_379 : i32
        %get3A_381 = arith.index_cast %add3A_380 : i32 to index
        %get3A_382 = tpu.vector_load %arg12[%get3A_381] {strides = array<i32>} : memref<10368xi32, #tpu.memory_space<vmem>>, vector<16xi32>,
        %dma_start3A = arith.constant 0 : i32
        %dma_start3A_383 = arith.constant 0 : i32
        %dma_start3A_384 = tpu.memref_slice %arg14[%dma_start3A, %dma_start3A_383] : memref<128x128xf32, #tpu.memory_space<vmem>> -> memref<16x128xf32, #tpu.memory_space<vmem>>
        %dma_start3A_385 = arith.constant 0 : i32
        %dma_start3A_386 = arith.constant 0 : i32
        %dma_start3A_387 = tpu.memref_slice %arg18[%dma_start3A_385, %dma_start3A_386] : memref<2064x128xf32, #tpu.memory_space<vmem_shared>> -> memref<2064x128xf32, #tpu.memory_space<vmem_shared>>
        tpu.enqueue_indirect_dma source(%dma_start3A_384 : memref<16x128xf32, #tpu.memory_space<vmem>>) target(%dma_start3A_387 : memref<2064x128xf32, #tpu.memory_space<vmem_shared>>) offsets(%get3A_382 : vector<16xi32>) semaphore(%arg24 : memref<!tpu.dma_semaphore, #tpu.memory_space<semaphore_mem>>) {add = true}
        %mul3A_388 = arith.constant 128 : i32
        %mul3A_389 = arith.muli %while3A_327, %mul3A_388 : i32
        %add3A_390 = arith.constant 16 : i32
        %add3A_391 = arith.addi %mul3A_389, %add3A_390 : i32
        %get3A_392 = arith.index_cast %add3A_391 : i32 to index
        %get3A_393 = tpu.vector_load %arg12[%get3A_392] {strides = array<i32>} : memref<10368xi32, #tpu.memory_space<vmem>>, vector<16xi32>,
        %dma_start3A_394 = arith.constant 16 : i32
        %dma_start3A_395 = arith.constant 0 : i32
        %dma_start3A_396 = tpu.memref_slice %arg14[%dma_start3A_394, %dma_start3A_395] : memref<128x128xf32, #tpu.memory_space<vmem>> -> memref<16x128xf32, #tpu.memory_space<vmem>>
        %dma_start3A_397 = arith.constant 0 : i32
        %dma_start3A_398 = arith.constant 0 : i32
        %dma_start3A_399 = tpu.memref_slice %arg18[%dma_start3A_397, %dma_start3A_398] : memref<2064x128xf32, #tpu.memory_space<vmem_shared>> -> memref<2064x128xf32, #tpu.memory_space<vmem_shared>>
        tpu.enqueue_indirect_dma source(%dma_start3A_396 : memref<16x128xf32, #tpu.memory_space<vmem>>) target(%dma_start3A_399 : memref<2064x128xf32, #tpu.memory_space<vmem_shared>>) offsets(%get3A_393 : vector<16xi32>) semaphore(%arg24 : memref<!tpu.dma_semaphore, #tpu.memory_space<semaphore_mem>>) {add = true}
        %mul3A_400 = arith.constant 128 : i32
        %mul3A_401 = arith.muli %while3A_327, %mul3A_400 : i32
        %add3A_402 = arith.constant 32 : i32
        %add3A_403 = arith.addi %mul3A_401, %add3A_402 : i32
        %get3A_404 = arith.index_cast %add3A_403 : i32 to index
        %get3A_405 = tpu.vector_load %arg12[%get3A_404] {strides = array<i32>} : memref<10368xi32, #tpu.memory_space<vmem>>, vector<16xi32>,
        %dma_start3A_406 = arith.constant 32 : i32
        %dma_start3A_407 = arith.constant 0 : i32
        %dma_start3A_408 = tpu.memref_slice %arg14[%dma_start3A_406, %dma_start3A_407] : memref<128x128xf32, #tpu.memory_space<vmem>> -> memref<16x128xf32, #tpu.memory_space<vmem>>
        %dma_start3A_409 = arith.constant 0 : i32
        %dma_start3A_410 = arith.constant 0 : i32
        %dma_start3A_411 = tpu.memref_slice %arg18[%dma_start3A_409, %dma_start3A_410] : memref<2064x128xf32, #tpu.memory_space<vmem_shared>> -> memref<2064x128xf32, #tpu.memory_space<vmem_shared>>
        tpu.enqueue_indirect_dma source(%dma_start3A_408 : memref<16x128xf32, #tpu.memory_space<vmem>>) target(%dma_start3A_411 : memref<2064x128xf32, #tpu.memory_space<vmem_shared>>) offsets(%get3A_405 : vector<16xi32>) semaphore(%arg24 : memref<!tpu.dma_semaphore, #tpu.memory_space<semaphore_mem>>) {add = true}
        %mul3A_412 = arith.constant 128 : i32
        %mul3A_413 = arith.muli %while3A_327, %mul3A_412 : i32
        %add3A_414 = arith.constant 48 : i32
        %add3A_415 = arith.addi %mul3A_413, %add3A_414 : i32
        %get3A_416 = arith.index_cast %add3A_415 : i32 to index
        %get3A_417 = tpu.vector_load %arg12[%get3A_416] {strides = array<i32>} : memref<10368xi32, #tpu.memory_space<vmem>>, vector<16xi32>,
        %dma_start3A_418 = arith.constant 48 : i32
        %dma_start3A_419 = arith.constant 0 : i32
        %dma_start3A_420 = tpu.memref_slice %arg14[%dma_start3A_418, %dma_start3A_419] : memref<128x128xf32, #tpu.memory_space<vmem>> -> memref<16x128xf32, #tpu.memory_space<vmem>>
        %dma_start3A_421 = arith.constant 0 : i32
        %dma_start3A_422 = arith.constant 0 : i32
        %dma_start3A_423 = tpu.memref_slice %arg18[%dma_start3A_421, %dma_start3A_422] : memref<2064x128xf32, #tpu.memory_space<vmem_shared>> -> memref<2064x128xf32, #tpu.memory_space<vmem_shared>>
        tpu.enqueue_indirect_dma source(%dma_start3A_420 : memref<16x128xf32, #tpu.memory_space<vmem>>) target(%dma_start3A_423 : memref<2064x128xf32, #tpu.memory_space<vmem_shared>>) offsets(%get3A_417 : vector<16xi32>) semaphore(%arg24 : memref<!tpu.dma_semaphore, #tpu.memory_space<semaphore_mem>>) {add = true}
        %mul3A_424 = arith.constant 128 : i32
        %mul3A_425 = arith.muli %while3A_327, %mul3A_424 : i32
        %add3A_426 = arith.constant 64 : i32
        %add3A_427 = arith.addi %mul3A_425, %add3A_426 : i32
        %get3A_428 = arith.index_cast %add3A_427 : i32 to index
        %get3A_429 = tpu.vector_load %arg12[%get3A_428] {strides = array<i32>} : memref<10368xi32, #tpu.memory_space<vmem>>, vector<16xi32>,
        %dma_start3A_430 = arith.constant 64 : i32
        %dma_start3A_431 = arith.constant 0 : i32
        %dma_start3A_432 = tpu.memref_slice %arg14[%dma_start3A_430, %dma_start3A_431] : memref<128x128xf32, #tpu.memory_space<vmem>> -> memref<16x128xf32, #tpu.memory_space<vmem>>
        %dma_start3A_433 = arith.constant 0 : i32
        %dma_start3A_434 = arith.constant 0 : i32
        %dma_start3A_435 = tpu.memref_slice %arg18[%dma_start3A_433, %dma_start3A_434] : memref<2064x128xf32, #tpu.memory_space<vmem_shared>> -> memref<2064x128xf32, #tpu.memory_space<vmem_shared>>
        tpu.enqueue_indirect_dma source(%dma_start3A_432 : memref<16x128xf32, #tpu.memory_space<vmem>>) target(%dma_start3A_435 : memref<2064x128xf32, #tpu.memory_space<vmem_shared>>) offsets(%get3A_429 : vector<16xi32>) semaphore(%arg24 : memref<!tpu.dma_semaphore, #tpu.memory_space<semaphore_mem>>) {add = true}
        %mul3A_436 = arith.constant 128 : i32
        %mul3A_437 = arith.muli %while3A_327, %mul3A_436 : i32
        %add3A_438 = arith.constant 80 : i32
        %add3A_439 = arith.addi %mul3A_437, %add3A_438 : i32
        %get3A_440 = arith.index_cast %add3A_439 : i32 to index
        %get3A_441 = tpu.vector_load %arg12[%get3A_440] {strides = array<i32>} : memref<10368xi32, #tpu.memory_space<vmem>>, vector<16xi32>,
        %dma_start3A_442 = arith.constant 80 : i32
        %dma_start3A_443 = arith.constant 0 : i32
        %dma_start3A_444 = tpu.memref_slice %arg14[%dma_start3A_442, %dma_start3A_443] : memref<128x128xf32, #tpu.memory_space<vmem>> -> memref<16x128xf32, #tpu.memory_space<vmem>>
        %dma_start3A_445 = arith.constant 0 : i32
        %dma_start3A_446 = arith.constant 0 : i32
        %dma_start3A_447 = tpu.memref_slice %arg18[%dma_start3A_445, %dma_start3A_446] : memref<2064x128xf32, #tpu.memory_space<vmem_shared>> -> memref<2064x128xf32, #tpu.memory_space<vmem_shared>>
        tpu.enqueue_indirect_dma source(%dma_start3A_444 : memref<16x128xf32, #tpu.memory_space<vmem>>) target(%dma_start3A_447 : memref<2064x128xf32, #tpu.memory_space<vmem_shared>>) offsets(%get3A_441 : vector<16xi32>) semaphore(%arg24 : memref<!tpu.dma_semaphore, #tpu.memory_space<semaphore_mem>>) {add = true}
        %mul3A_448 = arith.constant 128 : i32
        %mul3A_449 = arith.muli %while3A_327, %mul3A_448 : i32
        %add3A_450 = arith.constant 96 : i32
        %add3A_451 = arith.addi %mul3A_449, %add3A_450 : i32
        %get3A_452 = arith.index_cast %add3A_451 : i32 to index
        %get3A_453 = tpu.vector_load %arg12[%get3A_452] {strides = array<i32>} : memref<10368xi32, #tpu.memory_space<vmem>>, vector<16xi32>,
        %dma_start3A_454 = arith.constant 96 : i32
        %dma_start3A_455 = arith.constant 0 : i32
        %dma_start3A_456 = tpu.memref_slice %arg14[%dma_start3A_454, %dma_start3A_455] : memref<128x128xf32, #tpu.memory_space<vmem>> -> memref<16x128xf32, #tpu.memory_space<vmem>>
        %dma_start3A_457 = arith.constant 0 : i32
        %dma_start3A_458 = arith.constant 0 : i32
        %dma_start3A_459 = tpu.memref_slice %arg18[%dma_start3A_457, %dma_start3A_458] : memref<2064x128xf32, #tpu.memory_space<vmem_shared>> -> memref<2064x128xf32, #tpu.memory_space<vmem_shared>>
        tpu.enqueue_indirect_dma source(%dma_start3A_456 : memref<16x128xf32, #tpu.memory_space<vmem>>) target(%dma_start3A_459 : memref<2064x128xf32, #tpu.memory_space<vmem_shared>>) offsets(%get3A_453 : vector<16xi32>) semaphore(%arg24 : memref<!tpu.dma_semaphore, #tpu.memory_space<semaphore_mem>>) {add = true}
        %mul3A_460 = arith.constant 128 : i32
        %mul3A_461 = arith.muli %while3A_327, %mul3A_460 : i32
        %add3A_462 = arith.constant 112 : i32
        %add3A_463 = arith.addi %mul3A_461, %add3A_462 : i32
        %get3A_464 = arith.index_cast %add3A_463 : i32 to index
        %get3A_465 = tpu.vector_load %arg12[%get3A_464] {strides = array<i32>} : memref<10368xi32, #tpu.memory_space<vmem>>, vector<16xi32>,
        %dma_start3A_466 = arith.constant 112 : i32
        %dma_start3A_467 = arith.constant 0 : i32
        %dma_start3A_468 = tpu.memref_slice %arg14[%dma_start3A_466, %dma_start3A_467] : memref<128x128xf32, #tpu.memory_space<vmem>> -> memref<16x128xf32, #tpu.memory_space<vmem>>
        %dma_start3A_469 = arith.constant 0 : i32
        %dma_start3A_470 = arith.constant 0 : i32
        %dma_start3A_471 = tpu.memref_slice %arg18[%dma_start3A_469, %dma_start3A_470] : memref<2064x128xf32, #tpu.memory_space<vmem_shared>> -> memref<2064x128xf32, #tpu.memory_space<vmem_shared>>
        tpu.enqueue_indirect_dma source(%dma_start3A_468 : memref<16x128xf32, #tpu.memory_space<vmem>>) target(%dma_start3A_471 : memref<2064x128xf32, #tpu.memory_space<vmem_shared>>) offsets(%get3A_465 : vector<16xi32>) semaphore(%arg24 : memref<!tpu.dma_semaphore, #tpu.memory_space<semaphore_mem>>) {add = true}
      } else {
      }
      %eq3A_355 = arith.constant 2 : i32
      %eq3A_356 = arith.cmpi eq, %select_n3A_344, %eq3A_355 : i32
      %convert_element_type3A_357 = arith.extui %eq3A_356 : i1 to i32
      %cond3A_358 = arith.constant 0 : i32
      %cond3A_359 = arith.cmpi ne, %convert_element_type3A_357, %cond3A_358 : i32
      scf.if %cond3A_359 {
        %dma_wait3A = arith.constant 0 : i32
        %dma_wait3A_361 = arith.constant 0 : i32
        %dma_wait3A_362 = tpu.memref_slice %arg4[%dma_wait3A, %dma_wait3A_361] : memref<10000x128xf32, #tpu.memory_space<hbm>> -> memref<128x128xf32, #tpu.memory_space<hbm>>
        %dma_wait3A_363 = arith.constant 0 : i32
        %dma_wait3A_364 = arith.constant 0 : i32
        %dma_wait3A_365 = tpu.memref_slice %arg4[%dma_wait3A_363, %dma_wait3A_364] : memref<10000x128xf32, #tpu.memory_space<hbm>> -> memref<128x128xf32, #tpu.memory_space<hbm>>
        tpu.wait_dma2 semaphore(%arg22 : memref<!tpu.dma_semaphore, #tpu.memory_space<semaphore_mem>>) src(%dma_wait3A_365 : memref<128x128xf32, #tpu.memory_space<hbm>>) dst(%arg15 : memref<128x128xf32, #tpu.memory_space<vmem>>)
        %ge3A_366 = arith.constant 1 : i32
        %ge3A_367 = arith.cmpi sge, %while3A_327, %ge3A_366 : i32
        %convert_element_type3A_368 = arith.extui %ge3A_367 : i1 to i32
        %cond3A_369 = arith.constant 0 : i32
        %cond3A_370 = arith.cmpi ne, %convert_element_type3A_368, %cond3A_369 : i32
        scf.if %cond3A_370 {
          %dma_wait3A_472 = arith.constant 0 : i32
          %dma_wait3A_473 = arith.constant 0 : i32
          %dma_wait3A_474 = tpu.memref_slice %arg4[%dma_wait3A_472, %dma_wait3A_473] : memref<10000x128xf32, #tpu.memory_space<hbm>> -> memref<128x128xf32, #tpu.memory_space<hbm>>
          %dma_wait3A_475 = arith.constant 0 : i32
          %dma_wait3A_476 = arith.constant 0 : i32
          %dma_wait3A_477 = tpu.memref_slice %arg4[%dma_wait3A_475, %dma_wait3A_476] : memref<10000x128xf32, #tpu.memory_space<hbm>> -> memref<128x128xf32, #tpu.memory_space<hbm>>
          tpu.wait_dma2 semaphore(%arg24 : memref<!tpu.dma_semaphore, #tpu.memory_space<semaphore_mem>>) src(%dma_wait3A_477 : memref<128x128xf32, #tpu.memory_space<hbm>>) dst(%arg14 : memref<128x128xf32, #tpu.memory_space<vmem>>)
        } else {
        }
        %add3A_371 = arith.constant 2 : i32
        %add3A_372 = arith.addi %while3A_327, %add3A_371 : i32
        %lt3A_373 = arith.cmpi slt, %add3A_372, %select_n3A_199 : i32
        %convert_element_type3A_374 = arith.extui %lt3A_373 : i1 to i32
        %cond3A_375 = arith.constant 0 : i32
        %cond3A_376 = arith.cmpi ne, %convert_element_type3A_374, %cond3A_375 : i32
        scf.if %cond3A_376 {
          %add3A_472 = arith.constant 2 : i32
          %add3A_473 = arith.addi %while3A_327, %add3A_472 : i32
          %mul3A_474 = arith.constant 128 : i32
          %mul3A_475 = arith.muli %add3A_473, %mul3A_474 : i32
          %eq3A_476 = arith.constant 0 : i32
          %eq3A_477 = arith.cmpi eq, %arg0, %eq3A_476 : i32
          %convert_element_type3A_478 = arith.extui %eq3A_477 : i1 to i32
          %cond3A_479 = arith.constant 0 : i32
          %cond3A_480 = arith.cmpi ne, %convert_element_type3A_478, %cond3A_479 : i32
          scf.if %cond3A_480 {
            %dma_start3A_486 = tpu.memref_slice %arg11[%mul3A_475] : memref<10368xi32, #tpu.memory_space<vmem>> -> memref<128xi32, #tpu.memory_space<vmem>>
            %dma_start3A_487 = arith.constant 0 : i32
            %dma_start3A_488 = arith.constant 0 : i32
            %dma_start3A_489 = tpu.memref_slice %arg4[%dma_start3A_487, %dma_start3A_488] : memref<10000x128xf32, #tpu.memory_space<hbm>> -> memref<10000x128xf32, #tpu.memory_space<hbm>>
            tpu.enqueue_indirect_dma source(%dma_start3A_489 : memref<10000x128xf32, #tpu.memory_space<hbm>>) target(%arg14 : memref<128x128xf32, #tpu.memory_space<vmem>>) offsets(%dma_start3A_486 : memref<128xi32, #tpu.memory_space<vmem>>) semaphore(%arg21 : memref<!tpu.dma_semaphore, #tpu.memory_space<semaphore_mem>>)
          } else {
          }
          %eq3A_481 = arith.constant 1 : i32
          %eq3A_482 = arith.cmpi eq, %arg0, %eq3A_481 : i32
          %convert_element_type3A_483 = arith.extui %eq3A_482 : i1 to i32
          %cond3A_484 = arith.constant 0 : i32
          %cond3A_485 = arith.cmpi ne, %convert_element_type3A_483, %cond3A_484 : i32
          scf.if %cond3A_485 {
            %dma_start3A_486 = tpu.memref_slice %arg11[%mul3A_475] : memref<10368xi32, #tpu.memory_space<vmem>> -> memref<128xi32, #tpu.memory_space<vmem>>
            %dma_start3A_487 = arith.constant 0 : i32
            %dma_start3A_488 = arith.constant 0 : i32
            %dma_start3A_489 = tpu.memref_slice %arg5[%dma_start3A_487, %dma_start3A_488] : memref<10000x128xf32, #tpu.memory_space<hbm>> -> memref<10000x128xf32, #tpu.memory_space<hbm>>
            tpu.enqueue_indirect_dma source(%dma_start3A_489 : memref<10000x128xf32, #tpu.memory_space<hbm>>) target(%arg14 : memref<128x128xf32, #tpu.memory_space<vmem>>) offsets(%dma_start3A_486 : memref<128xi32, #tpu.memory_space<vmem>>) semaphore(%arg21 : memref<!tpu.dma_semaphore, #tpu.memory_space<semaphore_mem>>)
          } else {
          }
        } else {
        }
        %mul3A_377 = arith.constant 128 : i32
        %mul3A_378 = arith.muli %while3A_327, %mul3A_377 : i32
        %add3A_379 = arith.constant 0 : i32
        %add3A_380 = arith.addi %mul3A_378, %add3A_379 : i32
        %get3A_381 = arith.index_cast %add3A_380 : i32 to index
        %get3A_382 = tpu.vector_load %arg12[%get3A_381] {strides = array<i32>} : memref<10368xi32, #tpu.memory_space<vmem>>, vector<16xi32>,
        %dma_start3A = arith.constant 0 : i32
        %dma_start3A_383 = arith.constant 0 : i32
        %dma_start3A_384 = tpu.memref_slice %arg15[%dma_start3A, %dma_start3A_383] : memref<128x128xf32, #tpu.memory_space<vmem>> -> memref<16x128xf32, #tpu.memory_space<vmem>>
        %dma_start3A_385 = arith.constant 0 : i32
        %dma_start3A_386 = arith.constant 0 : i32
        %dma_start3A_387 = tpu.memref_slice %arg18[%dma_start3A_385, %dma_start3A_386] : memref<2064x128xf32, #tpu.memory_space<vmem_shared>> -> memref<2064x128xf32, #tpu.memory_space<vmem_shared>>
        tpu.enqueue_indirect_dma source(%dma_start3A_384 : memref<16x128xf32, #tpu.memory_space<vmem>>) target(%dma_start3A_387 : memref<2064x128xf32, #tpu.memory_space<vmem_shared>>) offsets(%get3A_382 : vector<16xi32>) semaphore(%arg25 : memref<!tpu.dma_semaphore, #tpu.memory_space<semaphore_mem>>) {add = true}
        %mul3A_388 = arith.constant 128 : i32
        %mul3A_389 = arith.muli %while3A_327, %mul3A_388 : i32
        %add3A_390 = arith.constant 16 : i32
        %add3A_391 = arith.addi %mul3A_389, %add3A_390 : i32
        %get3A_392 = arith.index_cast %add3A_391 : i32 to index
        %get3A_393 = tpu.vector_load %arg12[%get3A_392] {strides = array<i32>} : memref<10368xi32, #tpu.memory_space<vmem>>, vector<16xi32>,
        %dma_start3A_394 = arith.constant 16 : i32
        %dma_start3A_395 = arith.constant 0 : i32
        %dma_start3A_396 = tpu.memref_slice %arg15[%dma_start3A_394, %dma_start3A_395] : memref<128x128xf32, #tpu.memory_space<vmem>> -> memref<16x128xf32, #tpu.memory_space<vmem>>
        %dma_start3A_397 = arith.constant 0 : i32
        %dma_start3A_398 = arith.constant 0 : i32
        %dma_start3A_399 = tpu.memref_slice %arg18[%dma_start3A_397, %dma_start3A_398] : memref<2064x128xf32, #tpu.memory_space<vmem_shared>> -> memref<2064x128xf32, #tpu.memory_space<vmem_shared>>
        tpu.enqueue_indirect_dma source(%dma_start3A_396 : memref<16x128xf32, #tpu.memory_space<vmem>>) target(%dma_start3A_399 : memref<2064x128xf32, #tpu.memory_space<vmem_shared>>) offsets(%get3A_393 : vector<16xi32>) semaphore(%arg25 : memref<!tpu.dma_semaphore, #tpu.memory_space<semaphore_mem>>) {add = true}
        %mul3A_400 = arith.constant 128 : i32
        %mul3A_401 = arith.muli %while3A_327, %mul3A_400 : i32
        %add3A_402 = arith.constant 32 : i32
        %add3A_403 = arith.addi %mul3A_401, %add3A_402 : i32
        %get3A_404 = arith.index_cast %add3A_403 : i32 to index
        %get3A_405 = tpu.vector_load %arg12[%get3A_404] {strides = array<i32>} : memref<10368xi32, #tpu.memory_space<vmem>>, vector<16xi32>,
        %dma_start3A_406 = arith.constant 32 : i32
        %dma_start3A_407 = arith.constant 0 : i32
        %dma_start3A_408 = tpu.memref_slice %arg15[%dma_start3A_406, %dma_start3A_407] : memref<128x128xf32, #tpu.memory_space<vmem>> -> memref<16x128xf32, #tpu.memory_space<vmem>>
        %dma_start3A_409 = arith.constant 0 : i32
        %dma_start3A_410 = arith.constant 0 : i32
        %dma_start3A_411 = tpu.memref_slice %arg18[%dma_start3A_409, %dma_start3A_410] : memref<2064x128xf32, #tpu.memory_space<vmem_shared>> -> memref<2064x128xf32, #tpu.memory_space<vmem_shared>>
        tpu.enqueue_indirect_dma source(%dma_start3A_408 : memref<16x128xf32, #tpu.memory_space<vmem>>) target(%dma_start3A_411 : memref<2064x128xf32, #tpu.memory_space<vmem_shared>>) offsets(%get3A_405 : vector<16xi32>) semaphore(%arg25 : memref<!tpu.dma_semaphore, #tpu.memory_space<semaphore_mem>>) {add = true}
        %mul3A_412 = arith.constant 128 : i32
        %mul3A_413 = arith.muli %while3A_327, %mul3A_412 : i32
        %add3A_414 = arith.constant 48 : i32
        %add3A_415 = arith.addi %mul3A_413, %add3A_414 : i32
        %get3A_416 = arith.index_cast %add3A_415 : i32 to index
        %get3A_417 = tpu.vector_load %arg12[%get3A_416] {strides = array<i32>} : memref<10368xi32, #tpu.memory_space<vmem>>, vector<16xi32>,
        %dma_start3A_418 = arith.constant 48 : i32
        %dma_start3A_419 = arith.constant 0 : i32
        %dma_start3A_420 = tpu.memref_slice %arg15[%dma_start3A_418, %dma_start3A_419] : memref<128x128xf32, #tpu.memory_space<vmem>> -> memref<16x128xf32, #tpu.memory_space<vmem>>
        %dma_start3A_421 = arith.constant 0 : i32
        %dma_start3A_422 = arith.constant 0 : i32
        %dma_start3A_423 = tpu.memref_slice %arg18[%dma_start3A_421, %dma_start3A_422] : memref<2064x128xf32, #tpu.memory_space<vmem_shared>> -> memref<2064x128xf32, #tpu.memory_space<vmem_shared>>
        tpu.enqueue_indirect_dma source(%dma_start3A_420 : memref<16x128xf32, #tpu.memory_space<vmem>>) target(%dma_start3A_423 : memref<2064x128xf32, #tpu.memory_space<vmem_shared>>) offsets(%get3A_417 : vector<16xi32>) semaphore(%arg25 : memref<!tpu.dma_semaphore, #tpu.memory_space<semaphore_mem>>) {add = true}
        %mul3A_424 = arith.constant 128 : i32
        %mul3A_425 = arith.muli %while3A_327, %mul3A_424 : i32
        %add3A_426 = arith.constant 64 : i32
        %add3A_427 = arith.addi %mul3A_425, %add3A_426 : i32
        %get3A_428 = arith.index_cast %add3A_427 : i32 to index
        %get3A_429 = tpu.vector_load %arg12[%get3A_428] {strides = array<i32>} : memref<10368xi32, #tpu.memory_space<vmem>>, vector<16xi32>,
        %dma_start3A_430 = arith.constant 64 : i32
        %dma_start3A_431 = arith.constant 0 : i32
        %dma_start3A_432 = tpu.memref_slice %arg15[%dma_start3A_430, %dma_start3A_431] : memref<128x128xf32, #tpu.memory_space<vmem>> -> memref<16x128xf32, #tpu.memory_space<vmem>>
        %dma_start3A_433 = arith.constant 0 : i32
        %dma_start3A_434 = arith.constant 0 : i32
        %dma_start3A_435 = tpu.memref_slice %arg18[%dma_start3A_433, %dma_start3A_434] : memref<2064x128xf32, #tpu.memory_space<vmem_shared>> -> memref<2064x128xf32, #tpu.memory_space<vmem_shared>>
        tpu.enqueue_indirect_dma source(%dma_start3A_432 : memref<16x128xf32, #tpu.memory_space<vmem>>) target(%dma_start3A_435 : memref<2064x128xf32, #tpu.memory_space<vmem_shared>>) offsets(%get3A_429 : vector<16xi32>) semaphore(%arg25 : memref<!tpu.dma_semaphore, #tpu.memory_space<semaphore_mem>>) {add = true}
        %mul3A_436 = arith.constant 128 : i32
        %mul3A_437 = arith.muli %while3A_327, %mul3A_436 : i32
        %add3A_438 = arith.constant 80 : i32
        %add3A_439 = arith.addi %mul3A_437, %add3A_438 : i32
        %get3A_440 = arith.index_cast %add3A_439 : i32 to index
        %get3A_441 = tpu.vector_load %arg12[%get3A_440] {strides = array<i32>} : memref<10368xi32, #tpu.memory_space<vmem>>, vector<16xi32>,
        %dma_start3A_442 = arith.constant 80 : i32
        %dma_start3A_443 = arith.constant 0 : i32
        %dma_start3A_444 = tpu.memref_slice %arg15[%dma_start3A_442, %dma_start3A_443] : memref<128x128xf32, #tpu.memory_space<vmem>> -> memref<16x128xf32, #tpu.memory_space<vmem>>
        %dma_start3A_445 = arith.constant 0 : i32
        %dma_start3A_446 = arith.constant 0 : i32
        %dma_start3A_447 = tpu.memref_slice %arg18[%dma_start3A_445, %dma_start3A_446] : memref<2064x128xf32, #tpu.memory_space<vmem_shared>> -> memref<2064x128xf32, #tpu.memory_space<vmem_shared>>
        tpu.enqueue_indirect_dma source(%dma_start3A_444 : memref<16x128xf32, #tpu.memory_space<vmem>>) target(%dma_start3A_447 : memref<2064x128xf32, #tpu.memory_space<vmem_shared>>) offsets(%get3A_441 : vector<16xi32>) semaphore(%arg25 : memref<!tpu.dma_semaphore, #tpu.memory_space<semaphore_mem>>) {add = true}
        %mul3A_448 = arith.constant 128 : i32
        %mul3A_449 = arith.muli %while3A_327, %mul3A_448 : i32
        %add3A_450 = arith.constant 96 : i32
        %add3A_451 = arith.addi %mul3A_449, %add3A_450 : i32
        %get3A_452 = arith.index_cast %add3A_451 : i32 to index
        %get3A_453 = tpu.vector_load %arg12[%get3A_452] {strides = array<i32>} : memref<10368xi32, #tpu.memory_space<vmem>>, vector<16xi32>,
        %dma_start3A_454 = arith.constant 96 : i32
        %dma_start3A_455 = arith.constant 0 : i32
        %dma_start3A_456 = tpu.memref_slice %arg15[%dma_start3A_454, %dma_start3A_455] : memref<128x128xf32, #tpu.memory_space<vmem>> -> memref<16x128xf32, #tpu.memory_space<vmem>>
        %dma_start3A_457 = arith.constant 0 : i32
        %dma_start3A_458 = arith.constant 0 : i32
        %dma_start3A_459 = tpu.memref_slice %arg18[%dma_start3A_457, %dma_start3A_458] : memref<2064x128xf32, #tpu.memory_space<vmem_shared>> -> memref<2064x128xf32, #tpu.memory_space<vmem_shared>>
        tpu.enqueue_indirect_dma source(%dma_start3A_456 : memref<16x128xf32, #tpu.memory_space<vmem>>) target(%dma_start3A_459 : memref<2064x128xf32, #tpu.memory_space<vmem_shared>>) offsets(%get3A_453 : vector<16xi32>) semaphore(%arg25 : memref<!tpu.dma_semaphore, #tpu.memory_space<semaphore_mem>>) {add = true}
        %mul3A_460 = arith.constant 128 : i32
        %mul3A_461 = arith.muli %while3A_327, %mul3A_460 : i32
        %add3A_462 = arith.constant 112 : i32
        %add3A_463 = arith.addi %mul3A_461, %add3A_462 : i32
        %get3A_464 = arith.index_cast %add3A_463 : i32 to index
        %get3A_465 = tpu.vector_load %arg12[%get3A_464] {strides = array<i32>} : memref<10368xi32, #tpu.memory_space<vmem>>, vector<16xi32>,
        %dma_start3A_466 = arith.constant 112 : i32
        %dma_start3A_467 = arith.constant 0 : i32
        %dma_start3A_468 = tpu.memref_slice %arg15[%dma_start3A_466, %dma_start3A_467] : memref<128x128xf32, #tpu.memory_space<vmem>> -> memref<16x128xf32, #tpu.memory_space<vmem>>
        %dma_start3A_469 = arith.constant 0 : i32
        %dma_start3A_470 = arith.constant 0 : i32
        %dma_start3A_471 = tpu.memref_slice %arg18[%dma_start3A_469, %dma_start3A_470] : memref<2064x128xf32, #tpu.memory_space<vmem_shared>> -> memref<2064x128xf32, #tpu.memory_space<vmem_shared>>
        tpu.enqueue_indirect_dma source(%dma_start3A_468 : memref<16x128xf32, #tpu.memory_space<vmem>>) target(%dma_start3A_471 : memref<2064x128xf32, #tpu.memory_space<vmem_shared>>) offsets(%get3A_465 : vector<16xi32>) semaphore(%arg25 : memref<!tpu.dma_semaphore, #tpu.memory_space<semaphore_mem>>) {add = true}
      } else {
      }
      %while3A_360 = arith.constant 0 : i32
      scf.yield %while3A_360 : i32
    }
    %ge3A_221 = arith.constant 1 : i32
    %ge3A_222 = arith.cmpi sge, %select_n3A_199, %ge3A_221 : i32
    %sub3A_223 = arith.constant 1 : i32
    %sub3A_224 = arith.subi %select_n3A_199, %sub3A_223 : i32
    %jit3A_225 = arith.constant 3 : i32
    %eq3A_226 = arith.constant 0 : i32
    %eq3A_227 = arith.cmpi eq, %jit3A_225, %eq3A_226 : i32
    %jit3A_228 = arith.constant 1 : i32
    %select_n3A_229 = arith.select %eq3A_227, %jit3A_228, %jit3A_225 : i32
    %rem3A_230 = arith.remsi %sub3A_224, %select_n3A_229 : i32
    %ne3A_231 = arith.constant 0 : i32
    %ne3A_232 = arith.cmpi ne, %rem3A_230, %ne3A_231 : i32
    %lt3A_233 = arith.constant 0 : i32
    %lt3A_234 = arith.cmpi slt, %rem3A_230, %lt3A_233 : i32
    %lt3A_235 = arith.constant 0 : i32
    %lt3A_236 = arith.cmpi slt, %select_n3A_229, %lt3A_235 : i32
    %ne3A_237 = arith.xori %lt3A_234, %lt3A_236 : i1
    %and3A_238 = arith.andi %ne3A_237, %ne3A_232 : i1
    %add3A_239 = arith.addi %rem3A_230, %select_n3A_229 : i32
    %select_n3A_240 = arith.select %and3A_238, %add3A_239, %rem3A_230 : i32
    %eq3A_241 = arith.constant 0 : i32
    %eq3A_242 = arith.cmpi eq, %select_n3A_240, %eq3A_241 : i32
    %and3A_243 = arith.andi %ge3A_222, %eq3A_242 : i1
    %convert_element_type3A_244 = arith.extui %and3A_243 : i1 to i32
    %cond3A_245 = arith.constant 0 : i32
    %cond3A_246 = arith.cmpi ne, %convert_element_type3A_244, %cond3A_245 : i32
    scf.if %cond3A_246 {
      %dma_wait3A = arith.constant 0 : i32
      %dma_wait3A_327 = arith.constant 0 : i32
      %dma_wait3A_328 = tpu.memref_slice %arg4[%dma_wait3A, %dma_wait3A_327] : memref<10000x128xf32, #tpu.memory_space<hbm>> -> memref<128x128xf32, #tpu.memory_space<hbm>>
      %dma_wait3A_329 = arith.constant 0 : i32
      %dma_wait3A_330 = arith.constant 0 : i32
      %dma_wait3A_331 = tpu.memref_slice %arg4[%dma_wait3A_329, %dma_wait3A_330] : memref<10000x128xf32, #tpu.memory_space<hbm>> -> memref<128x128xf32, #tpu.memory_space<hbm>>
      tpu.wait_dma2 semaphore(%arg23 : memref<!tpu.dma_semaphore, #tpu.memory_space<semaphore_mem>>) src(%dma_wait3A_331 : memref<128x128xf32, #tpu.memory_space<hbm>>) dst(%arg13 : memref<128x128xf32, #tpu.memory_space<vmem>>)
    } else {
    }
    %ge3A_247 = arith.constant 1 : i32
    %ge3A_248 = arith.cmpi sge, %select_n3A_199, %ge3A_247 : i32
    %sub3A_249 = arith.constant 1 : i32
    %sub3A_250 = arith.subi %select_n3A_199, %sub3A_249 : i32
    %jit3A_251 = arith.constant 3 : i32
    %eq3A_252 = arith.constant 0 : i32
    %eq3A_253 = arith.cmpi eq, %jit3A_251, %eq3A_252 : i32
    %jit3A_254 = arith.constant 1 : i32
    %select_n3A_255 = arith.select %eq3A_253, %jit3A_254, %jit3A_251 : i32
    %rem3A_256 = arith.remsi %sub3A_250, %select_n3A_255 : i32
    %ne3A_257 = arith.constant 0 : i32
    %ne3A_258 = arith.cmpi ne, %rem3A_256, %ne3A_257 : i32
    %lt3A_259 = arith.constant 0 : i32
    %lt3A_260 = arith.cmpi slt, %rem3A_256, %lt3A_259 : i32
    %lt3A_261 = arith.constant 0 : i32
    %lt3A_262 = arith.cmpi slt, %select_n3A_255, %lt3A_261 : i32
    %ne3A_263 = arith.xori %lt3A_260, %lt3A_262 : i1
    %and3A_264 = arith.andi %ne3A_263, %ne3A_258 : i1
    %add3A_265 = arith.addi %rem3A_256, %select_n3A_255 : i32
    %select_n3A_266 = arith.select %and3A_264, %add3A_265, %rem3A_256 : i32
    %eq3A_267 = arith.constant 1 : i32
    %eq3A_268 = arith.cmpi eq, %select_n3A_266, %eq3A_267 : i32
    %and3A_269 = arith.andi %ge3A_248, %eq3A_268 : i1
    %convert_element_type3A_270 = arith.extui %and3A_269 : i1 to i32
    %cond3A_271 = arith.constant 0 : i32
    %cond3A_272 = arith.cmpi ne, %convert_element_type3A_270, %cond3A_271 : i32
    scf.if %cond3A_272 {
      %dma_wait3A = arith.constant 0 : i32
      %dma_wait3A_327 = arith.constant 0 : i32
      %dma_wait3A_328 = tpu.memref_slice %arg4[%dma_wait3A, %dma_wait3A_327] : memref<10000x128xf32, #tpu.memory_space<hbm>> -> memref<128x128xf32, #tpu.memory_space<hbm>>
      %dma_wait3A_329 = arith.constant 0 : i32
      %dma_wait3A_330 = arith.constant 0 : i32
      %dma_wait3A_331 = tpu.memref_slice %arg4[%dma_wait3A_329, %dma_wait3A_330] : memref<10000x128xf32, #tpu.memory_space<hbm>> -> memref<128x128xf32, #tpu.memory_space<hbm>>
      tpu.wait_dma2 semaphore(%arg24 : memref<!tpu.dma_semaphore, #tpu.memory_space<semaphore_mem>>) src(%dma_wait3A_331 : memref<128x128xf32, #tpu.memory_space<hbm>>) dst(%arg14 : memref<128x128xf32, #tpu.memory_space<vmem>>)
    } else {
    }
    %ge3A_273 = arith.constant 1 : i32
    %ge3A_274 = arith.cmpi sge, %select_n3A_199, %ge3A_273 : i32
    %sub3A_275 = arith.constant 1 : i32
    %sub3A_276 = arith.subi %select_n3A_199, %sub3A_275 : i32
    %jit3A_277 = arith.constant 3 : i32
    %eq3A_278 = arith.constant 0 : i32
    %eq3A_279 = arith.cmpi eq, %jit3A_277, %eq3A_278 : i32
    %jit3A_280 = arith.constant 1 : i32
    %select_n3A_281 = arith.select %eq3A_279, %jit3A_280, %jit3A_277 : i32
    %rem3A_282 = arith.remsi %sub3A_276, %select_n3A_281 : i32
    %ne3A_283 = arith.constant 0 : i32
    %ne3A_284 = arith.cmpi ne, %rem3A_282, %ne3A_283 : i32
    %lt3A_285 = arith.constant 0 : i32
    %lt3A_286 = arith.cmpi slt, %rem3A_282, %lt3A_285 : i32
    %lt3A_287 = arith.constant 0 : i32
    %lt3A_288 = arith.cmpi slt, %select_n3A_281, %lt3A_287 : i32
    %ne3A_289 = arith.xori %lt3A_286, %lt3A_288 : i1
    %and3A_290 = arith.andi %ne3A_289, %ne3A_284 : i1
    %add3A_291 = arith.addi %rem3A_282, %select_n3A_281 : i32
    %select_n3A_292 = arith.select %and3A_290, %add3A_291, %rem3A_282 : i32
    %eq3A_293 = arith.constant 2 : i32
    %eq3A_294 = arith.cmpi eq, %select_n3A_292, %eq3A_293 : i32
    %and3A_295 = arith.andi %ge3A_274, %eq3A_294 : i1
    %convert_element_type3A_296 = arith.extui %and3A_295 : i1 to i32
    %cond3A_297 = arith.constant 0 : i32
    %cond3A_298 = arith.cmpi ne, %convert_element_type3A_296, %cond3A_297 : i32
    scf.if %cond3A_298 {
      %dma_wait3A = arith.constant 0 : i32
      %dma_wait3A_327 = arith.constant 0 : i32
      %dma_wait3A_328 = tpu.memref_slice %arg4[%dma_wait3A, %dma_wait3A_327] : memref<10000x128xf32, #tpu.memory_space<hbm>> -> memref<128x128xf32, #tpu.memory_space<hbm>>
      %dma_wait3A_329 = arith.constant 0 : i32
      %dma_wait3A_330 = arith.constant 0 : i32
      %dma_wait3A_331 = tpu.memref_slice %arg4[%dma_wait3A_329, %dma_wait3A_330] : memref<10000x128xf32, #tpu.memory_space<hbm>> -> memref<128x128xf32, #tpu.memory_space<hbm>>
      tpu.wait_dma2 semaphore(%arg25 : memref<!tpu.dma_semaphore, #tpu.memory_space<semaphore_mem>>) src(%dma_wait3A_331 : memref<128x128xf32, #tpu.memory_space<hbm>>) dst(%arg15 : memref<128x128xf32, #tpu.memory_space<vmem>>)
    } else {
    }
    %barrier3A_299 = arith.constant 0 : index
    tpu.barrier barrier_id(%barrier3A_299)
    %mul3A_300 = arith.constant 128 : i32
    %mul3A_301 = arith.muli %arg1, %mul3A_300 : i32
    %mul3A_302 = arith.constant 2 : i32
    %mul3A_303 = arith.muli %arg0, %mul3A_302 : i32
    %add3A_304 = arith.constant 0 : i32
    %add3A_305 = arith.addi %mul3A_303, %add3A_304 : i32
    %mul3A_306 = arith.constant 2048 : i32
    %mul3A_307 = arith.muli %add3A_305, %mul3A_306 : i32
    %mul3A_308 = arith.constant 128 : i32
    %mul3A_309 = arith.muli %arg1, %mul3A_308 : i32
    %add3A_310 = arith.addi %mul3A_307, %mul3A_309 : i32
    "tpu.region"() ({
      %run_scoped3A = tpu.sem_alloc : memref<!tpu.dma_semaphore, #tpu.memory_space<semaphore_mem>>
      %dma_start3A = arith.constant 0 : i32
      %dma_start3A_327 = tpu.memref_slice %arg7[%add3A_310, %dma_start3A] : memref<8192x128xf32, #tpu.memory_space<hbm>> -> memref<128x128xf32, #tpu.memory_space<hbm>>
      %dma_start3A_328 = arith.constant 0 : i32
      %dma_start3A_329 = tpu.memref_slice %arg18[%mul3A_301, %dma_start3A_328] : memref<2064x128xf32, #tpu.memory_space<vmem_shared>> -> memref<128x128xf32, #tpu.memory_space<vmem_shared>>
      tpu.enqueue_dma source(%dma_start3A_329 : memref<128x128xf32, #tpu.memory_space<vmem_shared>>) target(%dma_start3A_327 : memref<128x128xf32, #tpu.memory_space<hbm>>) target_semaphore(%run_scoped3A : memref<!tpu.dma_semaphore, #tpu.memory_space<semaphore_mem>>)
      %dma_wait3A = arith.constant 0 : i32
      %dma_wait3A_330 = tpu.memref_slice %arg7[%add3A_310, %dma_wait3A] : memref<8192x128xf32, #tpu.memory_space<hbm>> -> memref<128x128xf32, #tpu.memory_space<hbm>>
      %dma_wait3A_331 = arith.constant 0 : i32
      %dma_wait3A_332 = tpu.memref_slice %arg18[%mul3A_301, %dma_wait3A_331] : memref<2064x128xf32, #tpu.memory_space<vmem_shared>> -> memref<128x128xf32, #tpu.memory_space<vmem_shared>>
      tpu.wait_dma2 semaphore(%run_scoped3A : memref<!tpu.dma_semaphore, #tpu.memory_space<semaphore_mem>>) src(%dma_wait3A_332 : memref<128x128xf32, #tpu.memory_space<vmem_shared>>) dst(%dma_wait3A_330 : memref<128x128xf32, #tpu.memory_space<hbm>>)
      tpu.yield
    }) : () -> ()
    %mul3A_311 = arith.constant 128 : i32
    %mul3A_312 = arith.muli %arg1, %mul3A_311 : i32
    %mul3A_313 = arith.constant 2 : i32
    %mul3A_314 = arith.muli %arg0, %mul3A_313 : i32
    %add3A_315 = arith.constant 1 : i32
    %add3A_316 = arith.addi %mul3A_314, %add3A_315 : i32
    %mul3A_317 = arith.constant 2048 : i32
    %mul3A_318 = arith.muli %add3A_316, %mul3A_317 : i32
    %mul3A_319 = arith.constant 128 : i32
    %mul3A_320 = arith.muli %arg1, %mul3A_319 : i32
    %add3A_321 = arith.addi %mul3A_318, %mul3A_320 : i32
    "tpu.region"() ({
      %run_scoped3A = tpu.sem_alloc : memref<!tpu.dma_semaphore, #tpu.memory_space<semaphore_mem>>
      %dma_start3A = arith.constant 0 : i32
      %dma_start3A_327 = tpu.memref_slice %arg7[%add3A_321, %dma_start3A] : memref<8192x128xf32, #tpu.memory_space<hbm>> -> memref<128x128xf32, #tpu.memory_space<hbm>>
      %dma_start3A_328 = arith.constant 0 : i32
      %dma_start3A_329 = tpu.memref_slice %arg19[%mul3A_312, %dma_start3A_328] : memref<2064x128xf32, #tpu.memory_space<vmem_shared>> -> memref<128x128xf32, #tpu.memory_space<vmem_shared>>
      tpu.enqueue_dma source(%dma_start3A_329 : memref<128x128xf32, #tpu.memory_space<vmem_shared>>) target(%dma_start3A_327 : memref<128x128xf32, #tpu.memory_space<hbm>>) target_semaphore(%run_scoped3A : memref<!tpu.dma_semaphore, #tpu.memory_space<semaphore_mem>>)
      %dma_wait3A = arith.constant 0 : i32
      %dma_wait3A_330 = tpu.memref_slice %arg7[%add3A_321, %dma_wait3A] : memref<8192x128xf32, #tpu.memory_space<hbm>> -> memref<128x128xf32, #tpu.memory_space<hbm>>
      %dma_wait3A_331 = arith.constant 0 : i32
      %dma_wait3A_332 = tpu.memref_slice %arg19[%mul3A_312, %dma_wait3A_331] : memref<2064x128xf32, #tpu.memory_space<vmem_shared>> -> memref<128x128xf32, #tpu.memory_space<vmem_shared>>
      tpu.wait_dma2 semaphore(%run_scoped3A : memref<!tpu.dma_semaphore, #tpu.memory_space<semaphore_mem>>) src(%dma_wait3A_332 : memref<128x128xf32, #tpu.memory_space<vmem_shared>>) dst(%dma_wait3A_330 : memref<128x128xf32, #tpu.memory_space<hbm>>)
      tpu.yield
    }) : () -> ()
    %mul3A_322 = arith.constant 16 : i32
    %mul3A_323 = arith.muli %arg0, %mul3A_322 : i32
    %add3A_324 = arith.addi %mul3A_323, %arg1 : i32
    %mul3A_325 = arith.constant 2064 : i32
    %mul3A_326 = arith.muli %add3A_324, %mul3A_325 : i32
    "tpu.region"() ({
      %run_scoped3A = tpu.sem_alloc : memref<!tpu.dma_semaphore, #tpu.memory_space<semaphore_mem>>
      %dma_start3A = tpu.memref_slice %arg8[%mul3A_326] : memref<66048xf32, #tpu.memory_space<hbm>> -> memref<2064xf32, #tpu.memory_space<hbm>>
      %dma_start3A_327 = tpu.memref_slice %arg8[%mul3A_326] : memref<66048xf32, #tpu.memory_space<hbm>> -> memref<2064xf32, #tpu.memory_space<hbm>>
      tpu.enqueue_dma source(%arg16 : memref<2064xf32, #tpu.memory_space<vmem>>) target(%dma_start3A_327 : memref<2064xf32, #tpu.memory_space<hbm>>) target_semaphore(%run_scoped3A : memref<!tpu.dma_semaphore, #tpu.memory_space<semaphore_mem>>)
      %dma_wait3A = tpu.memref_slice %arg8[%mul3A_326] : memref<66048xf32, #tpu.memory_space<hbm>> -> memref<2064xf32, #tpu.memory_space<hbm>>
      %dma_wait3A_328 = tpu.memref_slice %arg8[%mul3A_326] : memref<66048xf32, #tpu.memory_space<hbm>> -> memref<2064xf32, #tpu.memory_space<hbm>>
      tpu.wait_dma2 semaphore(%run_scoped3A : memref<!tpu.dma_semaphore, #tpu.memory_space<semaphore_mem>>) src(%arg16 : memref<2064xf32, #tpu.memory_space<vmem>>) dst(%dma_wait3A_328 : memref<2064xf32, #tpu.memory_space<hbm>>)
      tpu.yield
    }) : () -> ()
    return
  }
}

#map = affine_map<(d0, d1) -> (0)>
module attributes {stable_mosaic.version = 14 : i64} {
  func.func @_deg_body(%arg0: i32, %arg1: i32, %arg2: memref<320000xi32, #tpu.memory_space<hbm>>, %arg3: memref<320000xi32, #tpu.memory_space<hbm>>, %arg4: memref<320000xf32, #tpu.memory_space<hbm>>, %arg5: memref<10000xi32, #tpu.memory_space<vmem>>, %arg6: memref<10000xf32, #tpu.memory_space<vmem>>) attributes {dimension_semantics = [#tpu.dimension_semantics<core_parallel>, #tpu.dimension_semantics<subcore_parallel>], iteration_bounds = array<i64: 2, 16>, scalar_prefetch = 0 : i64, scratch_operands = 2 : i64, tpu.core_type = #tpu.core_type<sc_vector_subcore>, window_params = [{transform_indices = #map}, {transform_indices = #map}, {transform_indices = #map}]} {
    %eq3A = arith.constant 0 : i32
    %eq3A_0 = arith.cmpi eq, %arg0, %eq3A : i32
    %convert_element_type3A = arith.extui %eq3A_0 : i1 to i32
    %cond3A = arith.constant 0 : i32
    %cond3A_1 = arith.cmpi ne, %convert_element_type3A, %cond3A : i32
    scf.if %cond3A_1 {
      %mul3A_38 = arith.constant 10000 : i32
      %mul3A_39 = arith.muli %arg1, %mul3A_38 : i32
      "tpu.region"() ({
        %run_scoped3A = tpu.sem_alloc : memref<!tpu.dma_semaphore, #tpu.memory_space<semaphore_mem>>
        %dma_start3A = tpu.memref_slice %arg2[%mul3A_39] : memref<320000xi32, #tpu.memory_space<hbm>> -> memref<10000xi32, #tpu.memory_space<hbm>>
        %dma_start3A_40 = tpu.memref_slice %arg2[%mul3A_39] : memref<320000xi32, #tpu.memory_space<hbm>> -> memref<10000xi32, #tpu.memory_space<hbm>>
        tpu.enqueue_dma source(%dma_start3A_40 : memref<10000xi32, #tpu.memory_space<hbm>>) target(%arg5 : memref<10000xi32, #tpu.memory_space<vmem>>) target_semaphore(%run_scoped3A : memref<!tpu.dma_semaphore, #tpu.memory_space<semaphore_mem>>)
        %dma_wait3A = tpu.memref_slice %arg2[%mul3A_39] : memref<320000xi32, #tpu.memory_space<hbm>> -> memref<10000xi32, #tpu.memory_space<hbm>>
        %dma_wait3A_41 = tpu.memref_slice %arg2[%mul3A_39] : memref<320000xi32, #tpu.memory_space<hbm>> -> memref<10000xi32, #tpu.memory_space<hbm>>
        tpu.wait_dma2 semaphore(%run_scoped3A : memref<!tpu.dma_semaphore, #tpu.memory_space<semaphore_mem>>) src(%dma_wait3A_41 : memref<10000xi32, #tpu.memory_space<hbm>>) dst(%arg5 : memref<10000xi32, #tpu.memory_space<vmem>>)
        tpu.yield
      }) : () -> ()
    } else {
    }
    %eq3A_2 = arith.constant 1 : i32
    %eq3A_3 = arith.cmpi eq, %arg0, %eq3A_2 : i32
    %convert_element_type3A_4 = arith.extui %eq3A_3 : i1 to i32
    %cond3A_5 = arith.constant 0 : i32
    %cond3A_6 = arith.cmpi ne, %convert_element_type3A_4, %cond3A_5 : i32
    scf.if %cond3A_6 {
      %mul3A_38 = arith.constant 10000 : i32
      %mul3A_39 = arith.muli %arg1, %mul3A_38 : i32
      "tpu.region"() ({
        %run_scoped3A = tpu.sem_alloc : memref<!tpu.dma_semaphore, #tpu.memory_space<semaphore_mem>>
        %dma_start3A = tpu.memref_slice %arg3[%mul3A_39] : memref<320000xi32, #tpu.memory_space<hbm>> -> memref<10000xi32, #tpu.memory_space<hbm>>
        %dma_start3A_40 = tpu.memref_slice %arg3[%mul3A_39] : memref<320000xi32, #tpu.memory_space<hbm>> -> memref<10000xi32, #tpu.memory_space<hbm>>
        tpu.enqueue_dma source(%dma_start3A_40 : memref<10000xi32, #tpu.memory_space<hbm>>) target(%arg5 : memref<10000xi32, #tpu.memory_space<vmem>>) target_semaphore(%run_scoped3A : memref<!tpu.dma_semaphore, #tpu.memory_space<semaphore_mem>>)
        %dma_wait3A = tpu.memref_slice %arg3[%mul3A_39] : memref<320000xi32, #tpu.memory_space<hbm>> -> memref<10000xi32, #tpu.memory_space<hbm>>
        %dma_wait3A_41 = tpu.memref_slice %arg3[%mul3A_39] : memref<320000xi32, #tpu.memory_space<hbm>> -> memref<10000xi32, #tpu.memory_space<hbm>>
        tpu.wait_dma2 semaphore(%run_scoped3A : memref<!tpu.dma_semaphore, #tpu.memory_space<semaphore_mem>>) src(%dma_wait3A_41 : memref<10000xi32, #tpu.memory_space<hbm>>) dst(%arg5 : memref<10000xi32, #tpu.memory_space<vmem>>)
        tpu.yield
      }) : () -> ()
    } else {
    }
    %broadcast_in_dim3A = arith.constant 0.000000e+00 : f32
    %broadcast_in_dim3A_7 = vector.broadcast %broadcast_in_dim3A : f32 to vector<16xf32>
    %broadcast_in_dim3A_8 = arith.constant 1.000000e+00 : f32
    %broadcast_in_dim3A_9 = vector.broadcast %broadcast_in_dim3A_8 : f32 to vector<16xf32>
    %scan3A = arith.constant 0 : i32
    %scan3A_10 = arith.constant 0 : i32
    %scan3A_11 = arith.constant 624 : i32
    %scan3A_12 = arith.addi %scan3A_10, %scan3A_11 : i32
    %scan3A_13 = arith.constant 8 : i32
    %scan3A_14 = scf.for %scan3A_38 = %scan3A_10 to %scan3A_12 step %scan3A_13 iter_args(%scan3A_39 = %scan3A) -> (i32)  : i32 {
      %mul3A_40 = arith.constant 16 : i32
      %mul3A_41 = arith.muli %scan3A_38, %mul3A_40 : i32
      %swap3A_42 = arith.index_cast %mul3A_41 : i32 to index
      %swap3A_43 = tpu.vector_load %arg6[%swap3A_42] {strides = array<i32>} : memref<10000xf32, #tpu.memory_space<vmem>>, vector<16xf32>,
      tpu.vector_store %arg6[%swap3A_42], %broadcast_in_dim3A_7 {strides = array<i32>} : memref<10000xf32, #tpu.memory_space<vmem>>, vector<16xf32>,
      %scan3A_44 = arith.constant 0 : i32
      %scan3A_45 = arith.constant 1 : i32
      %scan3A_46 = arith.addi %scan3A_38, %scan3A_45 : i32
      %mul3A_47 = arith.constant 16 : i32
      %mul3A_48 = arith.muli %scan3A_46, %mul3A_47 : i32
      %swap3A_49 = arith.index_cast %mul3A_48 : i32 to index
      %swap3A_50 = tpu.vector_load %arg6[%swap3A_49] {strides = array<i32>} : memref<10000xf32, #tpu.memory_space<vmem>>, vector<16xf32>,
      tpu.vector_store %arg6[%swap3A_49], %broadcast_in_dim3A_7 {strides = array<i32>} : memref<10000xf32, #tpu.memory_space<vmem>>, vector<16xf32>,
      %scan3A_51 = arith.constant 0 : i32
      %scan3A_52 = arith.constant 2 : i32
      %scan3A_53 = arith.addi %scan3A_38, %scan3A_52 : i32
      %mul3A_54 = arith.constant 16 : i32
      %mul3A_55 = arith.muli %scan3A_53, %mul3A_54 : i32
      %swap3A_56 = arith.index_cast %mul3A_55 : i32 to index
      %swap3A_57 = tpu.vector_load %arg6[%swap3A_56] {strides = array<i32>} : memref<10000xf32, #tpu.memory_space<vmem>>, vector<16xf32>,
      tpu.vector_store %arg6[%swap3A_56], %broadcast_in_dim3A_7 {strides = array<i32>} : memref<10000xf32, #tpu.memory_space<vmem>>, vector<16xf32>,
      %scan3A_58 = arith.constant 0 : i32
      %scan3A_59 = arith.constant 3 : i32
      %scan3A_60 = arith.addi %scan3A_38, %scan3A_59 : i32
      %mul3A_61 = arith.constant 16 : i32
      %mul3A_62 = arith.muli %scan3A_60, %mul3A_61 : i32
      %swap3A_63 = arith.index_cast %mul3A_62 : i32 to index
      %swap3A_64 = tpu.vector_load %arg6[%swap3A_63] {strides = array<i32>} : memref<10000xf32, #tpu.memory_space<vmem>>, vector<16xf32>,
      tpu.vector_store %arg6[%swap3A_63], %broadcast_in_dim3A_7 {strides = array<i32>} : memref<10000xf32, #tpu.memory_space<vmem>>, vector<16xf32>,
      %scan3A_65 = arith.constant 0 : i32
      %scan3A_66 = arith.constant 4 : i32
      %scan3A_67 = arith.addi %scan3A_38, %scan3A_66 : i32
      %mul3A_68 = arith.constant 16 : i32
      %mul3A_69 = arith.muli %scan3A_67, %mul3A_68 : i32
      %swap3A_70 = arith.index_cast %mul3A_69 : i32 to index
      %swap3A_71 = tpu.vector_load %arg6[%swap3A_70] {strides = array<i32>} : memref<10000xf32, #tpu.memory_space<vmem>>, vector<16xf32>,
      tpu.vector_store %arg6[%swap3A_70], %broadcast_in_dim3A_7 {strides = array<i32>} : memref<10000xf32, #tpu.memory_space<vmem>>, vector<16xf32>,
      %scan3A_72 = arith.constant 0 : i32
      %scan3A_73 = arith.constant 5 : i32
      %scan3A_74 = arith.addi %scan3A_38, %scan3A_73 : i32
      %mul3A_75 = arith.constant 16 : i32
      %mul3A_76 = arith.muli %scan3A_74, %mul3A_75 : i32
      %swap3A_77 = arith.index_cast %mul3A_76 : i32 to index
      %swap3A_78 = tpu.vector_load %arg6[%swap3A_77] {strides = array<i32>} : memref<10000xf32, #tpu.memory_space<vmem>>, vector<16xf32>,
      tpu.vector_store %arg6[%swap3A_77], %broadcast_in_dim3A_7 {strides = array<i32>} : memref<10000xf32, #tpu.memory_space<vmem>>, vector<16xf32>,
      %scan3A_79 = arith.constant 0 : i32
      %scan3A_80 = arith.constant 6 : i32
      %scan3A_81 = arith.addi %scan3A_38, %scan3A_80 : i32
      %mul3A_82 = arith.constant 16 : i32
      %mul3A_83 = arith.muli %scan3A_81, %mul3A_82 : i32
      %swap3A_84 = arith.index_cast %mul3A_83 : i32 to index
      %swap3A_85 = tpu.vector_load %arg6[%swap3A_84] {strides = array<i32>} : memref<10000xf32, #tpu.memory_space<vmem>>, vector<16xf32>,
      tpu.vector_store %arg6[%swap3A_84], %broadcast_in_dim3A_7 {strides = array<i32>} : memref<10000xf32, #tpu.memory_space<vmem>>, vector<16xf32>,
      %scan3A_86 = arith.constant 0 : i32
      %scan3A_87 = arith.constant 7 : i32
      %scan3A_88 = arith.addi %scan3A_38, %scan3A_87 : i32
      %mul3A_89 = arith.constant 16 : i32
      %mul3A_90 = arith.muli %scan3A_88, %mul3A_89 : i32
      %swap3A_91 = arith.index_cast %mul3A_90 : i32 to index
      %swap3A_92 = tpu.vector_load %arg6[%swap3A_91] {strides = array<i32>} : memref<10000xf32, #tpu.memory_space<vmem>>, vector<16xf32>,
      tpu.vector_store %arg6[%swap3A_91], %broadcast_in_dim3A_7 {strides = array<i32>} : memref<10000xf32, #tpu.memory_space<vmem>>, vector<16xf32>,
      %scan3A_93 = arith.constant 0 : i32
      scf.yield %scan3A_93 : i32
    }
    %scan3A_15 = arith.constant 624 : i32
    %scan3A_16 = arith.addi %scan3A_10, %scan3A_15 : i32
    %mul3A = arith.constant 16 : i32
    %mul3A_17 = arith.muli %scan3A_16, %mul3A : i32
    %swap3A = arith.index_cast %mul3A_17 : i32 to index
    %swap3A_18 = tpu.vector_load %arg6[%swap3A] {strides = array<i32>} : memref<10000xf32, #tpu.memory_space<vmem>>, vector<16xf32>,
    tpu.vector_store %arg6[%swap3A], %broadcast_in_dim3A_7 {strides = array<i32>} : memref<10000xf32, #tpu.memory_space<vmem>>, vector<16xf32>,
    %scan3A_19 = arith.constant 0 : i32
    %scan3A_20 = arith.constant 625 : i32
    %scan3A_21 = arith.constant 0 : i32
    %scan3A_22 = arith.constant 0 : i32
    %scan3A_23 = arith.constant 624 : i32
    %scan3A_24 = arith.addi %scan3A_22, %scan3A_23 : i32
    %scan3A_25 = arith.constant 4 : i32
    %scan3A_26 = scf.for %scan3A_38 = %scan3A_22 to %scan3A_24 step %scan3A_25 iter_args(%scan3A_39 = %scan3A_21) -> (i32)  : i32 {
      %mul3A_40 = arith.constant 16 : i32
      %mul3A_41 = arith.muli %scan3A_38, %mul3A_40 : i32
      %get3A_42 = arith.index_cast %mul3A_41 : i32 to index
      %get3A_43 = tpu.vector_load %arg5[%get3A_42] {strides = array<i32>} : memref<10000xi32, #tpu.memory_space<vmem>>, vector<16xi32>,
      tpu.vector_store_idx %arg6[%get3A_43], %broadcast_in_dim3A_9 {add = true} : memref<10000xf32, #tpu.memory_space<vmem>>[vector<16xi32>], vector<16xf32>,
      %scan3A_44 = arith.constant 0 : i32
      %scan3A_45 = arith.constant 1 : i32
      %scan3A_46 = arith.addi %scan3A_38, %scan3A_45 : i32
      %mul3A_47 = arith.constant 16 : i32
      %mul3A_48 = arith.muli %scan3A_46, %mul3A_47 : i32
      %get3A_49 = arith.index_cast %mul3A_48 : i32 to index
      %get3A_50 = tpu.vector_load %arg5[%get3A_49] {strides = array<i32>} : memref<10000xi32, #tpu.memory_space<vmem>>, vector<16xi32>,
      tpu.vector_store_idx %arg6[%get3A_50], %broadcast_in_dim3A_9 {add = true} : memref<10000xf32, #tpu.memory_space<vmem>>[vector<16xi32>], vector<16xf32>,
      %scan3A_51 = arith.constant 0 : i32
      %scan3A_52 = arith.constant 2 : i32
      %scan3A_53 = arith.addi %scan3A_38, %scan3A_52 : i32
      %mul3A_54 = arith.constant 16 : i32
      %mul3A_55 = arith.muli %scan3A_53, %mul3A_54 : i32
      %get3A_56 = arith.index_cast %mul3A_55 : i32 to index
      %get3A_57 = tpu.vector_load %arg5[%get3A_56] {strides = array<i32>} : memref<10000xi32, #tpu.memory_space<vmem>>, vector<16xi32>,
      tpu.vector_store_idx %arg6[%get3A_57], %broadcast_in_dim3A_9 {add = true} : memref<10000xf32, #tpu.memory_space<vmem>>[vector<16xi32>], vector<16xf32>,
      %scan3A_58 = arith.constant 0 : i32
      %scan3A_59 = arith.constant 3 : i32
      %scan3A_60 = arith.addi %scan3A_38, %scan3A_59 : i32
      %mul3A_61 = arith.constant 16 : i32
      %mul3A_62 = arith.muli %scan3A_60, %mul3A_61 : i32
      %get3A_63 = arith.index_cast %mul3A_62 : i32 to index
      %get3A_64 = tpu.vector_load %arg5[%get3A_63] {strides = array<i32>} : memref<10000xi32, #tpu.memory_space<vmem>>, vector<16xi32>,
      tpu.vector_store_idx %arg6[%get3A_64], %broadcast_in_dim3A_9 {add = true} : memref<10000xf32, #tpu.memory_space<vmem>>[vector<16xi32>], vector<16xf32>,
      %scan3A_65 = arith.constant 0 : i32
      scf.yield %scan3A_65 : i32
    }
    %scan3A_27 = arith.constant 624 : i32
    %scan3A_28 = arith.addi %scan3A_22, %scan3A_27 : i32
    %mul3A_29 = arith.constant 16 : i32
    %mul3A_30 = arith.muli %scan3A_28, %mul3A_29 : i32
    %get3A = arith.index_cast %mul3A_30 : i32 to index
    %get3A_31 = tpu.vector_load %arg5[%get3A] {strides = array<i32>} : memref<10000xi32, #tpu.memory_space<vmem>>, vector<16xi32>,
    tpu.vector_store_idx %arg6[%get3A_31], %broadcast_in_dim3A_9 {add = true} : memref<10000xf32, #tpu.memory_space<vmem>>[vector<16xi32>], vector<16xf32>,
    %scan3A_32 = arith.constant 0 : i32
    %scan3A_33 = arith.constant 625 : i32
    %mul3A_34 = arith.constant 16 : i32
    %mul3A_35 = arith.muli %arg0, %mul3A_34 : i32
    %add3A = arith.addi %mul3A_35, %arg1 : i32
    %mul3A_36 = arith.constant 10000 : i32
    %mul3A_37 = arith.muli %add3A, %mul3A_36 : i32
    "tpu.region"() ({
      %run_scoped3A = tpu.sem_alloc : memref<!tpu.dma_semaphore, #tpu.memory_space<semaphore_mem>>
      %dma_start3A = tpu.memref_slice %arg4[%mul3A_37] : memref<320000xf32, #tpu.memory_space<hbm>> -> memref<10000xf32, #tpu.memory_space<hbm>>
      %dma_start3A_38 = tpu.memref_slice %arg4[%mul3A_37] : memref<320000xf32, #tpu.memory_space<hbm>> -> memref<10000xf32, #tpu.memory_space<hbm>>
      tpu.enqueue_dma source(%arg6 : memref<10000xf32, #tpu.memory_space<vmem>>) target(%dma_start3A_38 : memref<10000xf32, #tpu.memory_space<hbm>>) target_semaphore(%run_scoped3A : memref<!tpu.dma_semaphore, #tpu.memory_space<semaphore_mem>>)
      %dma_wait3A = tpu.memref_slice %arg4[%mul3A_37] : memref<320000xf32, #tpu.memory_space<hbm>> -> memref<10000xf32, #tpu.memory_space<hbm>>
      %dma_wait3A_39 = tpu.memref_slice %arg4[%mul3A_37] : memref<320000xf32, #tpu.memory_space<hbm>> -> memref<10000xf32, #tpu.memory_space<hbm>>
      tpu.wait_dma2 semaphore(%run_scoped3A : memref<!tpu.dma_semaphore, #tpu.memory_space<semaphore_mem>>) src(%arg6 : memref<10000xf32, #tpu.memory_space<vmem>>) dst(%dma_wait3A_39 : memref<10000xf32, #tpu.memory_space<hbm>>)
      tpu.yield
    }) : () -> ()
    return
  }
}

module attributes {stable_mosaic.version = 14 : i64} {
  func.func @_acc_body(%arg0: i32, %arg1: memref<1000x2048xf32, #tpu.memory_space<vmem>>, %arg2: memref<1000x128xf32, #tpu.memory_space<vmem>>, %arg3: memref<2048x128xf32, #tpu.memory_space<vmem>>) attributes {dimension_semantics = [#tpu.dimension_semantics<arbitrary>], iteration_bounds = array<i64: 10>, scalar_prefetch = 0 : i64, scratch_operands = 0 : i64, tpu.core_type = #tpu.core_type<tc>, window_params = [{transform_indices = @transform_0, window_bounds = array<i64: 1000, 2048>}, {transform_indices = @transform_1, window_bounds = array<i64: 1000, 128>}, {pipeline_mode = #tpu.pipeline_mode<synchronous>, transform_indices = @transform_2, window_bounds = array<i64: 2048, 128>}]} {
    %eq3A = arith.constant 0 : i32
    %eq3A_0 = arith.cmpi eq, %arg0, %eq3A : i32
    %convert_element_type3A = arith.extui %eq3A_0 : i1 to i32
    %cond3A = arith.constant 0 : i32
    %cond3A_1 = arith.cmpi ne, %convert_element_type3A, %cond3A : i32
    scf.if %cond3A_1 {
      %broadcast_in_dim3A = arith.constant 0.000000e+00 : f32
      %broadcast_in_dim3A_13 = vector.broadcast %broadcast_in_dim3A : f32 to vector<2048x128xf32>
      %swap3A_14 = arith.constant 0 : index
      %swap3A_15 = arith.constant 0 : index
      %swap3A_16 = vector.load %arg3[%swap3A_14, %swap3A_15] : memref<2048x128xf32, #tpu.memory_space<vmem>>, vector<2048x128xf32>
      tpu.vector_store %arg3[%swap3A_14, %swap3A_15], %broadcast_in_dim3A_13 {strides = array<i32>} : memref<2048x128xf32, #tpu.memory_space<vmem>>, vector<2048x128xf32>,
    } else {
    }
    %get3A = arith.constant 0 : index
    %get3A_2 = arith.constant 0 : index
    %get3A_3 = vector.load %arg3[%get3A, %get3A_2] : memref<2048x128xf32, #tpu.memory_space<vmem>>, vector<2048x128xf32>
    %get3A_4 = arith.constant 0 : index
    %get3A_5 = arith.constant 0 : index
    %get3A_6 = vector.load %arg1[%get3A_4, %get3A_5] : memref<1000x2048xf32, #tpu.memory_space<vmem>>, vector<1000x2048xf32>
    %get3A_7 = arith.constant 0 : index
    %get3A_8 = arith.constant 0 : index
    %get3A_9 = vector.load %arg2[%get3A_7, %get3A_8] : memref<1000x128xf32, #tpu.memory_space<vmem>>, vector<1000x128xf32>
    %dot_general3A = arith.constant dense<0.000000e+00> : vector<2048x128xf32>
    %dot_general3A_10 = tpu.matmul %get3A_6, %get3A_9, %dot_general3A {dimension_numbers = #tpu.dot_dimension_numbers<[0], [0], [1], [1], [0, 1, 1, 1], [], []>, transpose_lhs_hint = true} : vector<1000x2048xf32>, vector<1000x128xf32>, vector<2048x128xf32> -> vector<2048x128xf32>
    %add3A = arith.addf %get3A_3, %dot_general3A_10 : vector<2048x128xf32>
    %swap3A = arith.constant 0 : index
    %swap3A_11 = arith.constant 0 : index
    %swap3A_12 = vector.load %arg3[%swap3A, %swap3A_11] : memref<2048x128xf32, #tpu.memory_space<vmem>>, vector<2048x128xf32>
    tpu.vector_store %arg3[%swap3A, %swap3A_11], %add3A {strides = array<i32>} : memref<2048x128xf32, #tpu.memory_space<vmem>>, vector<2048x128xf32>,
    return
  }
  func.func @transform_0(%arg0: i32) -> (i32, i32) {
    %c0_i32 = arith.constant 0 : i32
    %c0_i32_0 = arith.constant 0 : i32
    return %arg0, %c0_i32 : i32, i32
  }
  func.func @transform_1(%arg0: i32) -> (i32, i32) {
    %c0_i32 = arith.constant 0 : i32
    %c0_i32_0 = arith.constant 0 : i32
    return %arg0, %c0_i32 : i32, i32
  }
  func.func @transform_2(%arg0: i32) -> (i32, i32) {
    %c0_i32 = arith.constant 0 : i32
    %c0_i32_0 = arith.constant 0 : i32
    %c0_i32_1 = arith.constant 0 : i32
    return %c0_i32, %c0_i32_0 : i32, i32
  }
}

module attributes {stable_mosaic.version = 14 : i64} {
  func.func @_mlp_body(%arg0: i32, %arg1: memref<2048x128xf32, #tpu.memory_space<vmem>>, %arg2: memref<2048x128xf32, #tpu.memory_space<vmem>>, %arg3: memref<128x128xf32, #tpu.memory_space<vmem>>, %arg4: memref<128x128xf32, #tpu.memory_space<vmem>>, %arg5: memref<1x128xf32, #tpu.memory_space<vmem>>, %arg6: memref<2048x128xf32, #tpu.memory_space<vmem>>, %arg7: memref<128x128xf32, #tpu.memory_space<vmem>>, %arg8: memref<1x128xf32, #tpu.memory_space<vmem>>, %arg9: memref<128x64xf32, #tpu.memory_space<vmem>>, %arg10: memref<1x64xf32, #tpu.memory_space<vmem>>, %arg11: memref<1000x64xf32, #tpu.memory_space<vmem>>, %arg12: memref<1000x1xf32, #tpu.memory_space<vmem>>, %arg13: memref<2048x128xf32, #tpu.memory_space<vmem>>, %arg14: memref<1000x2048xf32, #tpu.memory_space<vmem>>, %arg15: memref<2048x64xf32, #tpu.memory_space<vmem>>) attributes {dimension_semantics = [#tpu.dimension_semantics<arbitrary>], iteration_bounds = array<i64: 10>, scalar_prefetch = 0 : i64, scratch_operands = 1 : i64, tpu.core_type = #tpu.core_type<tc>, window_params = [{pipeline_mode = #tpu.pipeline_mode<synchronous>, transform_indices = @transform_0, window_bounds = array<i64: 2048, 128>}, {pipeline_mode = #tpu.pipeline_mode<synchronous>, transform_indices = @transform_1, window_bounds = array<i64: 2048, 128>}, {pipeline_mode = #tpu.pipeline_mode<synchronous>, transform_indices = @transform_2, window_bounds = array<i64: 128, 128>}, {pipeline_mode = #tpu.pipeline_mode<synchronous>, transform_indices = @transform_3, window_bounds = array<i64: 128, 128>}, {pipeline_mode = #tpu.pipeline_mode<synchronous>, transform_indices = @transform_4, window_bounds = array<i64: 1, 128>}, {pipeline_mode = #tpu.pipeline_mode<synchronous>, transform_indices = @transform_5, window_bounds = array<i64: 2048, 128>}, {pipeline_mode = #tpu.pipeline_mode<synchronous>, transform_indices = @transform_6, window_bounds = array<i64: 128, 128>}, {pipeline_mode = #tpu.pipeline_mode<synchronous>, transform_indices = @transform_7, window_bounds = array<i64: 1, 128>}, {pipeline_mode = #tpu.pipeline_mode<synchronous>, transform_indices = @transform_8, window_bounds = array<i64: 128, 64>}, {pipeline_mode = #tpu.pipeline_mode<synchronous>, transform_indices = @transform_9, window_bounds = array<i64: 1, 64>}, {transform_indices = @transform_10, window_bounds = array<i64: 1000, 64>}, {transform_indices = @transform_11, window_bounds = array<i64: 1000, 1>}, {pipeline_mode = #tpu.pipeline_mode<synchronous>, transform_indices = @transform_12, window_bounds = array<i64: 2048, 128>}, {transform_indices = @transform_13, window_bounds = array<i64: 1000, 2048>}]} {
    %eq3A = arith.constant 0 : i32
    %eq3A_0 = arith.cmpi eq, %arg0, %eq3A : i32
    %convert_element_type3A = arith.extui %eq3A_0 : i1 to i32
    %cond3A = arith.constant 0 : i32
    %cond3A_1 = arith.cmpi ne, %convert_element_type3A, %cond3A : i32
    scf.if %cond3A_1 {
      %get3A_19 = arith.constant 0 : index
      %get3A_20 = arith.constant 0 : index
      %get3A_21 = vector.load %arg1[%get3A_19, %get3A_20] : memref<2048x128xf32, #tpu.memory_space<vmem>>, vector<2048x128xf32>
      %get3A_22 = arith.constant 0 : index
      %get3A_23 = arith.constant 0 : index
      %get3A_24 = vector.load %arg3[%get3A_22, %get3A_23] : memref<128x128xf32, #tpu.memory_space<vmem>>, vector<128x128xf32>
      %dot_general3A_25 = arith.constant dense<0.000000e+00> : vector<2048x128xf32>
      %dot_general3A_26 = tpu.matmul %get3A_21, %get3A_24, %dot_general3A_25 {dimension_numbers = #tpu.dot_dimension_numbers<[1], [0], [0], [1], [0, 0, 1, 1], [], []>, transpose_lhs_hint = false} : vector<2048x128xf32>, vector<128x128xf32>, vector<2048x128xf32> -> vector<2048x128xf32>
      %get3A_27 = arith.constant 0 : index
      %get3A_28 = arith.constant 0 : index
      %get3A_29 = vector.load %arg2[%get3A_27, %get3A_28] : memref<2048x128xf32, #tpu.memory_space<vmem>>, vector<2048x128xf32>
      %get3A_30 = arith.constant 0 : index
      %get3A_31 = arith.constant 0 : index
      %get3A_32 = vector.load %arg4[%get3A_30, %get3A_31] : memref<128x128xf32, #tpu.memory_space<vmem>>, vector<128x128xf32>
      %dot_general3A_33 = arith.constant dense<0.000000e+00> : vector<2048x128xf32>
      %dot_general3A_34 = tpu.matmul %get3A_29, %get3A_32, %dot_general3A_33 {dimension_numbers = #tpu.dot_dimension_numbers<[1], [0], [0], [1], [0, 0, 1, 1], [], []>, transpose_lhs_hint = false} : vector<2048x128xf32>, vector<128x128xf32>, vector<2048x128xf32> -> vector<2048x128xf32>
      %add3A_35 = arith.addf %dot_general3A_26, %dot_general3A_34 : vector<2048x128xf32>
      %get3A_36 = arith.constant 0 : index
      %get3A_37 = arith.constant 0 : index
      %get3A_38 = vector.load %arg5[%get3A_36, %get3A_37] : memref<1x128xf32, #tpu.memory_space<vmem>>, vector<1x128xf32>
      %add3A_39 = vector.broadcast %get3A_38 : vector<1x128xf32> to vector<2048x128xf32>
      %add3A_40 = arith.addf %add3A_35, %add3A_39 : vector<2048x128xf32>
      %abs3A = math.absf %add3A_40 : vector<2048x128xf32>
      %reduce_sum3A = arith.constant dense<0.000000e+00> : vector<2048xf32>
      %reduce_sum3A_41 = vector.multi_reduction <add>, %abs3A, %reduce_sum3A [1] : vector<2048x128xf32> to vector<2048xf32>
      %broadcast_in_dim3A = vector.shape_cast %reduce_sum3A_41 : vector<2048xf32> to vector<2048x1xf32>
      %jit3A = arith.constant 9.99999996E-13 : f32
      %max3A = vector.broadcast %jit3A : f32 to vector<2048x1xf32>
      %max3A_42 = arith.maximumf %max3A, %broadcast_in_dim3A : vector<2048x1xf32>
      %div3A = vector.broadcast %max3A_42 : vector<2048x1xf32> to vector<2048x128xf32>
      %div3A_43 = arith.divf %add3A_40, %div3A : vector<2048x128xf32>
      %swap3A_44 = arith.constant 0 : index
      %swap3A_45 = arith.constant 0 : index
      %swap3A_46 = vector.load %arg13[%swap3A_44, %swap3A_45] : memref<2048x128xf32, #tpu.memory_space<vmem>>, vector<2048x128xf32>
      tpu.vector_store %arg13[%swap3A_44, %swap3A_45], %div3A_43 {strides = array<i32>} : memref<2048x128xf32, #tpu.memory_space<vmem>>, vector<2048x128xf32>,
      %get3A_47 = arith.constant 0 : index
      %get3A_48 = arith.constant 0 : index
      %get3A_49 = vector.load %arg6[%get3A_47, %get3A_48] : memref<2048x128xf32, #tpu.memory_space<vmem>>, vector<2048x128xf32>
      %get3A_50 = arith.constant 0 : index
      %get3A_51 = arith.constant 0 : index
      %get3A_52 = vector.load %arg7[%get3A_50, %get3A_51] : memref<128x128xf32, #tpu.memory_space<vmem>>, vector<128x128xf32>
      %dot_general3A_53 = arith.constant dense<0.000000e+00> : vector<2048x128xf32>
      %dot_general3A_54 = tpu.matmul %div3A_43, %get3A_52, %dot_general3A_53 {dimension_numbers = #tpu.dot_dimension_numbers<[1], [0], [0], [1], [0, 0, 1, 1], [], []>, transpose_lhs_hint = false} : vector<2048x128xf32>, vector<128x128xf32>, vector<2048x128xf32> -> vector<2048x128xf32>
      %add3A_55 = arith.addf %get3A_49, %dot_general3A_54 : vector<2048x128xf32>
      %get3A_56 = arith.constant 0 : index
      %get3A_57 = arith.constant 0 : index
      %get3A_58 = vector.load %arg8[%get3A_56, %get3A_57] : memref<1x128xf32, #tpu.memory_space<vmem>>, vector<1x128xf32>
      %add3A_59 = vector.broadcast %get3A_58 : vector<1x128xf32> to vector<2048x128xf32>
      %add3A_60 = arith.addf %add3A_55, %add3A_59 : vector<2048x128xf32>
      %max3A_61 = arith.constant 0.000000e+00 : f32
      %max3A_62 = vector.broadcast %max3A_61 : f32 to vector<2048x128xf32>
      %max3A_63 = arith.maximumf %add3A_60, %max3A_62 : vector<2048x128xf32>
      %get3A_64 = arith.constant 0 : index
      %get3A_65 = arith.constant 0 : index
      %get3A_66 = vector.load %arg9[%get3A_64, %get3A_65] : memref<128x64xf32, #tpu.memory_space<vmem>>, vector<128x64xf32>
      %dot_general3A_67 = arith.constant dense<0.000000e+00> : vector<2048x64xf32>
      %dot_general3A_68 = tpu.matmul %max3A_63, %get3A_66, %dot_general3A_67 {dimension_numbers = #tpu.dot_dimension_numbers<[1], [0], [0], [1], [0, 0, 1, 1], [], []>, transpose_lhs_hint = false} : vector<2048x128xf32>, vector<128x64xf32>, vector<2048x64xf32> -> vector<2048x64xf32>
      %get3A_69 = arith.constant 0 : index
      %get3A_70 = arith.constant 0 : index
      %get3A_71 = vector.load %arg10[%get3A_69, %get3A_70] : memref<1x64xf32, #tpu.memory_space<vmem>>, vector<1x64xf32>
      %add3A_72 = vector.broadcast %get3A_71 : vector<1x64xf32> to vector<2048x64xf32>
      %add3A_73 = arith.addf %dot_general3A_68, %add3A_72 : vector<2048x64xf32>
      %max3A_74 = arith.constant 0.000000e+00 : f32
      %max3A_75 = vector.broadcast %max3A_74 : f32 to vector<2048x64xf32>
      %max3A_76 = arith.maximumf %add3A_73, %max3A_75 : vector<2048x64xf32>
      %swap3A_77 = arith.constant 0 : index
      %swap3A_78 = arith.constant 0 : index
      %swap3A_79 = vector.load %arg15[%swap3A_77, %swap3A_78] : memref<2048x64xf32, #tpu.memory_space<vmem>>, vector<2048x64xf32>
      tpu.vector_store %arg15[%swap3A_77, %swap3A_78], %max3A_76 {strides = array<i32>} : memref<2048x64xf32, #tpu.memory_space<vmem>>, vector<2048x64xf32>,
    } else {
    }
    %get3A = arith.constant 0 : index
    %get3A_2 = arith.constant 0 : index
    %get3A_3 = vector.load %arg11[%get3A, %get3A_2] : memref<1000x64xf32, #tpu.memory_space<vmem>>, vector<1000x64xf32>
    %get3A_4 = arith.constant 0 : index
    %get3A_5 = arith.constant 0 : index
    %get3A_6 = vector.load %arg15[%get3A_4, %get3A_5] : memref<2048x64xf32, #tpu.memory_space<vmem>>, vector<2048x64xf32>
    %dot_general3A = arith.constant dense<0.000000e+00> : vector<1000x2048xf32>
    %dot_general3A_7 = tpu.matmul %get3A_3, %get3A_6, %dot_general3A {dimension_numbers = #tpu.dot_dimension_numbers<[1], [1], [0], [0], [0, 0, 1, 0], [], []>, transpose_lhs_hint = false} : vector<1000x64xf32>, vector<2048x64xf32>, vector<1000x2048xf32> -> vector<1000x2048xf32>
    %get3A_8 = arith.constant 0 : index
    %get3A_9 = arith.constant 0 : index
    %get3A_10 = vector.load %arg12[%get3A_8, %get3A_9] : memref<1000x1xf32, #tpu.memory_space<vmem>>, vector<1000x1xf32>
    %add3A = vector.broadcast %get3A_10 : vector<1000x1xf32> to vector<1000x2048xf32>
    %add3A_11 = arith.addf %dot_general3A_7, %add3A : vector<1000x2048xf32>
    %logistic3A = arith.negf %add3A_11 : vector<1000x2048xf32>
    %logistic3A_12 = math.exp %logistic3A : vector<1000x2048xf32>
    %logistic3A_13 = arith.constant 1.000000e+00 : f32
    %logistic3A_14 = vector.broadcast %logistic3A_13 : f32 to vector<1000x2048xf32>
    %logistic3A_15 = arith.addf %logistic3A_14, %logistic3A_12 : vector<1000x2048xf32>
    %logistic3A_16 = arith.divf %logistic3A_14, %logistic3A_15 : vector<1000x2048xf32>
    %swap3A = arith.constant 0 : index
    %swap3A_17 = arith.constant 0 : index
    %swap3A_18 = vector.load %arg14[%swap3A, %swap3A_17] : memref<1000x2048xf32, #tpu.memory_space<vmem>>, vector<1000x2048xf32>
    tpu.vector_store %arg14[%swap3A, %swap3A_17], %logistic3A_16 {strides = array<i32>} : memref<1000x2048xf32, #tpu.memory_space<vmem>>, vector<1000x2048xf32>,
    return
  }
  func.func @transform_0(%arg0: i32) -> (i32, i32) {
    %c0_i32 = arith.constant 0 : i32
    %c0_i32_0 = arith.constant 0 : i32
    %c0_i32_1 = arith.constant 0 : i32
    return %c0_i32, %c0_i32_0 : i32, i32
  }
  func.func @transform_1(%arg0: i32) -> (i32, i32) {
    %c0_i32 = arith.constant 0 : i32
    %c0_i32_0 = arith.constant 0 : i32
    %c0_i32_1 = arith.constant 0 : i32
    return %c0_i32, %c0_i32_0 : i32, i32
  }
  func.func @transform_2(%arg0: i32) -> (i32, i32) {
    %c0_i32 = arith.constant 0 : i32
    %c0_i32_0 = arith.constant 0 : i32
    %c0_i32_1 = arith.constant 0 : i32
    return %c0_i32, %c0_i32_0 : i32, i32
  }
  func.func @transform_3(%arg0: i32) -> (i32, i32) {
    %c0_i32 = arith.constant 0 : i32
    %c0_i32_0 = arith.constant 0 : i32
    %c0_i32_1 = arith.constant 0 : i32
    return %c0_i32, %c0_i32_0 : i32, i32
  }
  func.func @transform_4(%arg0: i32) -> (i32, i32) {
    %c0_i32 = arith.constant 0 : i32
    %c0_i32_0 = arith.constant 0 : i32
    %c0_i32_1 = arith.constant 0 : i32
    return %c0_i32, %c0_i32_0 : i32, i32
  }
  func.func @transform_5(%arg0: i32) -> (i32, i32) {
    %c0_i32 = arith.constant 0 : i32
    %c0_i32_0 = arith.constant 0 : i32
    %c0_i32_1 = arith.constant 0 : i32
    return %c0_i32, %c0_i32_0 : i32, i32
  }
  func.func @transform_6(%arg0: i32) -> (i32, i32) {
    %c0_i32 = arith.constant 0 : i32
    %c0_i32_0 = arith.constant 0 : i32
    %c0_i32_1 = arith.constant 0 : i32
    return %c0_i32, %c0_i32_0 : i32, i32
  }
  func.func @transform_7(%arg0: i32) -> (i32, i32) {
    %c0_i32 = arith.constant 0 : i32
    %c0_i32_0 = arith.constant 0 : i32
    %c0_i32_1 = arith.constant 0 : i32
    return %c0_i32, %c0_i32_0 : i32, i32
  }
  func.func @transform_8(%arg0: i32) -> (i32, i32) {
    %c0_i32 = arith.constant 0 : i32
    %c0_i32_0 = arith.constant 0 : i32
    %c0_i32_1 = arith.constant 0 : i32
    return %c0_i32, %c0_i32_0 : i32, i32
  }
  func.func @transform_9(%arg0: i32) -> (i32, i32) {
    %c0_i32 = arith.constant 0 : i32
    %c0_i32_0 = arith.constant 0 : i32
    %c0_i32_1 = arith.constant 0 : i32
    return %c0_i32, %c0_i32_0 : i32, i32
  }
  func.func @transform_10(%arg0: i32) -> (i32, i32) {
    %c0_i32 = arith.constant 0 : i32
    %c0_i32_0 = arith.constant 0 : i32
    return %arg0, %c0_i32 : i32, i32
  }
  func.func @transform_11(%arg0: i32) -> (i32, i32) {
    %c0_i32 = arith.constant 0 : i32
    %c0_i32_0 = arith.constant 0 : i32
    return %arg0, %c0_i32 : i32, i32
  }
  func.func @transform_12(%arg0: i32) -> (i32, i32) {
    %c0_i32 = arith.constant 0 : i32
    %c0_i32_0 = arith.constant 0 : i32
    %c0_i32_1 = arith.constant 0 : i32
    return %c0_i32, %c0_i32_0 : i32, i32
  }
  func.func @transform_13(%arg0: i32) -> (i32, i32) {
    %c0_i32 = arith.constant 0 : i32
    %c0_i32_0 = arith.constant 0 : i32
    return %arg0, %c0_i32 : i32, i32
  }
}

</mosaic_0001>

<sc_bundles>
// kernel: kernel.6.cloned.1.call-start
scs
__scs_entry_jumppad:
0x0: {  	(pc) =	sbr.rel $0x88, $3  }
0x1: {  	(tag) =	ssettag $0x0;
	lr =	simm.s32 $0x1  }
0x2: {  	[smem:$0x3F91] =	sst lr;
	_ =	strace $0xD0000000  }
0x3: {  	_ = 	snop  }
0x4: {  	_ = 	snop  }
0x5: {  	_ = 	snop  }
0x6: {  	_ = 	snop  }
0x7: {  	_ = 	snop  }
__scs_overlays_trampoline_lowered:
0x8: {  	[smem:$0x3FA0] =	sst s0  }
0x9: {  	[smem:$0x3FA1] =	sst s1  }
0xa: {  	[smem:$0x3FA2] =	sst s2  }
0xb: {  	[smem:$0x3FA3] =	sst s3  }
0xc: {  	[smem:$0x3FA4] =	sst s4  }
0xd: {  	[smem:$0x3FA5] =	sst s5  }
0xe: {  	[smem:$0x3FA6] =	sst s6  }
0xf: {  	[smem:$0x3FA7] =	sst s7  }
0x10: {  	[smem:$0x3FA8] =	sst s8  }
0x11: {  	[smem:$0x3FA9] =	sst s9;
	s0 =	simm.s32 @!p0 $0x0  }
0x12: {  	s1 =	sld [smem:$0x3F8F];
	s0 =	simm.s32 @p0 $0x1  }
0x13: {  	[smem:$0x3FAA] =	sst s0;
	s0 =	simm.s32 @!p1 $0x0  }
0x14: {  	s2 =	sld [smem:$0x3F8E];
	s0 =	simm.s32 @p1 $0x1  }
0x15: {  	[smem:$0x3FAB] =	sst s0;
	s0 =	simm.s32 @!p2 $0x0  }
0x16: {  	s3 =	sld [smem:$0x3FDB];
	s0 =	simm.s32 @p2 $0x1  }
0x17: {  	s4 =	simm.s32 $0x1BF5;
	[smem:$0x3FAD] =	sst s0  }
0x18: {  	s0 =	sld [smem:$0x3F90];
	_ =	swait.ge [sflag:s4], $0x0  }
0x19: {  	s7 =	sld [smem:$0x3F91]  }
0x1a: {  	s8 =	sadd.s32 $0xFFFFE003, lr  }
0x1b: {  	s9 =	sadd.s32 $0xFFFFFEF7, lr;
	s5 =	simm.s32 $0xFFFFFFFF;
	p2 =	slt.u32 s8, $0xFFFFF086  }
0x1c: {  	p1 =	slt.u32 s9, $0xF7A;
	s5 =	simm.s32 @!p2 $0x0  }
0x1d: {  	s5 =	simm.s32 @p1 $0x1;
	p0 =	seq.s32 s7, s2  }
0x1e: {  	s7 =	smul.u32 @!p0 $0xF7A, s2;
	p2 =	seq.s32 @!p0 s5, $0x0  }
0x1f: {  	s9 =	smul.u32 $0xF7A, s1;
	s8 =	simm.s32 @!p0 $0x1BF5;
	p2 =	por !p2, p0  }
0x20: {  	[sflag:s8] =	ssyncset.s32 @!p0 $0xFFFFF086;
	s6 =	sadd.s32 @!p0 s3, s7;
	s7 =	simm.s32 @!p0 $0x108  }
0x21: {  	s3 =	sadd.s32 s3, s9;
	s6 =	sadd.s32 @!p0 $0x88, s6;
	s7 =	simm.s32 @p2 $0x1082  }
0x22: {  	[simem:s7], [sflag:s8] =	dma.local @!p0 [hbm:s6], $0xF7A  }
0x23: {  	s9 =	sor.u32 $0xD0000000, s2;
	s6 =	simm.s32 $0x108;
	_ =	swait.ge @!p0 [sflag:s8], $0x0  }
0x24: {  	s3 =	sadd.s32 $0x88, s3;
	s6 =	simm.s32 @!p1 $0x1082;
	[sflag:s4] =	ssyncset.s32 $0xFFFFF086  }
0x25: {  	[simem:s6], [sflag:s4] =	dma.local [hbm:s3], $0xF7A  }
0x26: {  	[smem:$0x3F91] =	sst s1;
	(tag) =	ssettag s2;
	_ =	strace s9  }
0x27: {  	s1 =	sld [smem:$0x3FA1]  }
0x28: {  	s2 =	sld [smem:$0x3FA2]  }
0x29: {  	s4 =	sld [smem:$0x3FA4]  }
0x2a: {  	p0 =	seq.s32 s5, $0x0;
	s5 =	sld [smem:$0x3FA5]  }
0x2b: {  	s6 =	sld [smem:$0x3FA6]  }
0x2c: {  	s7 =	sld [smem:$0x3FA7]  }
0x2d: {  	s3 =	simm.s32 $0x108;
	s8 =	sld [smem:$0x3FA8]  }
0x2e: {  	s3 =	simm.s32 @!p0 $0x1082;
	s9 =	sld [smem:$0x3FA9]  }
0x2f: {  	lr =	sadd.s32 s0, s3;
	s0 =	sld [smem:$0x3FA0]  }
0x30: {  	s3 =	sld [smem:$0x3FA3]  }
0x31: {  	[smem:$0x3FAC] =	sst s10  }
0x32: {  	s10 =	sld [smem:$0x3FAA];
	_ =	sdelay $0x3  }
0x33: {  	p0 =	seq.s32 s10, $0x1;
	s10 =	sld [smem:$0x3FAC];
	_ =	sdelay $0x3  }
0x34: {  	[smem:$0x3FAC] =	sst s10  }
0x35: {  	s10 =	sld [smem:$0x3FAB];
	_ =	sdelay $0x3  }
0x36: {  	p1 =	seq.s32 s10, $0x1;
	s10 =	sld [smem:$0x3FAC];
	_ =	sdelay $0x3  }
0x37: {  	[smem:$0x3FAC] =	sst s10  }
0x38: {  	s10 =	sld [smem:$0x3FAD]  }
0x39: {  	_ = 	snop;
	(pc) =	sbr.ind lr, $3  }
0x3a: {  	_ = 	snop  }
0x3b: {  	_ = 	snop  }
0x3c: {  	p2 =	seq.s32 s10, $0x1;
	s10 =	sld [smem:$0x3FAC]  }
0x3d: {  	_ =	shalt  }
0x3e: {  	_ =	shalt  }
0x3f: {  	_ =	shalt  }
0x40: {  	_ =	shalt  }
0x41: {  	_ =	shalt  }
0x42: {  	_ =	shalt  }
0x43: {  	_ =	shalt  }
0x44: {  	_ =	shalt  }
0x45: {  	_ =	shalt  }
0x46: {  	_ =	shalt  }
0x47: {  	_ =	shalt  }
0x48: {  	_ =	shalt  }
0x49: {  	_ =	shalt  }
0x4a: {  	_ =	shalt  }
0x4b: {  	_ =	shalt  }
0x4c: {  	_ =	shalt  }
0x4d: {  	_ =	shalt  }
0x4e: {  	_ =	shalt  }
0x4f: {  	_ =	shalt  }
0x50: {  	_ =	shalt  }
0x51: {  	_ =	shalt  }
0x52: {  	_ =	shalt  }
0x53: {  	_ =	shalt  }
0x54: {  	_ =	shalt  }
0x55: {  	_ =	shalt  }
0x56: {  	_ =	shalt  }
0x57: {  	_ =	shalt  }
0x58: {  	_ =	shalt  }
0x59: {  	_ =	shalt  }
0x5a: {  	_ =	shalt  }
0x5b: {  	_ =	shalt  }
0x5c: {  	_ =	shalt  }
0x5d: {  	_ =	shalt  }
0x5e: {  	_ =	shalt  }
0x5f: {  	_ =	shalt  }
0x60: {  	_ =	shalt  }
0x61: {  	_ =	shalt  }
0x62: {  	_ =	shalt  }
0x63: {  	_ =	shalt  }
0x64: {  	_ =	shalt  }
0x65: {  	_ =	shalt  }
0x66: {  	_ =	shalt  }
0x67: {  	_ =	shalt  }
0x68: {  	_ =	shalt  }
0x69: {  	_ =	shalt  }
0x6a: {  	_ =	shalt  }
0x6b: {  	_ =	shalt  }
0x6c: {  	_ =	shalt  }
0x6d: {  	_ =	shalt  }
0x6e: {  	_ =	shalt  }
0x6f: {  	_ =	shalt  }
0x70: {  	_ =	shalt  }
0x71: {  	_ =	shalt  }
0x72: {  	_ =	shalt  }
0x73: {  	_ =	shalt  }
0x74: {  	_ =	shalt  }
0x75: {  	_ =	shalt  }
0x76: {  	_ =	shalt  }
0x77: {  	_ =	shalt  }
0x78: {  	_ =	shalt  }
0x79: {  	_ =	shalt  }
0x7a: {  	_ =	shalt  }
0x7b: {  	_ =	shalt  }
0x7c: {  	_ =	shalt  }
0x7d: {  	_ =	shalt  }
0x7e: {  	_ =	shalt  }
0x7f: {  	_ =	shalt  }
0x80: {  	_ =	shalt  }
0x81: {  	_ =	shalt  }
0x82: {  	_ =	shalt  }
0x83: {  	_ =	shalt  }
0x84: {  	_ =	shalt  }
0x85: {  	_ =	shalt  }
0x86: {  	_ =	shalt  }
0x87: {  	_ =	shalt  }
.Lfunc_end0:
.L_simem_size_0:
called_computation_lowered:
.L_overlay_start_0:
0x88: {  	s2 =	sld [smem:$0x3FD9]  }
0x89: {  	s3 =	sld [smem:$0x3FFE];
	_ =	sdelay $0x1  }
0x8a: {  	s1 =	srdreg.scid  }
0x8b: {  	s0 =	sand.u32 $0x1, s1  }
0x8c: {  	s14 =	sshll.u32 s0, $0xA;
	s2 =	sadd.s32 s3, s2  }
0x8d: {  	s2 =	sadd.s32 s2, s14  }
0x8e: {  	[smem:$0x3FB8] =	sst s2  }
0x8f: {  	_ = 	snop  }
0x90: {  	s2 =	sld [smem:$0x3FD0];
	_ =	sdelay $0x2  }
0x91: {  	s15 =	simm.s32 $0xA;
	s4 =	simm.s32 $0x10  }
0x92: {  	[smem:s4], [sflag:s15] =	dma.local [hbm:s2], $0x1  }
0x93: {  	_ =	swait.eq [sflag:s15], $0x1  }
0x94: {  	[sflag:s15] =	ssyncset.done $0x0  }
0x95: {  	[sflag:s15] =	ssyncadd.s32 $0xFFFFFFFF  }
0x96: {  	s16 =	sld [smem:$0x11];
	(tm) =	ssettm $0x1  }
0x97: {  	s17 =	sld [smem:$0x3FFB];
	_ =	sdelay $0x3  }
0x98: {  	_ =	strace s17  }
0x99: {  	s3 =	sld [smem:$0x3FFC];
	_ =	sdelay $0x3  }
0x9a: {  	_ =	strace s3  }
0x9b: {  	s3 =	sld [smem:$0x3FFD];
	_ =	sdelay $0x3  }
0x9c: {  	_ =	strace s3  }
0x9d: {  	_ =	strace $0x8FFFFFFF  }
0x9e: {  	s18 =	sld [smem:$0x3FDB];
	_ =	sdelay $0x1  }
0x9f: {  	s19 =	simm.s32 $_scs_section_size  }
0xa0: {  	s5 =	simm.s32 $_size__tile_overlayer_lowered;
	s6 =	simm.s32 $_tile_overlayer_lowered  }
0xa1: {  	s22 =	simm.s32 $0x1BFF;
	s21 =	sshll.u32 s6, $0x1;
	s3 =	sadd.s32 s19, s18  }
0xa2: {  	s7 =	simm.s32 $0x0;
	s20 =	sshll.u32 s5, $0x1;
	s5 =	sadd.s32 s21, s3  }
0xa3: {  	[timem:s7], [sflag:s22] =	dma.local [hbm:s5], s20  }
0xa4: {  	_ =	swait.ge [sflag:s22], s20  }
0xa5: {  	s4 =	ssub.s32 $0x0, s20;
	[sflag:s22] =	ssyncset.done $0x0  }
0xa6: {  	[sflag:s22] =	ssyncadd.s32 s4;
	_ =	sdelay $0x1  }
0xa7: {  	s23 =	simm.s32 $0x1B8B  }
0xa8: {  	_ =	swait.ge [sflag:s23], $0x1  }
0xa9: {  	[sflag:s23] =	ssyncset.done $0x0  }
0xaa: {  	s25 =	simm.s32 $0x1B8E;
	s24 =	sld [smem:$0x3FFE];
	[sflag:s23] =	ssyncadd.s32 $0xFFFFFFFF  }
0xab: {  	s26 =	simm.s32 $execute0_lowered;
	[smem:$0x3FD2] =	sst s25  }
0xac: {  	s5 =	sshll.u32 s26, $0x1;
	_ =	strace $0x80000046;
	[dreg:$0x1] =	wrdreg $0xFFFFFFFF  }
0xad: {  	s28 =	simm.s32 $_size_execute0_lowered;
	s3 =	sadd.s32 s3, s5;
	[dreg:$0x0] =	wrdreg $0x0  }
0xae: {  	s5 =	sshll.u32 s28, $0x1;
	[dreg:$0x2] =	wrdreg s3  }
0xaf: {  	[dreg:$0x3] =	wrdreg s5  }
0xb0: {  	[dreg:$0x4] =	wrdreg $0xC0  }
0xb1: {  	_ =	task [dreg:s7], $0x5FFFF  }
0xb2: {  	[dreg:$0x1] =	wrdreg $0xFFFFFFFF  }
0xb3: {  	[dreg:$0x0] =	wrdreg $0x60  }
0xb4: {  	[dreg:$0x2] =	wrdreg s24  }
0xb5: {  	[dreg:$0x3] =	wrdreg s16  }
0xb6: {  	[dreg:$0x4] =	wrdreg $0x9  }
0xb7: {  	_ =	task.clear_ibuf [dreg:s7], $0x5FFFF;
	_ =	strace $0x90000046  }
0xb8: {  	s29 =	simm.s32 $0x9;
	_ =	strace $0x80000048  }
0xb9: {  	_ =	swait.ge [sflag:s29], $0x1  }
0xba: {  	[sflag:s29] =	ssyncadd.s32 $0xFFFFFFFF  }
0xbb: {  	_ =	strace $0x90000048  }
0xbc: {  	_ =	sfence  }
0xbd: {  	s30 =	sld [smem:$0x0];
	_ =	sdelay $0x2  }
0xbe: {  	s31 =	sshll.u32 s1, $0xD;
	s1 =	sshrl.u32 s1, $0x2  }
0xbf: {  	s3 =	sand.u32 $0x4000, s31;
	s1 =	sadd.s32 s1, s30  }
0xc0: {  	s0 =	sor.u32 s3, s0;
	s1 =	sshll.u32 s1, $0x11  }
0xc1: {  	s0 =	sor.u32 s1, s0  }
0xc2: {  	s0 =	sadd.s32 $0x8F2B, s0  }
0xc3: {  	[sflag:s0] =	ssyncadd.remote.s32 $0x1  }
0xc4: {  	_ =	sfence.sel $0xFFFF  }
0xc5: {  	[dreg:$0x0] =	wrdreg $0xFFFFFFFF;
	(pc) =	sbr.abs _section_cstart, $3  }
0xc6: {  	[dreg:$0x1] =	wrdreg $0xFFFFFFFF  }
0xc7: {  	_ =	task.clear_ibuf [dreg:s7], $0x2FFFF;
	_ =	strace $0x9FFFFFFF  }
0xc8: {  	(tm) =	ssettm $0x7FFFFFFF  }
0xc9: {  	_ =	shalt  }
tec
execute0_lowered:
.L_overlay_start_1:
0x0: {  	(tag) =	ssettag $0x1  }
0x1: {  	s3 =	rddreg [dreg:$0x0]  }
0x2: {  	s4 =	rddreg [dreg:$0x1]  }
0x3: {  	s0 =	rddreg [dreg:$0x2];
	s2 =	simm.s32 $0x0;
	s5 =	srdreg.scid  }
0x4: {  	s1 =	stileid.u32;
	s8 =	simm.s32 $0xC400;
	s5 =	sand.u32 $0x1, s5  }
0x5: {  	s6 =	ssub.s32 $0x2, s5;
	p0 =	seq.s32 s5, $0x1;
	s5 =	sshll.u32 s5, $0x4  }
0x6: {  	[smem:$0x7FF] =	sst s2;
	s7 =	smul.u32 $0x4E2, s1;
	s5 =	sor.u32 s1, s5  }
0x7: {  	s9 =	sshrl.u32 s6, $0x1;
	s8 =	simm.s32 @!p0 $0x2600;
	s5 =	smul.u32 $0x4E2, s5  }
0x8: {  	_ =	strace $0x80000047;
	s6 =	ssub.s32 s6, s9;
	s8 =	sadd.s32 s8, s3  }
0x9: {  	s3 =	sadd.s32 s4, s5;
	s4 =	smax.u32 s6, $0x1;
	s5 =	sadd.s32 s8, s7  }
0xa: {  	v0 =	vimm.f32 $0.0e+00;
	v1 =	vimm.f32 $1.000000000e+00;
	s6 =	simm.s32 $0x1;
	s7 =	simm.s32 $0x2780;
	s8 =	simm.s32 $0x0  }
.LBB2_1:
0xb: {  	[tilespmem:s2], [sflag:$0x1] =	stream.linear.gather [hbm4b:s5+s2], $0x2710, $0x38;
	[tilespmem:$0x4F00] =	vst v63  }
0xc: {  	_ =	swait.ge [sflag:s6], $0x2710  }
0xd: {  	[sflag:s6] =	ssyncset.done $0x0  }
0xe: {  	s9 =	simm.s32 $0x27C0;
	[sflag:s6] =	ssyncadd.s32 $0xFFFFD8F0  }
0xf: {  	[tilespmem:s9+$0xFFFFFFC0] =	vst v0  }
0x10: {  	[tilespmem:s9+$0x30] =	vst v0  }
0x11: {  	[tilespmem:s9+$0x20] =	vst v0  }
0x12: {  	[tilespmem:s9+$0x10] =	vst v0  }
0x13: {  	[tilespmem:s9+$0x0] =	vst v0  }
0x14: {  	[tilespmem:s9+$0xFFFFFFF0] =	vst v0  }
0x15: {  	s10 =	simm.s32 $0x0;
	[tilespmem:s9+$0xFFFFFFE0] =	vst v0  }
.LBB2_2:
0x16: {  	s10 =	sadd.s32 $0x8, s10;
	[tilespmem:s9+$0xFFFFFFD0] =	vst v0;
	s9 =	sadd.s32 $0x80, s9  }
0x17: {  	[tilespmem:s9+$0xFFFFFFC0] =	vst v0;
	p0 =	slt.u32 s10, $0x268  }
0x18: {  	[tilespmem:s9+$0x30] =	vst v0  }
.Ltmp0:
0x19: {  	[tilespmem:s9+$0x20] =	vst v0;
	(pc) =	sbr.rel @p0 .LBB2_2-.Ltmp0, $4  }
0x1a: {  	[tilespmem:s9+$0x10] =	vst v0  }
0x1b: {  	[tilespmem:s9+$0x0] =	vst v0  }
0x1c: {  	[tilespmem:s9+$0xFFFFFFF0] =	vst v0  }
0x1d: {  	[tilespmem:s9+$0xFFFFFFE0] =	vst v0  }
0x1e: {  	[tilespmem:s9+$0xFFFFFFD0] =	vst v0  }
0x1f: {  	s9 =	simm.s32 $0xFFFFFFFC;
	s10 =	simm.s32 $0x20;
	[tilespmem:$0x4E80] =	vst v0  }
.LBB2_4:
0x20: {  	v2 =	vld [tilespmem:s10+$0xFFFFFFE0];
	_ =	sdelay $0x7  }
0x21: {  	[tilespmem:v2+s7+$0x0] =	vst.idx.add.f32.msk $0xffff, v1  }
0x22: {  	v2 =	vld [tilespmem:s10+$0xFFFFFFF0];
	_ =	sdelay $0x7  }
0x23: {  	[tilespmem:v2+s7+$0x0] =	vst.idx.add.f32.msk $0xffff, v1  }
0x24: {  	v2 =	vld [tilespmem:s10+$0x0];
	_ =	sdelay $0x7  }
0x25: {  	[tilespmem:v2+s7+$0x0] =	vst.idx.add.f32.msk $0xffff, v1  }
0x26: {  	v2 =	vld [tilespmem:s10+$0x10];
	_ =	sdelay $0x1  }
0x27: {  	s9 =	sadd.s32 $0x4, s9  }
0x28: {  	p0 =	slt.u32 s9, $0x26C  }
.Ltmp1:
0x29: {  	_ = 	snop;
	(pc) =	sbr.rel @p0 .LBB2_4-.Ltmp1, $2  }
0x2a: {  	_ =	sdelay $0x2  }
0x2b: {  	s10 =	sadd.s32 $0x40, s10;
	[tilespmem:v2+s7+$0x0] =	vst.idx.add.f32.msk $0xffff, v1  }
0x2c: {  	v2 =	vld [tilespmem:$0x2700];
	_ =	sdelay $0x5  }
0x2d: {  	s8 =	sadd.s32 $0x1, s8  }
0x2e: {  	p0 =	sne.s32 s8, s4  }
.Ltmp2:
0x2f: {  	[tilespmem:v2+s7+$0x0] =	vst.idx.add.f32.msk $0xffff, v1;
	(pc) =	sbr.rel @p0 .LBB2_1-.Ltmp2, $4  }
0x30: {  	[hbm4b:s3+s2] =	stream.linear.scatter [tilespmem:s7], [sflag:$0x1], $0x2710, $0x38;
	[tilespmem:$0x4F00] =	vst v63  }
0x31: {  	_ =	swait.ge [sflag:s6], $0x2710  }
0x32: {  	[sflag:s6] =	ssyncset.done $0x0  }
0x33: {  	[sflag:s6] =	ssyncadd.s32 $0xFFFFD8F0  }
0x34: {  	_ =	sfence.sel $0x180000  }
0x35: {  	[bflag:$0x0] =	sbarrier.arrive $0xFFFF  }
0x36: {  	p0 =	sne.s32 s1, $0x0;
	_ =	strace $0x90000047  }
0x37: {  	s0 =	sadd.s32 @!p0 $0x100000, s0;
	[bflag:$0x2] =	sbarrier.arrive $0xFFFF  }
0x38: {  	[sflag:s0] =	ssyncadd.tile.s32 @!p0 $0x1;
	_ =	shalt  }
.Lfunc_end2:
_tile_overlayer_lowered:
.L_overlay_start_2:
0x39: {  	(tag) =	ssettag $0x2  }
0x3a: {  	s0 =	rddreg [dreg:$0x0];
	s2 =	stileid.u32  }
0x3b: {  	s1 =	rddreg [dreg:$0x1];
	p0 =	sne.s32 s2, $0x0  }
0x3c: {  	s3 =	rddreg [dreg:$0x2];
	[bflag:$0x3] =	sbarrier.arrive $0xFFFF;
	s2 =	simm.s32 @!p0 $0x1C01  }
0x3d: {  	[timem:s3], [sflag:s2] =	dma.local @!p0 [hbm:s0], s1  }
0x3e: {  	s0 =	simm.s32 @!p0 $0x1  }
0x3f: {  	_ =	swait.ge @!p0 [sflag:s0], s1  }
0x40: {  	s1 =	ssub.s32 @!p0 $0x0, s1;
	[sflag:s0] =	ssyncset.done @!p0 $0x0  }
0x41: {  	[sflag:s0] =	ssyncadd.s32 @!p0 s1  }
0x42: {  	[bflag:$0x3] =	sbarrier.arrive $0xFFFF  }
0x43: {  	_ =	shalt  }

// kernel: kernel.9.cloned.1.call-start
scs
__scs_entry_jumppad:
0x0: {  	(pc) =	sbr.rel $0x88, $3  }
0x1: {  	(tag) =	ssettag $0x0;
	lr =	simm.s32 $0x1  }
0x2: {  	[smem:$0x3F91] =	sst lr;
	_ =	strace $0xD0000000  }
0x3: {  	_ = 	snop  }
0x4: {  	_ = 	snop  }
0x5: {  	_ = 	snop  }
0x6: {  	_ = 	snop  }
0x7: {  	_ = 	snop  }
__scs_overlays_trampoline_lowered:
0x8: {  	[smem:$0x3FA0] =	sst s0  }
0x9: {  	[smem:$0x3FA1] =	sst s1  }
0xa: {  	[smem:$0x3FA2] =	sst s2  }
0xb: {  	[smem:$0x3FA3] =	sst s3  }
0xc: {  	[smem:$0x3FA4] =	sst s4  }
0xd: {  	[smem:$0x3FA5] =	sst s5  }
0xe: {  	[smem:$0x3FA6] =	sst s6  }
0xf: {  	[smem:$0x3FA7] =	sst s7  }
0x10: {  	[smem:$0x3FA8] =	sst s8  }
0x11: {  	[smem:$0x3FA9] =	sst s9;
	s0 =	simm.s32 @!p0 $0x0  }
0x12: {  	s1 =	sld [smem:$0x3F8F];
	s0 =	simm.s32 @p0 $0x1  }
0x13: {  	[smem:$0x3FAA] =	sst s0;
	s0 =	simm.s32 @!p1 $0x0  }
0x14: {  	s2 =	sld [smem:$0x3F8E];
	s0 =	simm.s32 @p1 $0x1  }
0x15: {  	[smem:$0x3FAB] =	sst s0;
	s0 =	simm.s32 @!p2 $0x0  }
0x16: {  	s3 =	sld [smem:$0x3FDB];
	s0 =	simm.s32 @p2 $0x1  }
0x17: {  	s4 =	simm.s32 $0x1BF5;
	[smem:$0x3FAD] =	sst s0  }
0x18: {  	s0 =	sld [smem:$0x3F90];
	_ =	swait.ge [sflag:s4], $0x0  }
0x19: {  	s7 =	sld [smem:$0x3F91]  }
0x1a: {  	s8 =	sadd.s32 $0xFFFFE003, lr  }
0x1b: {  	s9 =	sadd.s32 $0xFFFFFEF7, lr;
	s5 =	simm.s32 $0xFFFFFFFF;
	p2 =	slt.u32 s8, $0xFFFFF086  }
0x1c: {  	p1 =	slt.u32 s9, $0xF7A;
	s5 =	simm.s32 @!p2 $0x0  }
0x1d: {  	s5 =	simm.s32 @p1 $0x1;
	p0 =	seq.s32 s7, s2  }
0x1e: {  	s7 =	smul.u32 @!p0 $0xF7A, s2;
	p2 =	seq.s32 @!p0 s5, $0x0  }
0x1f: {  	s9 =	smul.u32 $0xF7A, s1;
	s8 =	simm.s32 @!p0 $0x1BF5;
	p2 =	por !p2, p0  }
0x20: {  	[sflag:s8] =	ssyncset.s32 @!p0 $0xFFFFF086;
	s6 =	sadd.s32 @!p0 s3, s7;
	s7 =	simm.s32 @!p0 $0x108  }
0x21: {  	s3 =	sadd.s32 s3, s9;
	s6 =	sadd.s32 @!p0 $0x88, s6;
	s7 =	simm.s32 @p2 $0x1082  }
0x22: {  	[simem:s7], [sflag:s8] =	dma.local @!p0 [hbm:s6], $0xF7A  }
0x23: {  	s9 =	sor.u32 $0xD0000000, s2;
	s6 =	simm.s32 $0x108;
	_ =	swait.ge @!p0 [sflag:s8], $0x0  }
0x24: {  	s3 =	sadd.s32 $0x88, s3;
	s6 =	simm.s32 @!p1 $0x1082;
	[sflag:s4] =	ssyncset.s32 $0xFFFFF086  }
0x25: {  	[simem:s6], [sflag:s4] =	dma.local [hbm:s3], $0xF7A  }
0x26: {  	[smem:$0x3F91] =	sst s1;
	(tag) =	ssettag s2;
	_ =	strace s9  }
0x27: {  	s1 =	sld [smem:$0x3FA1]  }
0x28: {  	s2 =	sld [smem:$0x3FA2]  }
0x29: {  	s4 =	sld [smem:$0x3FA4]  }
0x2a: {  	p0 =	seq.s32 s5, $0x0;
	s5 =	sld [smem:$0x3FA5]  }
0x2b: {  	s6 =	sld [smem:$0x3FA6]  }
0x2c: {  	s7 =	sld [smem:$0x3FA7]  }
0x2d: {  	s3 =	simm.s32 $0x108;
	s8 =	sld [smem:$0x3FA8]  }
0x2e: {  	s3 =	simm.s32 @!p0 $0x1082;
	s9 =	sld [smem:$0x3FA9]  }
0x2f: {  	lr =	sadd.s32 s0, s3;
	s0 =	sld [smem:$0x3FA0]  }
0x30: {  	s3 =	sld [smem:$0x3FA3]  }
0x31: {  	[smem:$0x3FAC] =	sst s10  }
0x32: {  	s10 =	sld [smem:$0x3FAA];
	_ =	sdelay $0x3  }
0x33: {  	p0 =	seq.s32 s10, $0x1;
	s10 =	sld [smem:$0x3FAC];
	_ =	sdelay $0x3  }
0x34: {  	[smem:$0x3FAC] =	sst s10  }
0x35: {  	s10 =	sld [smem:$0x3FAB];
	_ =	sdelay $0x3  }
0x36: {  	p1 =	seq.s32 s10, $0x1;
	s10 =	sld [smem:$0x3FAC];
	_ =	sdelay $0x3  }
0x37: {  	[smem:$0x3FAC] =	sst s10  }
0x38: {  	s10 =	sld [smem:$0x3FAD]  }
0x39: {  	_ = 	snop;
	(pc) =	sbr.ind lr, $3  }
0x3a: {  	_ = 	snop  }
0x3b: {  	_ = 	snop  }
0x3c: {  	p2 =	seq.s32 s10, $0x1;
	s10 =	sld [smem:$0x3FAC]  }
0x3d: {  	_ =	shalt  }
0x3e: {  	_ =	shalt  }
0x3f: {  	_ =	shalt  }
0x40: {  	_ =	shalt  }
0x41: {  	_ =	shalt  }
0x42: {  	_ =	shalt  }
0x43: {  	_ =	shalt  }
0x44: {  	_ =	shalt  }
0x45: {  	_ =	shalt  }
0x46: {  	_ =	shalt  }
0x47: {  	_ =	shalt  }
0x48: {  	_ =	shalt  }
0x49: {  	_ =	shalt  }
0x4a: {  	_ =	shalt  }
0x4b: {  	_ =	shalt  }
0x4c: {  	_ =	shalt  }
0x4d: {  	_ =	shalt  }
0x4e: {  	_ =	shalt  }
0x4f: {  	_ =	shalt  }
0x50: {  	_ =	shalt  }
0x51: {  	_ =	shalt  }
0x52: {  	_ =	shalt  }
0x53: {  	_ =	shalt  }
0x54: {  	_ =	shalt  }
0x55: {  	_ =	shalt  }
0x56: {  	_ =	shalt  }
0x57: {  	_ =	shalt  }
0x58: {  	_ =	shalt  }
0x59: {  	_ =	shalt  }
0x5a: {  	_ =	shalt  }
0x5b: {  	_ =	shalt  }
0x5c: {  	_ =	shalt  }
0x5d: {  	_ =	shalt  }
0x5e: {  	_ =	shalt  }
0x5f: {  	_ =	shalt  }
0x60: {  	_ =	shalt  }
0x61: {  	_ =	shalt  }
0x62: {  	_ =	shalt  }
0x63: {  	_ =	shalt  }
0x64: {  	_ =	shalt  }
0x65: {  	_ =	shalt  }
0x66: {  	_ =	shalt  }
0x67: {  	_ =	shalt  }
0x68: {  	_ =	shalt  }
0x69: {  	_ =	shalt  }
0x6a: {  	_ =	shalt  }
0x6b: {  	_ =	shalt  }
0x6c: {  	_ =	shalt  }
0x6d: {  	_ =	shalt  }
0x6e: {  	_ =	shalt  }
0x6f: {  	_ =	shalt  }
0x70: {  	_ =	shalt  }
0x71: {  	_ =	shalt  }
0x72: {  	_ =	shalt  }
0x73: {  	_ =	shalt  }
0x74: {  	_ =	shalt  }
0x75: {  	_ =	shalt  }
0x76: {  	_ =	shalt  }
0x77: {  	_ =	shalt  }
0x78: {  	_ =	shalt  }
0x79: {  	_ =	shalt  }
0x7a: {  	_ =	shalt  }
0x7b: {  	_ =	shalt  }
0x7c: {  	_ =	shalt  }
0x7d: {  	_ =	shalt  }
0x7e: {  	_ =	shalt  }
0x7f: {  	_ =	shalt  }
0x80: {  	_ =	shalt  }
0x81: {  	_ =	shalt  }
0x82: {  	_ =	shalt  }
0x83: {  	_ =	shalt  }
0x84: {  	_ =	shalt  }
0x85: {  	_ =	shalt  }
0x86: {  	_ =	shalt  }
0x87: {  	_ =	shalt  }
.Lfunc_end0:
.L_simem_size_0:
called_computation.1_lowered:
.L_overlay_start_0:
0x88: {  	s2 =	sld [smem:$0x3FD9]  }
0x89: {  	s3 =	sld [smem:$0x3FFE];
	_ =	sdelay $0x1  }
0x8a: {  	s1 =	srdreg.scid  }
0x8b: {  	s0 =	sand.u32 $0x1, s1  }
0x8c: {  	s14 =	sshll.u32 s0, $0xA;
	s2 =	sadd.s32 s3, s2  }
0x8d: {  	s2 =	sadd.s32 s2, s14  }
0x8e: {  	[smem:$0x3FB8] =	sst s2  }
0x8f: {  	_ = 	snop  }
0x90: {  	s2 =	sld [smem:$0x3FD0];
	_ =	sdelay $0x2  }
0x91: {  	s15 =	simm.s32 $0xA;
	s4 =	simm.s32 $0x10  }
0x92: {  	[smem:s4], [sflag:s15] =	dma.local [hbm:s2], $0x1  }
0x93: {  	_ =	swait.eq [sflag:s15], $0x1  }
0x94: {  	[sflag:s15] =	ssyncset.done $0x0  }
0x95: {  	s16 =	sld [smem:$0x10];
	[sflag:s15] =	ssyncadd.s32 $0xFFFFFFFF  }
0x96: {  	s17 =	sld [smem:$0x11];
	(tm) =	ssettm $0x1  }
0x97: {  	s18 =	sld [smem:$0x3FFB];
	_ =	sdelay $0x3  }
0x98: {  	_ =	strace s18  }
0x99: {  	s4 =	sld [smem:$0x3FFC];
	_ =	sdelay $0x3  }
0x9a: {  	_ =	strace s4  }
0x9b: {  	s4 =	sld [smem:$0x3FFD];
	_ =	sdelay $0x3  }
0x9c: {  	_ =	strace s4  }
0x9d: {  	_ =	strace $0x8FFFFFFF  }
0x9e: {  	s19 =	sld [smem:$0x3FDB];
	_ =	sdelay $0x1  }
0x9f: {  	s5 =	simm.s32 $_scs_section_size  }
0xa0: {  	s6 =	simm.s32 $_size__tile_overlayer_lowered;
	s7 =	simm.s32 $_tile_overlayer_lowered  }
0xa1: {  	s22 =	simm.s32 $0x1BFF;
	s21 =	sshll.u32 s7, $0x1;
	s4 =	sadd.s32 s5, s19  }
0xa2: {  	s8 =	simm.s32 $0x0;
	s20 =	sshll.u32 s6, $0x1;
	s6 =	sadd.s32 s21, s4  }
0xa3: {  	[timem:s8], [sflag:s22] =	dma.local [hbm:s6], s20  }
0xa4: {  	_ =	swait.ge [sflag:s22], s20  }
0xa5: {  	s5 =	ssub.s32 $0x0, s20;
	[sflag:s22] =	ssyncset.done $0x0  }
0xa6: {  	[sflag:s22] =	ssyncadd.s32 s5;
	_ =	sdelay $0x1  }
0xa7: {  	s23 =	simm.s32 $0x1B8B  }
0xa8: {  	_ =	swait.ge [sflag:s23], $0x1  }
0xa9: {  	[sflag:s23] =	ssyncset.done $0x0  }
0xaa: {  	s25 =	simm.s32 $0x1B8E;
	s24 =	sld [smem:$0x3FFE];
	[sflag:s23] =	ssyncadd.s32 $0xFFFFFFFF  }
0xab: {  	s26 =	simm.s32 $execute0_lowered;
	[smem:$0x3FD2] =	sst s25  }
0xac: {  	s6 =	sshll.u32 s26, $0x1;
	_ =	strace $0x80000049;
	[dreg:$0x1] =	wrdreg $0xFFFFFFFF  }
0xad: {  	s28 =	simm.s32 $_size_execute0_lowered;
	s4 =	sadd.s32 s4, s6;
	[dreg:$0x0] =	wrdreg $0x0  }
0xae: {  	s6 =	sshll.u32 s28, $0x1;
	[dreg:$0x2] =	wrdreg s4  }
0xaf: {  	[dreg:$0x3] =	wrdreg s6  }
0xb0: {  	[dreg:$0x4] =	wrdreg $0xC0  }
0xb1: {  	_ =	task [dreg:s8], $0x5FFFF  }
0xb2: {  	[dreg:$0x1] =	wrdreg $0xFFFFFFFF  }
0xb3: {  	[dreg:$0x0] =	wrdreg $0x60  }
0xb4: {  	[dreg:$0x2] =	wrdreg s24  }
0xb5: {  	[dreg:$0x3] =	wrdreg s17  }
0xb6: {  	[dreg:$0x4] =	wrdreg s16  }
0xb7: {  	[dreg:$0x5] =	wrdreg $0x169000  }
0xb8: {  	[dreg:$0x6] =	wrdreg $0x1A9800  }
0xb9: {  	[dreg:$0x7] =	wrdreg $0x9  }
0xba: {  	_ =	task.clear_ibuf [dreg:s8], $0x8FFFF;
	_ =	strace $0x90000049  }
0xbb: {  	s29 =	simm.s32 $0x9;
	_ =	strace $0x8000004B  }
0xbc: {  	_ =	swait.ge [sflag:s29], $0x1  }
0xbd: {  	[sflag:s29] =	ssyncadd.s32 $0xFFFFFFFF  }
0xbe: {  	_ =	strace $0x9000004B  }
0xbf: {  	_ =	sfence  }
0xc0: {  	s30 =	sld [smem:$0x0];
	_ =	sdelay $0x2  }
0xc1: {  	s31 =	sshll.u32 s1, $0xD;
	s1 =	sshrl.u32 s1, $0x2  }
0xc2: {  	s3 =	sand.u32 $0x4000, s31;
	s1 =	sadd.s32 s1, s30  }
0xc3: {  	s0 =	sor.u32 s3, s0;
	s1 =	sshll.u32 s1, $0x11  }
0xc4: {  	s0 =	sor.u32 s1, s0  }
0xc5: {  	s0 =	sadd.s32 $0x8F2B, s0  }
0xc6: {  	[sflag:s0] =	ssyncadd.remote.s32 $0x1  }
0xc7: {  	_ =	sfence.sel $0xFFFF  }
0xc8: {  	[dreg:$0x0] =	wrdreg $0xFFFFFFFF;
	(pc) =	sbr.abs _section_cstart, $3  }
0xc9: {  	[dreg:$0x1] =	wrdreg $0xFFFFFFFF  }
0xca: {  	_ =	task.clear_ibuf [dreg:s8], $0x2FFFF;
	_ =	strace $0x9FFFFFFF  }
0xcb: {  	(tm) =	ssettm $0x7FFFFFFF  }
tec
execute0_lowered:
.L_overlay_start_1:
0x0: {  	(tag) =	ssettag $0x1  }
0x1: {  	s0 =	rddreg [dreg:$0x0]  }
0x2: {  	s16 =	rddreg [dreg:$0x1]  }
0x3: {  	s1 =	rddreg [dreg:$0x2]  }
0x4: {  	s2 =	rddreg [dreg:$0x3]  }
0x5: {  	s3 =	rddreg [dreg:$0x4]  }
0x6: {  	s19 =	simm.s32 $0x0;
	s5 =	srdreg.scid;
	s13 =	stileid.u32  }
0x7: {  	s21 =	simm.s32 $0xA000;
	s29 =	simm.s32 $0x3;
	s30 =	simm.s32 $0x5  }
0x8: {  	s31 =	simm.s32 $0xD000;
	[smem:$0x7FF] =	sst s19;
	s4 =	sadd.s32 $0x2600, s0  }
0x9: {  	s6 =	sadd.s32 $0xC400, s0;
	s5 =	sand.u32 $0x1, s5;
	s10 =	smul.u32 $0x2710, s13  }
0xa: {  	s14 =	sadd.s32 $0x16200, s0;
	s7 =	sshll.u32 s13, $0xE;
	s12 =	smul.u32 $0x4080, s13  }
0xb: {  	s15 =	sadd.s32 $0x3D400, s0;
	_ =	strace $0x8000004A;
	s8 =	sshll.u32 s5, $0x13  }
0xc: {  	s9 =	ssub.s32 $0x2, s5;
	[dreg:$0x7] =	wrdreg s15;
	p0 =	seq.s32 s5, $0x0  }
0xd: {  	s17 =	sshll.u32 s5, $0x4;
	s20 =	sadd.s32 s7, s2;
	[dreg:$0x6] =	wrdreg s14  }
0xe: {  	s8 =	sor.u32 s7, s8;
	s11 =	sshrl.u32 s9, $0x1;
	s25 =	sshrl.u32 s10, $0x3  }
0xf: {  	s26 =	sadd.s32 $0x4000, s12;
	s28 =	sadd.s32 s12, s2;
	s12 =	sadd.s32 s12, s3  }
0x10: {  	s18 =	sor.u32 s13, s17;
	s6 =	smov.u32 @p0 s4;
	s16 =	smov.u32 @p0 s14  }
0x11: {  	p0 =	sne.s32 s5, $0x0;
	s5 =	simm.s32 $0x2;
	s13 =	simm.s32 $0x11000  }
0x12: {  	s14 =	simm.s32 $0x11800;
	s17 =	simm.s32 $0xA800;
	s8 =	sshrl.u32 s8, $0x3  }
0x13: {  	s24 =	ssub.s32 s9, s11;
	[dreg:$0x8] =	wrdreg s28;
	s15 =	sadd.s32 s26, s2  }
0x14: {  	[dreg:$0xa] =	wrdreg s12;
	s10 =	sadd.s32 s26, s3;
	s3 =	sadd.s32 s7, s3  }
0x15: {  	s25 =	sadd.s32 s6, s25;
	s26 =	sshrl.u32 s20, $0x3;
	s6 =	simm.s32 $0x4  }
0x16: {  	s7 =	simm.s32 $0xE000;
	s9 =	simm.s32 $0xF000;
	[dreg:$0x9] =	wrdreg s15  }
0x17: {  	s11 =	simm.s32 $0x10000;
	s12 =	simm.s32 $0x10800;
	[dreg:$0xb] =	wrdreg s10  }
0x18: {  	s0 =	sadd.s32 s8, s0;
	s10 =	smul.u32 $0x102, s18;
	[dreg:$0x10] =	wrdreg s25  }
0x19: {  	s24 =	smax.u32 s24, $0x1;
	s18 =	simm.s32 $0x7;
	[dreg:$0x12] =	wrdreg s26  }
0x1a: {  	s28 =	sshrl.u32 s3, $0x3;
	s15 =	simm.s32 $0xC000;
	[dreg:$0xf] =	wrdreg s24  }
0x1b: {  	s3 =	simm.s32 $0xC800;
	s22 =	sadd.s32 $0x3D600, s0;
	[dreg:$0x13] =	wrdreg s28  }
.Ltmp0:
0x1c: {  	s0 =	sadd.s32 $0x45600, s0;
	[dreg:$0xc] =	wrdreg s22;
	(pc) =	sbr.rel .LBB2_1-.Ltmp0, $4  }
0x1d: {  	s24 =	simm.s32 $0xB000;
	[dreg:$0xd] =	wrdreg s0;
	s23 =	sadd.s32 s1, s10  }
0x1e: {  	s0 =	sadd.s32 $0x4E20, s25;
	s22 =	simm.s32 $0x1;
	s10 =	simm.s32 $0xF800  }
0x1f: {  	v0 =	vimm.f32 $0.0e+00;
	v1 =	vimm.s32 $0x0;
	s25 =	simm.s32 $0xB800;
	s1 =	simm.s32 $0x0;
	[dreg:$0xe] =	wrdreg s23  }
0x20: {  	v2 =	vimm.s32 $0x800;
	v3 =	vimm.f32 $1.000000000e+00;
	vm0 =	vmmov $0xffff;
	[dreg:$0x11] =	wrdreg s0;
	s23 =	simm.s32 $0x16000;
	s0 =	simm.s32 $0xD800  }
.LBB2_23:
0x21: {  	s4 =	stileid.u32;
	[bflag:$0x0] =	sbarrier.arrive $0xFFFF  }
0x22: {  	s4 =	sshll.u32 s4, $0x6;
	s8 =	rddreg [dreg:$0xc]  }
0x23: {  	s19 =	rddreg [dreg:$0x12];
	s4 =	sor.u32 $0x1C07, s4  }
0x24: {  	[hbm:s8], [sflag:s4] =	dma.local [spmem:s19], $0x800  }
0x25: {  	_ =	swait.ge [sflag:s18], $0x800  }
0x26: {  	[sflag:s18] =	ssyncset.done $0x0;
	s19 =	rddreg [dreg:$0xd]  }
0x27: {  	s20 =	rddreg [dreg:$0x13];
	[sflag:s18] =	ssyncadd.s32 $0xFFFFF800  }
0x28: {  	[hbm:s19], [sflag:s4] =	dma.local [spmem:s20], $0x800  }
0x29: {  	_ =	swait.ge [sflag:s18], $0x800  }
0x2a: {  	[sflag:s18] =	ssyncset.done $0x0  }
0x2b: {  	s19 =	simm.s32 $0x0;
	s26 =	rddreg [dreg:$0xe];
	[sflag:s18] =	ssyncadd.s32 $0xFFFFF800  }
0x2c: {  	[hbm4b:s26+s19] =	stream.linear.scatter [tilespmem:s23], [sflag:$0x7], $0x810, $0x38;
	[tilespmem:$0x1EA00] =	vst v63  }
0x2d: {  	_ =	swait.ge [sflag:s18], $0x810  }
0x2e: {  	s1 =	sadd.s32 $0x1, s1;
	s28 =	rddreg [dreg:$0xf]  }
0x2f: {  	p1 =	sne.s32 s1, s28  }
.Ltmp1:
0x30: {  	_ = 	snop;
	(pc) =	sbr.rel @!p1 .LBB2_24-.Ltmp1, $3  }
0x31: {  	_ =	sdelay $0x1  }
0x32: {  	[sflag:s18] =	ssyncset.done $0x0  }
0x33: {  	[sflag:s18] =	ssyncadd.s32 $0xFFFFF7F0  }
.LBB2_1:
0x34: {  	s4 =	rddreg [dreg:$0x10]  }
0x35: {  	[tilespmem:s19], [sflag:$0x7] =	stream.linear.gather [hbm4b:s4+s19], $0x2710, $0x38;
	[tilespmem:$0x1EA00] =	vst v63  }
0x36: {  	_ =	swait.ge [sflag:s18], $0x2710  }
0x37: {  	[sflag:s18] =	ssyncset.done $0x0  }
0x38: {  	s8 =	simm.s32 $0x2780;
	s20 =	rddreg [dreg:$0x11];
	[sflag:s18] =	ssyncadd.s32 $0xFFFFD8F0  }
0x39: {  	[tilespmem:s8], [sflag:$0x7] =	stream.linear.gather [hbm4b:s20+s19], $0x2710, $0x38;
	[tilespmem:$0x1EA00] =	vst v63  }
0x3a: {  	_ =	swait.ge [sflag:s18], $0x2710  }
0x3b: {  	[sflag:s18] =	ssyncset.done $0x0  }
0x3c: {  	s28 =	simm.s32 $0x16880;
	s26 =	rddreg [dreg:$0x7];
	[sflag:s18] =	ssyncadd.s32 $0xFFFFD8F0  }
0x3d: {  	[tilespmem:s28], [sflag:$0x7] =	stream.linear.gather [hbm4b:s26+s19], $0x80, $0x38;
	[tilespmem:$0x1EA00] =	vst v63  }
0x3e: {  	_ =	swait.ge [sflag:s18], $0x80  }
0x3f: {  	[sflag:s18] =	ssyncset.done $0x0  }
0x40: {  	s20 =	simm.s32 $0xA040;
	[sflag:s18] =	ssyncadd.s32 $0xFFFFFF80  }
0x41: {  	v4 =	vld [tilespmem:$0x16880];
	[tilespmem:s20+$0xFFFFFFC0] =	vst v0  }
0x42: {  	[tilespmem:s20+$0x30] =	vst v0  }
0x43: {  	[tilespmem:s20+$0x20] =	vst v0  }
0x44: {  	[tilespmem:s20+$0x10] =	vst v0  }
0x45: {  	[tilespmem:s20+$0x0] =	vst v0  }
0x46: {  	[tilespmem:s20+$0xFFFFFFF0] =	vst v0  }
0x47: {  	s26 =	simm.s32 $0x0;
	[tilespmem:s20+$0xFFFFFFE0] =	vst v0  }
.LBB2_2:
0x48: {  	s26 =	sadd.s32 $0x8, s26;
	[tilespmem:s20+$0xFFFFFFD0] =	vst v0;
	s20 =	sadd.s32 $0x80, s20;
	s19 =	simm.s32 $0x16040  }
0x49: {  	[tilespmem:s20+$0xFFFFFFC0] =	vst v0;
	p1 =	slt.u32 s26, $0x3F8  }
0x4a: {  	[tilespmem:s20+$0x30] =	vst v0  }
.Ltmp2:
0x4b: {  	[tilespmem:s20+$0x20] =	vst v0;
	(pc) =	sbr.rel @p1 .LBB2_2-.Ltmp2, $4  }
0x4c: {  	[tilespmem:s20+$0x10] =	vst v0  }
0x4d: {  	[tilespmem:s20+$0x0] =	vst v0  }
0x4e: {  	[tilespmem:s20+$0xFFFFFFF0] =	vst v0  }
0x4f: {  	[tilespmem:s20+$0xFFFFFFE0] =	vst v0  }
0x50: {  	[tilespmem:s20+$0xFFFFFFD0] =	vst v0  }
0x51: {  	[tilespmem:s19+$0xFFFFFFC0] =	vst v0  }
0x52: {  	[tilespmem:s19+$0x30] =	vst v0  }
0x53: {  	[tilespmem:s19+$0x20] =	vst v0  }
0x54: {  	[tilespmem:s19+$0x10] =	vst v0  }
0x55: {  	[tilespmem:s19+$0x0] =	vst v0  }
0x56: {  	[tilespmem:s19+$0xFFFFFFF0] =	vst v0  }
0x57: {  	s20 =	simm.s32 $0x0;
	[tilespmem:s19+$0xFFFFFFE0] =	vst v0  }
.LBB2_4:
0x58: {  	s20 =	sadd.s32 $0x8, s20;
	[tilespmem:s19+$0xFFFFFFD0] =	vst v0;
	s19 =	sadd.s32 $0x80, s19  }
0x59: {  	[tilespmem:s19+$0xFFFFFFC0] =	vst v0;
	p1 =	slt.u32 s20, $0x78  }
0x5a: {  	[tilespmem:s19+$0x30] =	vst v0  }
.Ltmp3:
0x5b: {  	[tilespmem:s19+$0x20] =	vst v0;
	(pc) =	sbr.rel @p1 .LBB2_4-.Ltmp3, $4  }
0x5c: {  	[tilespmem:s19+$0x10] =	vst v0  }
0x5d: {  	[tilespmem:s19+$0x0] =	vst v0  }
0x5e: {  	[tilespmem:s19+$0xFFFFFFF0] =	vst v0  }
0x5f: {  	[tilespmem:s19+$0xFFFFFFE0] =	vst v0  }
0x60: {  	[tilespmem:s19+$0xFFFFFFD0] =	vst v0  }
0x61: {  	s4 =	rddreg [dreg:$0x8];
	[tilespmem:$0x16800] =	vst v0  }
0x62: {  	[spmem:s4] =	stream.linear.scatter [tilespmem:s21], [sflag:$0x7], $0x4000, $0x38;
	[tilespmem:$0x1EA00] =	vst v63  }
0x63: {  	_ =	swait.ge [sflag:s18], $0x4000  }
0x64: {  	[sflag:s18] =	ssyncset.done $0x0  }
0x65: {  	s19 =	rddreg [dreg:$0x9];
	[sflag:s18] =	ssyncadd.s32 $0xFFFFC000  }
0x66: {  	[spmem:s19] =	stream.linear.scatter [tilespmem:s21], [sflag:$0x7], $0x80, $0x38;
	[tilespmem:$0x1EA00] =	vst v63  }
0x67: {  	_ =	swait.ge [sflag:s18], $0x80  }
0x68: {  	[sflag:s18] =	ssyncset.done $0x0  }
0x69: {  	s20 =	rddreg [dreg:$0xa];
	[sflag:s18] =	ssyncadd.s32 $0xFFFFFF80  }
0x6a: {  	[spmem:s20] =	stream.linear.scatter [tilespmem:s21], [sflag:$0x7], $0x4000, $0x38;
	[tilespmem:$0x1EA00] =	vst v63  }
0x6b: {  	_ =	swait.ge [sflag:s18], $0x4000  }
0x6c: {  	[sflag:s18] =	ssyncset.done $0x0  }
0x6d: {  	s26 =	rddreg [dreg:$0xb];
	[sflag:s18] =	ssyncadd.s32 $0xFFFFC000  }
0x6e: {  	[spmem:s26] =	stream.linear.scatter [tilespmem:s21], [sflag:$0x7], $0x80, $0x38;
	[tilespmem:$0x1EA00] =	vst v63  }
0x6f: {  	_ =	swait.ge [sflag:s18], $0x80  }
0x70: {  	[sflag:s18] =	ssyncset.done $0x0  }
0x71: {  	[sflag:s18] =	ssyncadd.s32 $0xFFFFFF80  }
0x72: {  	s4 =	simm.s32 $0x27A0;
	[bflag:$0x0] =	sbarrier.arrive $0xFFFF  }
0x73: {  	v5 =	vld [tilespmem:s4+$0xFFFFFFE0]  }
0x74: {  	s19 =	simm.s32 $0x20  }
0x75: {  	v6 =	vld [tilespmem:s19+$0xFFFFFFE0];
	_ =	sdelay $0x2  }
0x76: {  	v5 =	vsub.s32 v5, v4  }
0x77: {  	s20 =	simm.s32 $0x0;
	vm1 =	vlt.u32 v5, $0x800  }
0x78: {  	v5 =	vmin.u32 v5, $0x800;
	[tilespmem:s20+$0x4F00] =	vst.msk vm1, v6;
	v6 =	vsel vm1, $0x1, v1  }
0x79: {  	[tilespmem:s20+$0x7780] =	vst.msk vm1, v5;
	(xrf0) =	vadd.scan.msk.s32 $0xffff, v6  }
0x7a: {  	v5 =	vld [tilespmem:s4+$0xFFFFFFF0];
	_ =	sdelay $0x4  }
0x7b: {  	v5 =	vsub.s32 v5, v4;
	v6, _, _ =	vpop (xrf0)  }
0x7c: {  	vm1 =	vlt.u32 v5, $0x800;
	(v2sf) =	vpush v6, $0xF  }
0x7d: {  	v6 =	vsel vm1, $0x1, v1  }
0x7e: {  	(xrf0) =	vadd.scan.msk.s32 $0xffff, v6;
	_ =	sdelay $0x5  }
0x7f: {  	v6, _, _ =	vpop (xrf0)  }
0x80: {  	(v2sf) =	vpush v6, $0xF;
	_ =	sdelay $0x2  }
0x81: {  	v6 =	vld [tilespmem:s19+$0xFFFFFFF0];
	_ =	sdelay $0x2  }
0x82: {  	s8 =	spop (v2sf)  }
0x83: {  	s20 =	sadd.s32 $0x0, s8  }
0x84: {  	v5 =	vmin.u32 v5, $0x800;
	[tilespmem:s20+$0x4F00] =	vst.msk vm1, v6  }
0x85: {  	[tilespmem:s20+$0x7780] =	vst.msk vm1, v5  }
0x86: {  	v5 =	vld [tilespmem:s4+$0x0];
	_ =	sdelay $0x1  }
0x87: {  	v6 =	vld [tilespmem:s19+$0x0];
	_ =	sdelay $0x2  }
0x88: {  	v5 =	vsub.s32 v5, v4;
	s26 =	spop (v2sf)  }
0x89: {  	s20 =	sadd.s32 s20, s26;
	vm1 =	vlt.u32 v5, $0x800  }
0x8a: {  	v5 =	vmin.u32 v5, $0x800;
	[tilespmem:s20+$0x4F00] =	vst.msk vm1, v6;
	v6 =	vsel vm1, $0x1, v1  }
0x8b: {  	[tilespmem:s20+$0x7780] =	vst.msk vm1, v5;
	(xrf0) =	vadd.scan.msk.s32 $0xffff, v6  }
0x8c: {  	v5 =	vld [tilespmem:s4+$0x10];
	_ =	sdelay $0x4  }
0x8d: {  	v5 =	vsub.s32 v5, v4;
	v6, _, _ =	vpop (xrf0)  }
0x8e: {  	vm1 =	vlt.u32 v5, $0x800;
	(v2sf) =	vpush v6, $0xF  }
0x8f: {  	v6 =	vsel vm1, $0x1, v1  }
0x90: {  	(xrf0) =	vadd.scan.msk.s32 $0xffff, v6;
	_ =	sdelay $0x5  }
0x91: {  	v6, _, _ =	vpop (xrf0)  }
0x92: {  	(v2sf) =	vpush v6, $0xF;
	_ =	sdelay $0x2  }
0x93: {  	v6 =	vld [tilespmem:s19+$0x10];
	_ =	sdelay $0x2  }
0x94: {  	s26 =	spop (v2sf)  }
0x95: {  	s20 =	sadd.s32 s20, s26  }
0x96: {  	v5 =	vmin.u32 v5, $0x800;
	[tilespmem:s20+$0x4F00] =	vst.msk vm1, v6  }
0x97: {  	s28 =	simm.s32 $0x27E0;
	[tilespmem:s20+$0x7780] =	vst.msk vm1, v5  }
0x98: {  	v6 =	vld [tilespmem:s28+$0xFFFFFFE0]  }
0x99: {  	s26 =	simm.s32 $0x60  }
0x9a: {  	v5 =	vld [tilespmem:s26+$0xFFFFFFE0];
	_ =	sdelay $0x2  }
0x9b: {  	s19 =	simm.s32 $0x4;
	v6 =	vsub.s32 v6, v4;
	s4 =	spop (v2sf)  }
.LBB2_6:
0x9c: {  	s19 =	sadd.s32 $0x4, s19;
	vm1 =	vlt.u32 v6, $0x800;
	s4 =	sadd.s32 s20, s4  }
0x9d: {  	v6 =	vmin.u32 v6, $0x800;
	p1 =	slt.u32 s19, $0x26C;
	[tilespmem:s4+$0x4F00] =	vst.msk vm1, v5;
	v5 =	vsel vm1, $0x1, v1  }
0x9e: {  	[tilespmem:s4+$0x7780] =	vst.msk vm1, v6;
	(xrf0) =	vadd.scan.msk.s32 $0xffff, v5  }
0x9f: {  	v5 =	vld [tilespmem:s28+$0xFFFFFFF0];
	_ =	sdelay $0x4  }
0xa0: {  	v5 =	vsub.s32 v5, v4;
	v6, _, _ =	vpop (xrf0)  }
0xa1: {  	vm1 =	vlt.u32 v5, $0x800;
	(v2sf) =	vpush v6, $0xF  }
0xa2: {  	v6 =	vsel vm1, $0x1, v1  }
0xa3: {  	(xrf0) =	vadd.scan.msk.s32 $0xffff, v6;
	_ =	sdelay $0x5  }
0xa4: {  	v6, _, _ =	vpop (xrf0)  }
0xa5: {  	(v2sf) =	vpush v6, $0xF;
	_ =	sdelay $0x2  }
0xa6: {  	v6 =	vld [tilespmem:s26+$0xFFFFFFF0];
	_ =	sdelay $0x2  }
0xa7: {  	s20 =	spop (v2sf)  }
0xa8: {  	s4 =	sadd.s32 s4, s20  }
0xa9: {  	v5 =	vmin.u32 v5, $0x800;
	[tilespmem:s4+$0x4F00] =	vst.msk vm1, v6  }
0xaa: {  	[tilespmem:s4+$0x7780] =	vst.msk vm1, v5  }
0xab: {  	v5 =	vld [tilespmem:s28+$0x0];
	_ =	sdelay $0x1  }
0xac: {  	v6 =	vld [tilespmem:s26+$0x0];
	_ =	sdelay $0x2  }
0xad: {  	v5 =	vsub.s32 v5, v4;
	s20 =	spop (v2sf)  }
0xae: {  	s4 =	sadd.s32 s4, s20;
	vm1 =	vlt.u32 v5, $0x800  }
0xaf: {  	v5 =	vmin.u32 v5, $0x800;
	[tilespmem:s4+$0x4F00] =	vst.msk vm1, v6;
	v6 =	vsel vm1, $0x1, v1  }
0xb0: {  	[tilespmem:s4+$0x7780] =	vst.msk vm1, v5;
	(xrf0) =	vadd.scan.msk.s32 $0xffff, v6  }
0xb1: {  	v5 =	vld [tilespmem:s28+$0x10]  }
0xb2: {  	v6 =	vld [tilespmem:s26+$0x10];
	_ =	sdelay $0x3  }
0xb3: {  	v5 =	vsub.s32 v5, v4;
	v7, _, _ =	vpop (xrf0)  }
0xb4: {  	vm1 =	vlt.u32 v5, $0x800;
	(v2sf) =	vpush v7, $0xF  }
0xb5: {  	v7 =	vsel vm1, $0x1, v1  }
0xb6: {  	(xrf0) =	vadd.scan.msk.s32 $0xffff, v7;
	_ =	sdelay $0x5  }
0xb7: {  	v7, _, _ =	vpop (xrf0)  }
0xb8: {  	(v2sf) =	vpush v7, $0xF;
	_ =	sdelay $0x5  }
0xb9: {  	s20 =	spop (v2sf)  }
0xba: {  	s20 =	sadd.s32 s4, s20  }
0xbb: {  	v5 =	vmin.u32 v5, $0x800;
	[tilespmem:s20+$0x4F00] =	vst.msk vm1, v6  }
0xbc: {  	s28 =	sadd.s32 $0x40, s28;
	[tilespmem:s20+$0x7780] =	vst.msk vm1, v5  }
0xbd: {  	v6 =	vld [tilespmem:s28+$0xFFFFFFE0]  }
.Ltmp4:
0xbe: {  	s26 =	sadd.s32 $0x40, s26;
	(pc) =	sbr.rel @p1 .LBB2_6-.Ltmp4, $2  }
0xbf: {  	v5 =	vld [tilespmem:s26+$0xFFFFFFE0];
	_ =	sdelay $0x2  }
0xc0: {  	v6 =	vsub.s32 v6, v4;
	s4 =	spop (v2sf)  }
0xc1: {  	vm1 =	vlt.u32 v6, $0x800  }
0xc2: {  	v7 =	vsel vm1, $0x1, v1  }
0xc3: {  	(xrf0) =	vadd.scan.msk.s32 $0xffff, v7;
	_ =	sdelay $0x5  }
0xc4: {  	v7, _, _ =	vpop (xrf0)  }
0xc5: {  	(v2sf) =	vpush v7, $0xF;
	_ =	sdelay $0x6  }
0xc6: {  	s4 =	sadd.s32 s20, s4  }
0xc7: {  	v58 =	vmin.u32 v6, $0x800;
	[tilespmem:s4+$0x4F00] =	vst.msk vm1, v5  }
0xc8: {  	[tilespmem:s4+$0x7780] =	vst.msk vm1, v58  }
0xc9: {  	v5 =	vld [tilespmem:s28+$0xFFFFFFF0];
	_ =	sdelay $0x1  }
0xca: {  	v6 =	vld [tilespmem:s26+$0xFFFFFFF0];
	_ =	sdelay $0x2  }
0xcb: {  	v5 =	vsub.s32 v5, v4;
	s19 =	spop (v2sf)  }
0xcc: {  	vm1 =	vlt.u32 v5, $0x800;
	s4 =	sadd.s32 s4, s19  }
0xcd: {  	v5 =	vmin.u32 v5, $0x800;
	v59 =	vsel vm1, $0x1, v1;
	[tilespmem:s4+$0x4F00] =	vst.msk vm1, v6  }
0xce: {  	(xrf0) =	vadd.scan.msk.s32 $0xffff, v59;
	[tilespmem:s4+$0x7780] =	vst.msk vm1, v5  }
0xcf: {  	v5 =	vld [tilespmem:s28+$0x0];
	_ =	sdelay $0x4  }
0xd0: {  	v60, _, _ =	vpop (xrf0);
	v5 =	vsub.s32 v5, v4  }
0xd1: {  	(v2sf) =	vpush v60, $0xF;
	vm1 =	vlt.u32 v5, $0x800  }
0xd2: {  	v61 =	vsel vm1, $0x1, v1  }
0xd3: {  	(xrf0) =	vadd.scan.msk.s32 $0xffff, v61;
	_ =	sdelay $0x5  }
0xd4: {  	v6, _, _ =	vpop (xrf0)  }
0xd5: {  	(v2sf) =	vpush v6, $0xF;
	_ =	sdelay $0x2  }
0xd6: {  	v62 =	vld [tilespmem:s26+$0x0];
	_ =	sdelay $0x2  }
0xd7: {  	s20 =	spop (v2sf)  }
0xd8: {  	s4 =	sadd.s32 s4, s20  }
0xd9: {  	v5 =	vmin.u32 v5, $0x800;
	[tilespmem:s4+$0x4F00] =	vst.msk vm1, v62  }
0xda: {  	[tilespmem:s4+$0x7780] =	vst.msk vm1, v5  }
0xdb: {  	v5 =	vld [tilespmem:s28+$0x10];
	_ =	sdelay $0x1  }
0xdc: {  	v6 =	vld [tilespmem:s26+$0x10];
	_ =	sdelay $0x2  }
0xdd: {  	v5 =	vsub.s32 v5, v4;
	s8 =	spop (v2sf)  }
0xde: {  	vm1 =	vlt.u32 v5, $0x800;
	s4 =	sadd.s32 s4, s8  }
0xdf: {  	v5 =	vmin.u32 v5, $0x800;
	[tilespmem:s4+$0x4F00] =	vst.msk vm1, v6  }
0xe0: {  	[tilespmem:s4+$0x7780] =	vst.msk vm1, v5  }
0xe1: {  	v5 =	vld [tilespmem:$0x4E80];
	_ =	sdelay $0x4  }
0xe2: {  	v63 =	vsel vm1, $0x1, v1;
	v4 =	vsub.s32 v5, v4  }
0xe3: {  	(xrf0) =	vadd.scan.msk.s32 $0xffff, v63;
	vm1 =	vlt.u32 v4, $0x800  }
0xe4: {  	v5 =	vsel vm1, $0x1, v1  }
0xe5: {  	(xrf0) =	vadd.scan.msk.s32 $0xffff, v5;
	_ =	sdelay $0x3  }
0xe6: {  	v5, _, _ =	vpop (xrf0)  }
0xe7: {  	(v2sf) =	vpush v5, $0xF  }
0xe8: {  	v5, _, _ =	vpop (xrf0)  }
0xe9: {  	(v2sf) =	vpush v5, $0xF;
	_ =	sdelay $0x9  }
0xea: {  	v5 =	vld [tilespmem:$0x2700];
	_ =	sdelay $0x2  }
0xeb: {  	s20 =	spop (v2sf)  }
0xec: {  	s4 =	sadd.s32 s4, s20  }
0xed: {  	v4 =	vmin.u32 v4, $0x800;
	[tilespmem:s4+$0x4F00] =	vst.msk vm1, v5;
	s26 =	spop (v2sf)  }
0xee: {  	[tilespmem:s4+$0x7780] =	vst.msk vm1, v4;
	s19 =	sadd.s32 s4, s26  }
0xef: {  	[tilespmem:s19+$0x4F00] =	vst v1  }
0xf0: {  	[tilespmem:s19+$0x7780] =	vst v2  }
0xf1: {  	[tilespmem:s19+$0x4F10] =	vst v1  }
0xf2: {  	[tilespmem:s19+$0x7790] =	vst v2;
	s4 =	sadd.s32 $0xF, s19  }
0xf3: {  	[tilespmem:s19+$0x4F20] =	vst v1;
	s28 =	sand.u32 $0xF, s4  }
0xf4: {  	[tilespmem:s19+$0x77A0] =	vst v2;
	s8 =	sshra.s32 s4, $0x1F;
	p1 =	slt.s32 s4, $0x1;
	p2 =	sne.s32 s28, $0x0  }
0xf5: {  	[tilespmem:s19+$0x4F30] =	vst v1;
	s28 =	sshrl.u32 s8, $0x1C;
	p1 =	por !p1, !p2  }
0xf6: {  	s20 =	simm.s32 $0x1;
	[tilespmem:s19+$0x77B0] =	vst v2;
	s4 =	sadd.s32 s28, s4;
	p1 =	por !p1, !p1  }
0xf7: {  	[tilespmem:s19+$0x4F40] =	vst v1;
	s4 =	sshra.s32 s4, $0x4;
	s20 =	simm.s32 @!p1 $0x0  }
0xf8: {  	[tilespmem:s19+$0x77C0] =	vst v2;
	s4 =	ssub.s32 s4, s20  }
0xf9: {  	[tilespmem:s19+$0x4F50] =	vst v1;
	p1 =	slt.s32 s4, $0x1  }
.Ltmp5:
0xfa: {  	[tilespmem:s19+$0x77D0] =	vst v2;
	(pc) =	sbr.rel @p1 .LBB2_11-.Ltmp5, $4  }
0xfb: {  	[tilespmem:s19+$0x4F60] =	vst v1  }
0xfc: {  	[tilespmem:s19+$0x77E0] =	vst v2  }
0xfd: {  	[tilespmem:s19+$0x4F70] =	vst v1  }
0xfe: {  	[tilespmem:s19+$0x77F0] =	vst v2;
	s20 =	simm.s32 $0x7780  }
0xff: {  	p1 =	sne.s32 s4, $0x1  }
.Ltmp6:
0x100: {  	_ = 	snop;
	(pc) =	sbr.rel @!p1 .LBB2_10-.Ltmp6, $2  }
0x101: {  	_ =	sdelay $0x2  }
0x102: {  	v4 =	vld [tilespmem:s20+$0x0];
	s26 =	sadd.s32 $0xFFFFFFFF, s4  }
.LBB2_9:
0x103: {  	p1 =	sne.s32 s26, $0x1;
	_ =	sdelay $0x3  }
.Ltmp7:
0x104: {  	(pc) =	sbr.rel @p1 .LBB2_9-.Ltmp7, $3  }
0x105: {  	_ =	sdelay $0x1  }
0x106: {  	s20 =	sadd.s32 $0x10, s20;
	[tilespmem:v4+s23+$0x0] =	vst.idx.add.f32.msk $0xffff, v3  }
0x107: {  	s26 =	sadd.s32 $0xFFFFFFFF, s26;
	v4 =	vld [tilespmem:s20+$0x0]  }
.LBB2_10:
0x108: {  	_ =	sdelay $0x7  }
0x109: {  	[tilespmem:v4+s23+$0x0] =	vst.idx.add.f32.msk $0xffff, v3  }
.LBB2_11:
0x10a: {  	s4 =	sadd.s32 $0x7F, s19  }
0x10b: {  	s19 =	sand.u32 $0x7F, s4  }
0x10c: {  	s20 =	sshra.s32 s4, $0x1F;
	p1 =	slt.s32 s4, $0x1;
	p2 =	sne.s32 s19, $0x0  }
0x10d: {  	s28 =	sshrl.u32 s20, $0x19;
	p1 =	por !p1, !p2  }
0x10e: {  	s19 =	simm.s32 $0x1;
	s4 =	sadd.s32 s28, s4;
	p1 =	por !p1, !p1  }
0x10f: {  	s4 =	sshra.s32 s4, $0x7;
	s19 =	simm.s32 @!p1 $0x0  }
0x110: {  	s26 =	ssub.s32 s4, s19  }
0x111: {  	p1 =	slt.s32 s26, $0x1  }
.Ltmp8:
0x112: {  	_ = 	snop;
	(pc) =	sbr.rel @p1 .LBB2_21-.Ltmp8, $1  }
0x113: {  	_ =	sdelay $0x3  }
0x114: {  	p2 =	seq.s32 s26, $0x1  }
.Ltmp9:
0x115: {  	_ = 	snop;
	(pc) =	sbr.rel @p2 .LBB2_14-.Ltmp9, $4  }
0x116: {  	_ = 	snop  }
0x117: {  	s4 =	rddreg @p0 [dreg:$0x1]  }
0x118: {  	s8 =	simm.s32 $0x80;
	s19 =	simm.s32 $0x4F00;
	s4 =	rddreg @!p0 [dreg:$0x6]  }
0x119: {  	[tilespmem:s21], [sflag:$0x1] =	stream.indirect.gather [hbm4b:s4+s8], $0x80, s19, s8, $0xb8;
	[tilespmem:$0x1EA00] =	vst v63  }
0x11a: {  	s8 =	simm.s32 $0x80;
	s19 =	simm.s32 $0x4F80  }
0x11b: {  	[tilespmem:s7], [sflag:$0x2] =	stream.indirect.gather [hbm4b:s4+s8], $0x80, s19, s8, $0xb8;
	[tilespmem:$0x1EA00] =	vst v63  }
.LBB2_14:
.Ltmp10:
0x11c: {  	(pc) =	sbr.rel .LBB2_15-.Ltmp10, $2  }
0x11d: {  	_ =	sdelay $0x2  }
0x11e: {  	s19 =	simm.s32 $0x0;
	s28 =	simm.s32 $0x5000;
	s20 =	simm.s32 $0x77C0  }
.LBB2_19:
0x11f: {  	_ =	swait.ge [sflag:s29], $0x4000  }
0x120: {  	[sflag:s29] =	ssyncset.done $0x0  }
0x121: {  	[sflag:s29] =	ssyncadd.s32 $0xFFFFC000  }
0x122: {  	s4 =	sadd.s32 $0x2, s19;
	_ =	swait.ge [sflag:s30], $0x4000  }
0x123: {  	p2 =	sge.s32 s4, s26;
	[sflag:s30] =	ssyncset.done $0x0  }
0x124: {  	s4 =	simm.s32 @!p2 $0x80;
	s8 =	simm.s32 @!p2 $0xE000;
	[sflag:s30] =	ssyncadd.s32 $0xFFFFC000  }
0x125: {  	[tilespmem:s8], [sflag:$0x2] =	stream.indirect.gather @!p2 [hbm4b:s16+s4], $0x80, s28, s4, $0xb8;
	[tilespmem:$0x1EA00] =	vst v63  }
0x126: {  	v4 =	vld [tilespmem:s20+$0xFFFFFFC0];
	_ =	sdelay $0x6  }
0x127: {  	s8 =	simm.s32 $0x12000  }
0x128: {  	[spmem:s2] =	stream.indirect_vreg.scatter.add.f32 [tilespmem:s8], [sflag:$0x6], $0x80, v4, vm0, $0xb8;
	[tilespmem:$0x1EA00] =	vst v63  }
0x129: {  	v4 =	vld [tilespmem:s20+$0xFFFFFFD0];
	_ =	sdelay $0x6  }
0x12a: {  	s8 =	simm.s32 $0x12800  }
0x12b: {  	[spmem:s2] =	stream.indirect_vreg.scatter.add.f32 [tilespmem:s8], [sflag:$0x6], $0x80, v4, vm0, $0xb8;
	[tilespmem:$0x1EA00] =	vst v63  }
0x12c: {  	v4 =	vld [tilespmem:s20+$0xFFFFFFE0];
	_ =	sdelay $0x6  }
0x12d: {  	s8 =	simm.s32 $0x13000  }
0x12e: {  	[spmem:s2] =	stream.indirect_vreg.scatter.add.f32 [tilespmem:s8], [sflag:$0x6], $0x80, v4, vm0, $0xb8;
	[tilespmem:$0x1EA00] =	vst v63  }
0x12f: {  	v4 =	vld [tilespmem:s20+$0xFFFFFFF0];
	_ =	sdelay $0x6  }
0x130: {  	s8 =	simm.s32 $0x13800  }
0x131: {  	[spmem:s2] =	stream.indirect_vreg.scatter.add.f32 [tilespmem:s8], [sflag:$0x6], $0x80, v4, vm0, $0xb8;
	[tilespmem:$0x1EA00] =	vst v63  }
0x132: {  	v4 =	vld [tilespmem:s20+$0x0];
	_ =	sdelay $0x6  }
0x133: {  	s8 =	simm.s32 $0x14000  }
0x134: {  	[spmem:s2] =	stream.indirect_vreg.scatter.add.f32 [tilespmem:s8], [sflag:$0x6], $0x80, v4, vm0, $0xb8;
	[tilespmem:$0x1EA00] =	vst v63  }
0x135: {  	v4 =	vld [tilespmem:s20+$0x10];
	_ =	sdelay $0x6  }
0x136: {  	s8 =	simm.s32 $0x14800  }
0x137: {  	[spmem:s2] =	stream.indirect_vreg.scatter.add.f32 [tilespmem:s8], [sflag:$0x6], $0x80, v4, vm0, $0xb8;
	[tilespmem:$0x1EA00] =	vst v63  }
0x138: {  	v4 =	vld [tilespmem:s20+$0x20];
	_ =	sdelay $0x6  }
0x139: {  	s8 =	simm.s32 $0x15000  }
0x13a: {  	[spmem:s2] =	stream.indirect_vreg.scatter.add.f32 [tilespmem:s8], [sflag:$0x6], $0x80, v4, vm0, $0xb8;
	[tilespmem:$0x1EA00] =	vst v63  }
0x13b: {  	v4 =	vld [tilespmem:s20+$0x30];
	_ =	sdelay $0x6  }
0x13c: {  	s8 =	simm.s32 $0x15800  }
0x13d: {  	[spmem:s2] =	stream.indirect_vreg.scatter.add.f32 [tilespmem:s8], [sflag:$0x6], $0x80, v4, vm0, $0xb8;
	[tilespmem:$0x1EA00] =	vst v63  }
.LBB2_20:
0x13e: {  	s19 =	sadd.s32 $0x1, s19  }
0x13f: {  	p2 =	sne.s32 s26, s19  }
.Ltmp11:
0x140: {  	_ = 	snop;
	(pc) =	sbr.rel @!p2 .LBB2_21-.Ltmp11, $2  }
0x141: {  	_ =	sdelay $0x2  }
0x142: {  	s28 =	sadd.s32 $0x80, s28;
	s20 =	sadd.s32 $0x80, s20  }
.LBB2_15:
0x143: {  	s4 =	smulhi.u32 $0xAAAAAAAB, s19;
	_ =	sdelay $0x1  }
0x144: {  	s4 =	sshrl.u32 s4, $0x1  }
0x145: {  	s4 =	smul.u32 $0xFFFFFFFD, s4;
	_ =	sdelay $0x1  }
0x146: {  	s4 =	sadd.s32 s4, s19  }
0x147: {  	p2 =	seq.s32 s4, $0x2  }
.Ltmp12:
0x148: {  	_ = 	snop;
	(pc) =	sbr.rel @p2 .LBB2_19-.Ltmp12, $1  }
0x149: {  	_ =	sdelay $0x3  }
0x14a: {  	p2 =	seq.s32 s4, $0x1  }
.Ltmp13:
0x14b: {  	_ = 	snop;
	(pc) =	sbr.rel @!p2 .LBB2_17-.Ltmp13, $1  }
0x14c: {  	_ =	sdelay $0x3  }
0x14d: {  	_ =	swait.ge [sflag:s5], $0x4000  }
0x14e: {  	[sflag:s5] =	ssyncset.done $0x0  }
0x14f: {  	[sflag:s5] =	ssyncadd.s32 $0xFFFFC000  }
0x150: {  	s4 =	sadd.s32 $0x2, s19;
	_ =	swait.ge [sflag:s6], $0x4000  }
0x151: {  	p2 =	sge.s32 s4, s26;
	[sflag:s6] =	ssyncset.done $0x0  }
0x152: {  	s4 =	simm.s32 @!p2 $0x80;
	s8 =	simm.s32 @!p2 $0xA000;
	[sflag:s6] =	ssyncadd.s32 $0xFFFFC000  }
0x153: {  	[tilespmem:s8], [sflag:$0x1] =	stream.indirect.gather @!p2 [hbm4b:s16+s4], $0x80, s28, s4, $0xb8;
	[tilespmem:$0x1EA00] =	vst v63  }
0x154: {  	v4 =	vld [tilespmem:s20+$0xFFFFFFC0];
	_ =	sdelay $0x7  }
0x155: {  	[spmem:s2] =	stream.indirect_vreg.scatter.add.f32 [tilespmem:s7], [sflag:$0x5], $0x80, v4, vm0, $0xb8;
	[tilespmem:$0x1EA00] =	vst v63  }
0x156: {  	v4 =	vld [tilespmem:s20+$0xFFFFFFD0];
	_ =	sdelay $0x6  }
0x157: {  	s8 =	simm.s32 $0xE800  }
0x158: {  	[spmem:s2] =	stream.indirect_vreg.scatter.add.f32 [tilespmem:s8], [sflag:$0x5], $0x80, v4, vm0, $0xb8;
	[tilespmem:$0x1EA00] =	vst v63  }
0x159: {  	v4 =	vld [tilespmem:s20+$0xFFFFFFE0];
	_ =	sdelay $0x7  }
0x15a: {  	[spmem:s2] =	stream.indirect_vreg.scatter.add.f32 [tilespmem:s9], [sflag:$0x5], $0x80, v4, vm0, $0xb8;
	[tilespmem:$0x1EA00] =	vst v63  }
0x15b: {  	v4 =	vld [tilespmem:s20+$0xFFFFFFF0];
	_ =	sdelay $0x7  }
0x15c: {  	[spmem:s2] =	stream.indirect_vreg.scatter.add.f32 [tilespmem:s10], [sflag:$0x5], $0x80, v4, vm0, $0xb8;
	[tilespmem:$0x1EA00] =	vst v63  }
0x15d: {  	v4 =	vld [tilespmem:s20+$0x0];
	_ =	sdelay $0x7  }
0x15e: {  	[spmem:s2] =	stream.indirect_vreg.scatter.add.f32 [tilespmem:s11], [sflag:$0x5], $0x80, v4, vm0, $0xb8;
	[tilespmem:$0x1EA00] =	vst v63  }
0x15f: {  	v4 =	vld [tilespmem:s20+$0x10];
	_ =	sdelay $0x7  }
0x160: {  	[spmem:s2] =	stream.indirect_vreg.scatter.add.f32 [tilespmem:s12], [sflag:$0x5], $0x80, v4, vm0, $0xb8;
	[tilespmem:$0x1EA00] =	vst v63  }
0x161: {  	v4 =	vld [tilespmem:s20+$0x20];
	_ =	sdelay $0x7  }
0x162: {  	[spmem:s2] =	stream.indirect_vreg.scatter.add.f32 [tilespmem:s13], [sflag:$0x5], $0x80, v4, vm0, $0xb8;
	[tilespmem:$0x1EA00] =	vst v63  }
0x163: {  	v4 =	vld [tilespmem:s20+$0x30];
	_ =	sdelay $0x3  }
.Ltmp14:
0x164: {  	_ = 	snop;
	(pc) =	sbr.rel .LBB2_20-.Ltmp14, $2  }
0x165: {  	_ =	sdelay $0x2  }
0x166: {  	[spmem:s2] =	stream.indirect_vreg.scatter.add.f32 [tilespmem:s14], [sflag:$0x5], $0x80, v4, vm0, $0xb8;
	[tilespmem:$0x1EA00] =	vst v63  }
.LBB2_17:
0x167: {  	_ =	swait.ge [sflag:s22], $0x4000  }
0x168: {  	p2 =	seq.s32 s19, $0x0;
	[sflag:s22] =	ssyncset.done $0x0  }
0x169: {  	s4 =	simm.s32 @!p2 $0x6;
	[sflag:s22] =	ssyncadd.s32 $0xFFFFC000  }
0x16a: {  	s8 =	sadd.s32 $0x2, s19;
	_ =	swait.ge @!p2 [sflag:s4], $0x4000  }
0x16b: {  	p3 =	sge.s32 s8, s26;
	[sflag:s4] =	ssyncset.done @!p2 $0x0  }
0x16c: {  	s8 =	simm.s32 @!p3 $0x12000;
	[sflag:s4] =	ssyncadd.s32 @!p2 $0xFFFFC000;
	s4 =	simm.s32 @!p3 $0x80  }
0x16d: {  	[tilespmem:s8], [sflag:$0x3] =	stream.indirect.gather @!p3 [hbm4b:s16+s4], $0x80, s28, s4, $0xb8;
	[tilespmem:$0x1EA00] =	vst v63  }
0x16e: {  	v4 =	vld [tilespmem:s20+$0xFFFFFFC0];
	_ =	sdelay $0x7  }
0x16f: {  	[spmem:s2] =	stream.indirect_vreg.scatter.add.f32 [tilespmem:s21], [sflag:$0x4], $0x80, v4, vm0, $0xb8;
	[tilespmem:$0x1EA00] =	vst v63  }
0x170: {  	v4 =	vld [tilespmem:s20+$0xFFFFFFD0];
	_ =	sdelay $0x7  }
0x171: {  	[spmem:s2] =	stream.indirect_vreg.scatter.add.f32 [tilespmem:s17], [sflag:$0x4], $0x80, v4, vm0, $0xb8;
	[tilespmem:$0x1EA00] =	vst v63  }
0x172: {  	v4 =	vld [tilespmem:s20+$0xFFFFFFE0];
	_ =	sdelay $0x7  }
0x173: {  	[spmem:s2] =	stream.indirect_vreg.scatter.add.f32 [tilespmem:s24], [sflag:$0x4], $0x80, v4, vm0, $0xb8;
	[tilespmem:$0x1EA00] =	vst v63  }
0x174: {  	v4 =	vld [tilespmem:s20+$0xFFFFFFF0];
	_ =	sdelay $0x7  }
0x175: {  	[spmem:s2] =	stream.indirect_vreg.scatter.add.f32 [tilespmem:s25], [sflag:$0x4], $0x80, v4, vm0, $0xb8;
	[tilespmem:$0x1EA00] =	vst v63  }
0x176: {  	v4 =	vld [tilespmem:s20+$0x0];
	_ =	sdelay $0x7  }
0x177: {  	[spmem:s2] =	stream.indirect_vreg.scatter.add.f32 [tilespmem:s15], [sflag:$0x4], $0x80, v4, vm0, $0xb8;
	[tilespmem:$0x1EA00] =	vst v63  }
0x178: {  	v4 =	vld [tilespmem:s20+$0x10];
	_ =	sdelay $0x7  }
0x179: {  	[spmem:s2] =	stream.indirect_vreg.scatter.add.f32 [tilespmem:s3], [sflag:$0x4], $0x80, v4, vm0, $0xb8;
	[tilespmem:$0x1EA00] =	vst v63  }
0x17a: {  	v4 =	vld [tilespmem:s20+$0x20];
	_ =	sdelay $0x7  }
0x17b: {  	[spmem:s2] =	stream.indirect_vreg.scatter.add.f32 [tilespmem:s31], [sflag:$0x4], $0x80, v4, vm0, $0xb8;
	[tilespmem:$0x1EA00] =	vst v63  }
0x17c: {  	v4 =	vld [tilespmem:s20+$0x30];
	_ =	sdelay $0x3  }
.Ltmp15:
0x17d: {  	_ = 	snop;
	(pc) =	sbr.rel .LBB2_20-.Ltmp15, $2  }
0x17e: {  	_ =	sdelay $0x2  }
0x17f: {  	[spmem:s2] =	stream.indirect_vreg.scatter.add.f32 [tilespmem:s0], [sflag:$0x4], $0x80, v4, vm0, $0xb8;
	[tilespmem:$0x1EA00] =	vst v63  }
.LBB2_21:
0x180: {  	s4 =	sadd.s32 $0xFFFFFFFF, s26  }
0x181: {  	s8 =	smulhi.u32 $0x55555556, s4;
	s19 =	sshra.s32 s4, $0x1F  }
0x182: {  	s19 =	smul.u32 $0x55555556, s19;
	_ =	sdelay $0x1  }
0x183: {  	s8 =	sadd.s32 s19, s8  }
0x184: {  	s19 =	sshrl.u32 s8, $0x1F  }
0x185: {  	s8 =	sadd.s32 s19, s8  }
0x186: {  	s8 =	smul.u32 $0x3, s8;
	_ =	sdelay $0x1  }
0x187: {  	s4 =	ssub.s32 s4, s8  }
0x188: {  	p2 =	slt.s32 s4, $0x0;
	s8 =	sadd.s32 $0x3, s4  }
0x189: {  	s4 =	smov.u32 @p2 s8  }
0x18a: {  	p2 =	seq.s32 @!p1 s4, $0x0  }
0x18b: {  	p1 =	por p1, !p2  }
0x18c: {  	p2 =	slt.s32 @p1 s26, $0x1  }
0x18d: {  	p3 =	por p2, !p1  }
0x18e: {  	p3 =	seq.s32 @!p3 s4, $0x1  }
0x18f: {  	p2 =	por @p1 p2, !p3  }
0x190: {  	p2 =	por !p1, !p2  }
0x191: {  	p3 =	slt.s32 @!p2 s26, $0x1  }
0x192: {  	p4 =	por p3, p2  }
0x193: {  	p4 =	sne.s32 @!p4 s4, $0x2  }
0x194: {  	p3 =	por @!p2 p3, p4  }
0x195: {  	p3 =	por p2, !p3  }
.Ltmp16:
0x196: {  	_ = 	snop;
	(pc) =	sbr.rel @!p3 .LBB2_23-.Ltmp16, $1  }
0x197: {  	_ =	sdelay $0x3  }
0x198: {  	s4 =	simm.s32 $0x4  }
.Ltmp17:
0x199: {  	s4 =	simm.s32 @p1 $0x5;
	(pc) =	sbr.rel .LBB2_23-.Ltmp17, $4  }
0x19a: {  	s4 =	simm.s32 @!p2 $0x6  }
0x19b: {  	_ =	swait.ge [sflag:s4], $0x4000  }
0x19c: {  	[sflag:s4] =	ssyncset.done $0x0  }
0x19d: {  	[sflag:s4] =	ssyncadd.s32 $0xFFFFC000  }
.LBB2_24:
0x19e: {  	_ =	sfence.sel $0x180000  }
0x19f: {  	[bflag:$0x0] =	sbarrier.arrive $0xFFFF  }
0x1a0: {  	_ =	strace $0x9000004A  }
0x1a1: {  	s0 =	stileid.u32;
	[bflag:$0x2] =	sbarrier.arrive $0xFFFF  }
0x1a2: {  	p0 =	sne.s32 s0, $0x0;
	s0 =	rddreg [dreg:$0x5]  }
0x1a3: {  	s0 =	sadd.s32 @!p0 $0x100000, s0  }
0x1a4: {  	[sflag:s0] =	ssyncadd.tile.s32 @!p0 $0x1;
	_ =	shalt  }
.Lfunc_end2:
_tile_overlayer_lowered:
.L_overlay_start_2:
0x1a5: {  	(tag) =	ssettag $0x2  }
0x1a6: {  	s0 =	rddreg [dreg:$0x0];
	s2 =	stileid.u32  }
0x1a7: {  	s1 =	rddreg [dreg:$0x1];
	p0 =	sne.s32 s2, $0x0  }
0x1a8: {  	s3 =	rddreg [dreg:$0x2];
	[bflag:$0x3] =	sbarrier.arrive $0xFFFF;
	s2 =	simm.s32 @!p0 $0x1C07  }
0x1a9: {  	[timem:s3], [sflag:s2] =	dma.local @!p0 [hbm:s0], s1  }
0x1aa: {  	s0 =	simm.s32 @!p0 $0x7  }
0x1ab: {  	_ =	swait.ge @!p0 [sflag:s0], s1  }
0x1ac: {  	s1 =	ssub.s32 @!p0 $0x0, s1;
	[sflag:s0] =	ssyncset.done @!p0 $0x0  }
0x1ad: {  	[sflag:s0] =	ssyncadd.s32 @!p0 s1  }
0x1ae: {  	[bflag:$0x3] =	sbarrier.arrive $0xFFFF  }
0x1af: {  	_ =	shalt  }

</sc_bundles>
